<compile_context>
chip_gen: v7x
topology: tpu7x:2x2x1
jax: 0.10.2.dev20260603
libtpu: 0.0.44.dev20260713+nightly
codegen_flags: <defaults>
</compile_context>

<pallas_src>
import functools

import jax
import jax.numpy as jnp
from jax import lax
from jax.experimental import pallas as pl
from jax.experimental.pallas import tpu as pltpu
from jax.experimental.pallas import tpu_sc as plsc

N = 10000
D = 128
E = 320000
NC = 2
NS = 16
NW = NC * NS
EPT = E // NW
CH = 80
NCH = EPT // CH
NP = 10112
RPT = NP // NS

_mesh = plsc.VectorSubcoreMesh(
    core_axis_name="c", subcore_axis_name="s", num_cores=NC, num_subcores=NS)


@functools.partial(
    pl.kernel,
    out_type=jax.ShapeDtypeStruct((NC, NP, 16), jnp.float32),
    mesh=_mesh,
    scratch_types=[
        pltpu.VMEM((NCH, CH), jnp.int32),
        pltpu.VMEM((CH, 16), jnp.float32),
        pltpu.VMEM_SHARED((NP, 16), jnp.float32),
    ],
)
def _sc_degree(dst_hbm, out_hbm, dst_v, e0_v, acc_sh):
    c = lax.axis_index("c")
    s = lax.axis_index("s")
    wid = c * NS + s
    pltpu.sync_copy(dst_hbm.at[wid], dst_v)

    zero16 = jnp.zeros((16,), jnp.float32)

    def _zrow(i, carry):
        e0_v[i, :] = zero16
        return carry

    lax.fori_loop(0, CH, _zrow, 0)
    for k in range(RPT // 64):
        pltpu.sync_copy(e0_v.at[pl.ds(0, 64)],
                        acc_sh.at[pl.ds(s * RPT + k * 64, 64)])
    if RPT % 64:
        pltpu.sync_copy(e0_v.at[pl.ds(0, RPT % 64)],
                        acc_sh.at[pl.ds(s * RPT + (RPT // 64) * 64,
                                        RPT % 64)])

    e0 = jnp.where(lax.iota(jnp.int32, 16) == 0,
                   jnp.float32(1.0), jnp.float32(0.0))

    def _frow(i, carry):
        e0_v[i, :] = e0
        return carry

    lax.fori_loop(0, CH, _frow, 0)
    plsc.subcore_barrier()

    def _step(j, carry):
        pltpu.sync_copy(e0_v, acc_sh.at[dst_v.at[j]], add=True)
        return carry

    lax.fori_loop(0, NCH, _step, 0)
    plsc.subcore_barrier()
    pltpu.sync_copy(acc_sh.at[pl.ds(s * RPT, RPT)],
                    out_hbm.at[c, pl.ds(s * RPT, RPT)])


@functools.partial(
    pl.kernel,
    out_type=jax.ShapeDtypeStruct((NC, NP, D), jnp.float32),
    mesh=_mesh,
    scratch_types=[
        pltpu.VMEM((EPT,), jnp.int32),
        pltpu.VMEM((NCH, CH), jnp.int32),
        pltpu.VMEM((CH, D), jnp.float32),
        pltpu.VMEM((CH, D), jnp.float32),
        pltpu.VMEM_SHARED((NP, D), jnp.float32),
        pltpu.SemaphoreType.DMA,
        pltpu.SemaphoreType.DMA,
    ],
)
def _sc_aggregate(h_hbm, src_hbm, dst_hbm, out_hbm,
                  src_v, dst_v, rows_a, rows_b, acc_sh, gsem, hsem):
    c = lax.axis_index("c")
    s = lax.axis_index("s")
    wid = c * NS + s
    pltpu.sync_copy(src_hbm.at[wid], src_v)
    pltpu.sync_copy(dst_hbm.at[wid], dst_v)

    zero16 = jnp.zeros((16,), jnp.float32)

    def _zrow(i, carry):
        for jj in range(D // 16):
            rows_a[i, pl.ds(jj * 16, 16)] = zero16
        return carry

    lax.fori_loop(0, CH, _zrow, 0)
    for k in range(RPT // 64):
        pltpu.sync_copy(rows_a.at[pl.ds(0, 64)],
                        acc_sh.at[pl.ds(s * RPT + k * 64, 64)])
    if RPT % 64:
        pltpu.sync_copy(rows_a.at[pl.ds(0, RPT % 64)],
                        acc_sh.at[pl.ds(s * RPT + (RPT // 64) * 64,
                                        RPT % 64)])
    plsc.subcore_barrier()

    def _sidx(j):
        return src_v.at[pl.ds(j * CH, CH)]

    pltpu.async_copy(h_hbm.at[_sidx(0)], rows_a, gsem)

    def _pair(j2, carry):
        ja = 2 * j2
        jb = ja + 1
        pltpu.make_async_copy(h_hbm.at[_sidx(ja)], rows_a, gsem).wait()
        pltpu.async_copy(h_hbm.at[_sidx(jb)], rows_b, hsem)
        pltpu.sync_copy(rows_a, acc_sh.at[dst_v.at[ja]], add=True)
        pltpu.make_async_copy(h_hbm.at[_sidx(jb)], rows_b, hsem).wait()
        pltpu.async_copy(h_hbm.at[_sidx(ja + 2)], rows_a, gsem)
        pltpu.sync_copy(rows_b, acc_sh.at[dst_v.at[jb]], add=True)
        return carry

    lax.fori_loop(0, NCH // 2, _pair, 0)
    pltpu.make_async_copy(h_hbm.at[_sidx(0)], rows_a, gsem).wait()
    pltpu.sync_copy(rows_a, acc_sh.at[dst_v.at[NCH - 1]], add=True)
    plsc.subcore_barrier()
    pltpu.sync_copy(acc_sh.at[pl.ds(s * RPT, RPT)],
                    out_hbm.at[c, pl.ds(s * RPT, RPT)])


def _tc_first_body(deg_ref, x_ref, w_ref, p_ref, h_ref):
    deg = deg_ref[0, 0:N, 0:1] + deg_ref[1, 0:N, 0:1] + 1.0
    p = lax.rsqrt(deg)
    p_ref[...] = p
    h_ref[...] = jnp.dot(x_ref[...] * p, w_ref[...],
                         preferred_element_type=jnp.float32)


_tc_first = pl.pallas_call(
    _tc_first_body,
    out_shape=(jax.ShapeDtypeStruct((N, 1), jnp.float32),
               jax.ShapeDtypeStruct((N, D), jnp.float32)),
)


def _tc_mid_body(part_ref, h_ref, p_ref, b_ref, w_ref, out_ref):
    p = p_ref[...]
    t = jnp.maximum(
        p * (part_ref[0, 0:N, :] + part_ref[1, 0:N, :] + h_ref[...])
        + b_ref[...], 0.0)
    out_ref[...] = jnp.dot(t * p, w_ref[...],
                           preferred_element_type=jnp.float32)


_tc_mid = pl.pallas_call(
    _tc_mid_body,
    out_shape=jax.ShapeDtypeStruct((N, D), jnp.float32),
)


def _tc_final_body(part_ref, h_ref, p_ref, b_ref, wa_ref, wb_ref,
                   bf1_ref, wf2_ref, bf2_ref, out_ref):
    p = p_ref[...]
    h = jnp.maximum(
        p * (part_ref[0, 0:N, :] + part_ref[1, 0:N, :] + h_ref[...])
        + b_ref[...], 0.0)
    m = jnp.sum(h, axis=0, keepdims=True) / N
    mx = jnp.max(h, axis=0, keepdims=True)
    g = jnp.maximum(
        jnp.dot(m, wa_ref[...], preferred_element_type=jnp.float32)
        + jnp.dot(mx, wb_ref[...], preferred_element_type=jnp.float32)
        + bf1_ref[...], 0.0)
    out_ref[...] = (jnp.dot(g, wf2_ref[...], preferred_element_type=jnp.float32)
                    + bf2_ref[...])


_tc_final = pl.pallas_call(
    _tc_final_body,
    out_shape=jax.ShapeDtypeStruct((1, 1), jnp.float32),
)


def kernel(x, edge_index, W1, b1, W2, b2, W3, b3, Wf1, bf1, Wf2, bf2):
    ei = edge_index.astype(jnp.int32)
    src_r = ei[0].reshape(NW, EPT)
    dst_r = ei[1].reshape(NW, NCH, CH)

    deg_parts = _sc_degree(dst_r)
    p, h1 = _tc_first(deg_parts, x, W1)
    part = _sc_aggregate(h1, src_r, dst_r)
    h2 = _tc_mid(part, h1, p, b1.reshape(1, D), W2)
    part = _sc_aggregate(h2, src_r, dst_r)
    h3 = _tc_mid(part, h2, p, b2.reshape(1, D), W3)
    part = _sc_aggregate(h3, src_r, dst_r)
    out = _tc_final(part, h3, p, b3.reshape(1, D),
                    Wf1[:D], Wf1[D:], bf1.reshape(1, D),
                    Wf2, bf2.reshape(1, 1))
    return out

# --- scband reference (transcript-rebuilt; emitter-appended) ---
"""Pipeline reference for scband-critic-network-47012712022392 (READ-ONLY COPY).

The authoritative reference and input builder live on the scoring server;
editing this copy changes nothing except your own understanding.
"""

import jax, jax.numpy as jnp
import numpy as np

N_NODES = 10000
D_IN = 128
D_HID = 128


def gcn_conv(x, edge_index, W, b):
    num_nodes = x.shape[0]
    src = edge_index[0]
    dst = edge_index[1]
    loop = jnp.arange(num_nodes, dtype=src.dtype)
    src = jnp.concatenate([src, loop])
    dst = jnp.concatenate([dst, loop])
    deg = jax.ops.segment_sum(jnp.ones(src.shape[0], dtype=x.dtype), dst, num_segments=num_nodes)
    dinv = jnp.where(deg > 0, 1.0 / jnp.sqrt(deg), 0.0)
    norm = dinv[src] * dinv[dst]
    h = x @ W
    msgs = h[src] * norm[:, None]
    out = jax.ops.segment_sum(msgs, dst, num_segments=num_nodes)
    return out + b


def setup_inputs(seed: int = 0) -> dict:
    key = jax.random.key(seed)
    ks = jax.random.split(key, 12)
    x = jax.random.normal(ks[0], (N_NODES, D_IN), dtype=jnp.float32)
    edge_index = jax.random.randint(ks[1], (2, 320000), 0, N_NODES).astype(jnp.int64)
    s = 0.05
    W1 = jax.random.normal(ks[2], (D_IN, D_HID), dtype=jnp.float32) * s
    b1 = jnp.zeros((D_HID,), dtype=jnp.float32)
    W2 = jax.random.normal(ks[3], (D_HID, D_HID), dtype=jnp.float32) * s
    b2 = jnp.zeros((D_HID,), dtype=jnp.float32)
    W3 = jax.random.normal(ks[4], (D_HID, D_HID), dtype=jnp.float32) * s
    b3 = jnp.zeros((D_HID,), dtype=jnp.float32)
    Wf1 = jax.random.normal(ks[5], (2 * D_HID, D_HID), dtype=jnp.float32) * s
    bf1 = jnp.zeros((D_HID,), dtype=jnp.float32)
    Wf2 = jax.random.normal(ks[6], (D_HID, 1), dtype=jnp.float32) * s
    bf2 = jnp.zeros((1,), dtype=jnp.float32)
    return {"x": x, "edge_index": edge_index, "W1": W1, "b1": b1, "W2": W2, "b2": b2,
            "W3": W3, "b3": b3, "Wf1": Wf1, "bf1": bf1, "Wf2": Wf2, "bf2": bf2}


def reference(x, edge_index, W1, b1, W2, b2, W3, b3, Wf1, bf1, Wf2, bf2):
    h = jax.nn.relu(gcn_conv(x, edge_index, W1, b1))
    h = jax.nn.relu(gcn_conv(h, edge_index, W2, b2))
    h = jax.nn.relu(gcn_conv(h, edge_index, W3, b3))
    x1 = jnp.mean(h, axis=0, keepdims=True)
    x2 = jnp.max(h, axis=0, keepdims=True)
    g = jnp.concatenate([x1, x2], axis=1)
    g = jax.nn.relu(g @ Wf1 + bf1)
    out = g @ Wf2 + bf2
    return out

if __name__ == "__main__":
    import jax
    _d = setup_inputs()
    print(jax.jit(kernel)(*tuple(_d.values())))

</pallas_src>

<mosaic_0001>
#map = affine_map<(d0, d1) -> (0, 0)>
#map1 = affine_map<(d0, d1) -> (0, 0, 0)>
module attributes {stable_mosaic.version = 14 : i64} {
  func.func @_sc_aggregate(%arg0: i32, %arg1: i32, %arg2: memref<10000x128xf32, #tpu.memory_space<hbm>>, %arg3: memref<32x10000xi32, #tpu.memory_space<hbm>>, %arg4: memref<32x125x80xi32, #tpu.memory_space<hbm>>, %arg5: memref<2x10112x128xf32, #tpu.memory_space<hbm>>, %arg6: memref<10000xi32, #tpu.memory_space<vmem>>, %arg7: memref<125x80xi32, #tpu.memory_space<vmem>>, %arg8: memref<80x128xf32, #tpu.memory_space<vmem>>, %arg9: memref<80x128xf32, #tpu.memory_space<vmem>>, %arg10: memref<10112x128xf32, #tpu.memory_space<vmem_shared>>, %arg11: memref<!tpu.dma_semaphore, #tpu.memory_space<semaphore_mem>>, %arg12: memref<!tpu.dma_semaphore, #tpu.memory_space<semaphore_mem>>) attributes {dimension_semantics = [#tpu.dimension_semantics<core_parallel>, #tpu.dimension_semantics<subcore_parallel>], iteration_bounds = array<i64: 2, 16>, scalar_prefetch = 0 : i64, scratch_operands = 7 : i64, tpu.core_type = #tpu.core_type<sc_vector_subcore>, window_params = [{transform_indices = #map}, {transform_indices = #map}, {transform_indices = #map1}, {transform_indices = #map1}]} {
    %mul3A = arith.constant 16 : i32
    %mul3A_0 = arith.muli %arg0, %mul3A : i32
    %add3A = arith.addi %mul3A_0, %arg1 : i32
    "tpu.region"() ({
      %run_scoped3A_66 = tpu.sem_alloc : memref<!tpu.dma_semaphore, #tpu.memory_space<semaphore_mem>>
      %dma_start3A_67 = arith.constant 0 : i32
      %dma_start3A_68 = tpu.memref_slice %arg3[%add3A, %dma_start3A_67] : memref<32x10000xi32, #tpu.memory_space<hbm>> -> memref<1x10000xi32, #tpu.memory_space<hbm>>
      %dma_start3A_69 = tpu.memref_squeeze %dma_start3A_68 : memref<1x10000xi32, #tpu.memory_space<hbm>> -> memref<10000xi32, #tpu.memory_space<hbm>>
      %dma_start3A_70 = arith.constant 0 : i32
      %dma_start3A_71 = tpu.memref_slice %arg3[%add3A, %dma_start3A_70] : memref<32x10000xi32, #tpu.memory_space<hbm>> -> memref<1x10000xi32, #tpu.memory_space<hbm>>
      %dma_start3A_72 = tpu.memref_squeeze %dma_start3A_71 : memref<1x10000xi32, #tpu.memory_space<hbm>> -> memref<10000xi32, #tpu.memory_space<hbm>>
      tpu.enqueue_dma source(%dma_start3A_72 : memref<10000xi32, #tpu.memory_space<hbm>>) target(%arg6 : memref<10000xi32, #tpu.memory_space<vmem>>) target_semaphore(%run_scoped3A_66 : memref<!tpu.dma_semaphore, #tpu.memory_space<semaphore_mem>>)
      %dma_wait3A_73 = arith.constant 0 : i32
      %dma_wait3A_74 = tpu.memref_slice %arg3[%add3A, %dma_wait3A_73] : memref<32x10000xi32, #tpu.memory_space<hbm>> -> memref<1x10000xi32, #tpu.memory_space<hbm>>
      %dma_wait3A_75 = tpu.memref_squeeze %dma_wait3A_74 : memref<1x10000xi32, #tpu.memory_space<hbm>> -> memref<10000xi32, #tpu.memory_space<hbm>>
      %dma_wait3A_76 = arith.constant 0 : i32
      %dma_wait3A_77 = tpu.memref_slice %arg3[%add3A, %dma_wait3A_76] : memref<32x10000xi32, #tpu.memory_space<hbm>> -> memref<1x10000xi32, #tpu.memory_space<hbm>>
      %dma_wait3A_78 = tpu.memref_squeeze %dma_wait3A_77 : memref<1x10000xi32, #tpu.memory_space<hbm>> -> memref<10000xi32, #tpu.memory_space<hbm>>
      tpu.wait_dma2 semaphore(%run_scoped3A_66 : memref<!tpu.dma_semaphore, #tpu.memory_space<semaphore_mem>>) src(%dma_wait3A_78 : memref<10000xi32, #tpu.memory_space<hbm>>) dst(%arg6 : memref<10000xi32, #tpu.memory_space<vmem>>)
      tpu.yield
    }) : () -> ()
    "tpu.region"() ({
      %run_scoped3A_66 = tpu.sem_alloc : memref<!tpu.dma_semaphore, #tpu.memory_space<semaphore_mem>>
      %dma_start3A_67 = arith.constant 0 : i32
      %dma_start3A_68 = arith.constant 0 : i32
      %dma_start3A_69 = tpu.memref_slice %arg4[%add3A, %dma_start3A_67, %dma_start3A_68] : memref<32x125x80xi32, #tpu.memory_space<hbm>> -> memref<1x125x80xi32, #tpu.memory_space<hbm>>
      %dma_start3A_70 = tpu.memref_squeeze %dma_start3A_69 : memref<1x125x80xi32, #tpu.memory_space<hbm>> -> memref<125x80xi32, #tpu.memory_space<hbm>>
      %dma_start3A_71 = arith.constant 0 : i32
      %dma_start3A_72 = arith.constant 0 : i32
      %dma_start3A_73 = tpu.memref_slice %arg4[%add3A, %dma_start3A_71, %dma_start3A_72] : memref<32x125x80xi32, #tpu.memory_space<hbm>> -> memref<1x125x80xi32, #tpu.memory_space<hbm>>
      %dma_start3A_74 = tpu.memref_squeeze %dma_start3A_73 : memref<1x125x80xi32, #tpu.memory_space<hbm>> -> memref<125x80xi32, #tpu.memory_space<hbm>>
      tpu.enqueue_dma source(%dma_start3A_74 : memref<125x80xi32, #tpu.memory_space<hbm>>) target(%arg7 : memref<125x80xi32, #tpu.memory_space<vmem>>) target_semaphore(%run_scoped3A_66 : memref<!tpu.dma_semaphore, #tpu.memory_space<semaphore_mem>>)
      %dma_wait3A_75 = arith.constant 0 : i32
      %dma_wait3A_76 = arith.constant 0 : i32
      %dma_wait3A_77 = tpu.memref_slice %arg4[%add3A, %dma_wait3A_75, %dma_wait3A_76] : memref<32x125x80xi32, #tpu.memory_space<hbm>> -> memref<1x125x80xi32, #tpu.memory_space<hbm>>
      %dma_wait3A_78 = tpu.memref_squeeze %dma_wait3A_77 : memref<1x125x80xi32, #tpu.memory_space<hbm>> -> memref<125x80xi32, #tpu.memory_space<hbm>>
      %dma_wait3A_79 = arith.constant 0 : i32
      %dma_wait3A_80 = arith.constant 0 : i32
      %dma_wait3A_81 = tpu.memref_slice %arg4[%add3A, %dma_wait3A_79, %dma_wait3A_80] : memref<32x125x80xi32, #tpu.memory_space<hbm>> -> memref<1x125x80xi32, #tpu.memory_space<hbm>>
      %dma_wait3A_82 = tpu.memref_squeeze %dma_wait3A_81 : memref<1x125x80xi32, #tpu.memory_space<hbm>> -> memref<125x80xi32, #tpu.memory_space<hbm>>
      tpu.wait_dma2 semaphore(%run_scoped3A_66 : memref<!tpu.dma_semaphore, #tpu.memory_space<semaphore_mem>>) src(%dma_wait3A_82 : memref<125x80xi32, #tpu.memory_space<hbm>>) dst(%arg7 : memref<125x80xi32, #tpu.memory_space<vmem>>)
      tpu.yield
    }) : () -> ()
    %broadcast_in_dim3A = arith.constant 0.000000e+00 : f32
    %broadcast_in_dim3A_1 = vector.broadcast %broadcast_in_dim3A : f32 to vector<16xf32>
    %scan3A = arith.constant 0 : i32
    %scan3A_2 = arith.constant 0 : i32
    %scan3A_3 = arith.constant 80 : i32
    %scan3A_4 = arith.addi %scan3A_2, %scan3A_3 : i32
    %scan3A_5 = arith.constant 1 : i32
    scf.for %scan3A_66 = %scan3A_2 to %scan3A_4 step %scan3A_5  : i32 {
      %swap3A = arith.index_cast %scan3A_66 : i32 to index
      %swap3A_67 = arith.constant 0 : index
      %swap3A_68 = tpu.vector_load %arg8[%swap3A, %swap3A_67] {strides = array<i32>} : memref<80x128xf32, #tpu.memory_space<vmem>>, vector<1x16xf32>,
      %swap3A_69 = vector.shape_cast %swap3A_68 : vector<1x16xf32> to vector<16xf32>
      %swap3A_70 = vector.shape_cast %broadcast_in_dim3A_1 : vector<16xf32> to vector<1x16xf32>
      tpu.vector_store %arg8[%swap3A, %swap3A_67], %swap3A_70 {strides = array<i32>} : memref<80x128xf32, #tpu.memory_space<vmem>>, vector<1x16xf32>,
      %swap3A_71 = arith.index_cast %scan3A_66 : i32 to index
      %swap3A_72 = arith.constant 16 : index
      %swap3A_73 = tpu.vector_load %arg8[%swap3A_71, %swap3A_72] {strides = array<i32>} : memref<80x128xf32, #tpu.memory_space<vmem>>, vector<1x16xf32>,
      %swap3A_74 = vector.shape_cast %swap3A_73 : vector<1x16xf32> to vector<16xf32>
      %swap3A_75 = vector.shape_cast %broadcast_in_dim3A_1 : vector<16xf32> to vector<1x16xf32>
      tpu.vector_store %arg8[%swap3A_71, %swap3A_72], %swap3A_75 {strides = array<i32>} : memref<80x128xf32, #tpu.memory_space<vmem>>, vector<1x16xf32>,
      %swap3A_76 = arith.index_cast %scan3A_66 : i32 to index
      %swap3A_77 = arith.constant 32 : index
      %swap3A_78 = tpu.vector_load %arg8[%swap3A_76, %swap3A_77] {strides = array<i32>} : memref<80x128xf32, #tpu.memory_space<vmem>>, vector<1x16xf32>,
      %swap3A_79 = vector.shape_cast %swap3A_78 : vector<1x16xf32> to vector<16xf32>
      %swap3A_80 = vector.shape_cast %broadcast_in_dim3A_1 : vector<16xf32> to vector<1x16xf32>
      tpu.vector_store %arg8[%swap3A_76, %swap3A_77], %swap3A_80 {strides = array<i32>} : memref<80x128xf32, #tpu.memory_space<vmem>>, vector<1x16xf32>,
      %swap3A_81 = arith.index_cast %scan3A_66 : i32 to index
      %swap3A_82 = arith.constant 48 : index
      %swap3A_83 = tpu.vector_load %arg8[%swap3A_81, %swap3A_82] {strides = array<i32>} : memref<80x128xf32, #tpu.memory_space<vmem>>, vector<1x16xf32>,
      %swap3A_84 = vector.shape_cast %swap3A_83 : vector<1x16xf32> to vector<16xf32>
      %swap3A_85 = vector.shape_cast %broadcast_in_dim3A_1 : vector<16xf32> to vector<1x16xf32>
      tpu.vector_store %arg8[%swap3A_81, %swap3A_82], %swap3A_85 {strides = array<i32>} : memref<80x128xf32, #tpu.memory_space<vmem>>, vector<1x16xf32>,
      %swap3A_86 = arith.index_cast %scan3A_66 : i32 to index
      %swap3A_87 = arith.constant 64 : index
      %swap3A_88 = tpu.vector_load %arg8[%swap3A_86, %swap3A_87] {strides = array<i32>} : memref<80x128xf32, #tpu.memory_space<vmem>>, vector<1x16xf32>,
      %swap3A_89 = vector.shape_cast %swap3A_88 : vector<1x16xf32> to vector<16xf32>
      %swap3A_90 = vector.shape_cast %broadcast_in_dim3A_1 : vector<16xf32> to vector<1x16xf32>
      tpu.vector_store %arg8[%swap3A_86, %swap3A_87], %swap3A_90 {strides = array<i32>} : memref<80x128xf32, #tpu.memory_space<vmem>>, vector<1x16xf32>,
      %swap3A_91 = arith.index_cast %scan3A_66 : i32 to index
      %swap3A_92 = arith.constant 80 : index
      %swap3A_93 = tpu.vector_load %arg8[%swap3A_91, %swap3A_92] {strides = array<i32>} : memref<80x128xf32, #tpu.memory_space<vmem>>, vector<1x16xf32>,
      %swap3A_94 = vector.shape_cast %swap3A_93 : vector<1x16xf32> to vector<16xf32>
      %swap3A_95 = vector.shape_cast %broadcast_in_dim3A_1 : vector<16xf32> to vector<1x16xf32>
      tpu.vector_store %arg8[%swap3A_91, %swap3A_92], %swap3A_95 {strides = array<i32>} : memref<80x128xf32, #tpu.memory_space<vmem>>, vector<1x16xf32>,
      %swap3A_96 = arith.index_cast %scan3A_66 : i32 to index
      %swap3A_97 = arith.constant 96 : index
      %swap3A_98 = tpu.vector_load %arg8[%swap3A_96, %swap3A_97] {strides = array<i32>} : memref<80x128xf32, #tpu.memory_space<vmem>>, vector<1x16xf32>,
      %swap3A_99 = vector.shape_cast %swap3A_98 : vector<1x16xf32> to vector<16xf32>
      %swap3A_100 = vector.shape_cast %broadcast_in_dim3A_1 : vector<16xf32> to vector<1x16xf32>
      tpu.vector_store %arg8[%swap3A_96, %swap3A_97], %swap3A_100 {strides = array<i32>} : memref<80x128xf32, #tpu.memory_space<vmem>>, vector<1x16xf32>,
      %swap3A_101 = arith.index_cast %scan3A_66 : i32 to index
      %swap3A_102 = arith.constant 112 : index
      %swap3A_103 = tpu.vector_load %arg8[%swap3A_101, %swap3A_102] {strides = array<i32>} : memref<80x128xf32, #tpu.memory_space<vmem>>, vector<1x16xf32>,
      %swap3A_104 = vector.shape_cast %swap3A_103 : vector<1x16xf32> to vector<16xf32>
      %swap3A_105 = vector.shape_cast %broadcast_in_dim3A_1 : vector<16xf32> to vector<1x16xf32>
      tpu.vector_store %arg8[%swap3A_101, %swap3A_102], %swap3A_105 {strides = array<i32>} : memref<80x128xf32, #tpu.memory_space<vmem>>, vector<1x16xf32>,
    }
    %scan3A_6 = arith.constant 80 : i32
    %mul3A_7 = arith.constant 632 : i32
    %mul3A_8 = arith.muli %arg1, %mul3A_7 : i32
    %add3A_9 = arith.constant 0 : i32
    %add3A_10 = arith.addi %mul3A_8, %add3A_9 : i32
    "tpu.region"() ({
      %run_scoped3A_66 = tpu.sem_alloc : memref<!tpu.dma_semaphore, #tpu.memory_space<semaphore_mem>>
      %dma_start3A_67 = arith.constant 0 : i32
      %dma_start3A_68 = arith.constant 0 : i32
      %dma_start3A_69 = tpu.memref_slice %arg8[%dma_start3A_67, %dma_start3A_68] : memref<80x128xf32, #tpu.memory_space<vmem>> -> memref<64x128xf32, #tpu.memory_space<vmem>>
      %dma_start3A_70 = arith.constant 0 : i32
      %dma_start3A_71 = tpu.memref_slice %arg10[%add3A_10, %dma_start3A_70] : memref<10112x128xf32, #tpu.memory_space<vmem_shared>> -> memref<64x128xf32, #tpu.memory_space<vmem_shared>>
      %dma_start3A_72 = arith.constant 0 : i32
      %dma_start3A_73 = tpu.memref_slice %arg10[%add3A_10, %dma_start3A_72] : memref<10112x128xf32, #tpu.memory_space<vmem_shared>> -> memref<64x128xf32, #tpu.memory_space<vmem_shared>>
      %dma_start3A_74 = arith.constant 0 : i32
      %dma_start3A_75 = arith.constant 0 : i32
      %dma_start3A_76 = tpu.memref_slice %arg8[%dma_start3A_74, %dma_start3A_75] : memref<80x128xf32, #tpu.memory_space<vmem>> -> memref<64x128xf32, #tpu.memory_space<vmem>>
      tpu.enqueue_dma source(%dma_start3A_76 : memref<64x128xf32, #tpu.memory_space<vmem>>) target(%dma_start3A_73 : memref<64x128xf32, #tpu.memory_space<vmem_shared>>) target_semaphore(%run_scoped3A_66 : memref<!tpu.dma_semaphore, #tpu.memory_space<semaphore_mem>>)
      %dma_wait3A_77 = arith.constant 0 : i32
      %dma_wait3A_78 = arith.constant 0 : i32
      %dma_wait3A_79 = tpu.memref_slice %arg8[%dma_wait3A_77, %dma_wait3A_78] : memref<80x128xf32, #tpu.memory_space<vmem>> -> memref<64x128xf32, #tpu.memory_space<vmem>>
      %dma_wait3A_80 = arith.constant 0 : i32
      %dma_wait3A_81 = tpu.memref_slice %arg10[%add3A_10, %dma_wait3A_80] : memref<10112x128xf32, #tpu.memory_space<vmem_shared>> -> memref<64x128xf32, #tpu.memory_space<vmem_shared>>
      %dma_wait3A_82 = arith.constant 0 : i32
      %dma_wait3A_83 = tpu.memref_slice %arg10[%add3A_10, %dma_wait3A_82] : memref<10112x128xf32, #tpu.memory_space<vmem_shared>> -> memref<64x128xf32, #tpu.memory_space<vmem_shared>>
      %dma_wait3A_84 = arith.constant 0 : i32
      %dma_wait3A_85 = arith.constant 0 : i32
      %dma_wait3A_86 = tpu.memref_slice %arg8[%dma_wait3A_84, %dma_wait3A_85] : memref<80x128xf32, #tpu.memory_space<vmem>> -> memref<64x128xf32, #tpu.memory_space<vmem>>
      tpu.wait_dma2 semaphore(%run_scoped3A_66 : memref<!tpu.dma_semaphore, #tpu.memory_space<semaphore_mem>>) src(%dma_wait3A_86 : memref<64x128xf32, #tpu.memory_space<vmem>>) dst(%dma_wait3A_83 : memref<64x128xf32, #tpu.memory_space<vmem_shared>>)
      tpu.yield
    }) : () -> ()
    %mul3A_11 = arith.constant 632 : i32
    %mul3A_12 = arith.muli %arg1, %mul3A_11 : i32
    %add3A_13 = arith.constant 64 : i32
    %add3A_14 = arith.addi %mul3A_12, %add3A_13 : i32
    "tpu.region"() ({
      %run_scoped3A_66 = tpu.sem_alloc : memref<!tpu.dma_semaphore, #tpu.memory_space<semaphore_mem>>
      %dma_start3A_67 = arith.constant 0 : i32
      %dma_start3A_68 = arith.constant 0 : i32
      %dma_start3A_69 = tpu.memref_slice %arg8[%dma_start3A_67, %dma_start3A_68] : memref<80x128xf32, #tpu.memory_space<vmem>> -> memref<64x128xf32, #tpu.memory_space<vmem>>
      %dma_start3A_70 = arith.constant 0 : i32
      %dma_start3A_71 = tpu.memref_slice %arg10[%add3A_14, %dma_start3A_70] : memref<10112x128xf32, #tpu.memory_space<vmem_shared>> -> memref<64x128xf32, #tpu.memory_space<vmem_shared>>
      %dma_start3A_72 = arith.constant 0 : i32
      %dma_start3A_73 = tpu.memref_slice %arg10[%add3A_14, %dma_start3A_72] : memref<10112x128xf32, #tpu.memory_space<vmem_shared>> -> memref<64x128xf32, #tpu.memory_space<vmem_shared>>
      %dma_start3A_74 = arith.constant 0 : i32
      %dma_start3A_75 = arith.constant 0 : i32
      %dma_start3A_76 = tpu.memref_slice %arg8[%dma_start3A_74, %dma_start3A_75] : memref<80x128xf32, #tpu.memory_space<vmem>> -> memref<64x128xf32, #tpu.memory_space<vmem>>
      tpu.enqueue_dma source(%dma_start3A_76 : memref<64x128xf32, #tpu.memory_space<vmem>>) target(%dma_start3A_73 : memref<64x128xf32, #tpu.memory_space<vmem_shared>>) target_semaphore(%run_scoped3A_66 : memref<!tpu.dma_semaphore, #tpu.memory_space<semaphore_mem>>)
      %dma_wait3A_77 = arith.constant 0 : i32
      %dma_wait3A_78 = arith.constant 0 : i32
      %dma_wait3A_79 = tpu.memref_slice %arg8[%dma_wait3A_77, %dma_wait3A_78] : memref<80x128xf32, #tpu.memory_space<vmem>> -> memref<64x128xf32, #tpu.memory_space<vmem>>
      %dma_wait3A_80 = arith.constant 0 : i32
      %dma_wait3A_81 = tpu.memref_slice %arg10[%add3A_14, %dma_wait3A_80] : memref<10112x128xf32, #tpu.memory_space<vmem_shared>> -> memref<64x128xf32, #tpu.memory_space<vmem_shared>>
      %dma_wait3A_82 = arith.constant 0 : i32
      %dma_wait3A_83 = tpu.memref_slice %arg10[%add3A_14, %dma_wait3A_82] : memref<10112x128xf32, #tpu.memory_space<vmem_shared>> -> memref<64x128xf32, #tpu.memory_space<vmem_shared>>
      %dma_wait3A_84 = arith.constant 0 : i32
      %dma_wait3A_85 = arith.constant 0 : i32
      %dma_wait3A_86 = tpu.memref_slice %arg8[%dma_wait3A_84, %dma_wait3A_85] : memref<80x128xf32, #tpu.memory_space<vmem>> -> memref<64x128xf32, #tpu.memory_space<vmem>>
      tpu.wait_dma2 semaphore(%run_scoped3A_66 : memref<!tpu.dma_semaphore, #tpu.memory_space<semaphore_mem>>) src(%dma_wait3A_86 : memref<64x128xf32, #tpu.memory_space<vmem>>) dst(%dma_wait3A_83 : memref<64x128xf32, #tpu.memory_space<vmem_shared>>)
      tpu.yield
    }) : () -> ()
    %mul3A_15 = arith.constant 632 : i32
    %mul3A_16 = arith.muli %arg1, %mul3A_15 : i32
    %add3A_17 = arith.constant 128 : i32
    %add3A_18 = arith.addi %mul3A_16, %add3A_17 : i32
    "tpu.region"() ({
      %run_scoped3A_66 = tpu.sem_alloc : memref<!tpu.dma_semaphore, #tpu.memory_space<semaphore_mem>>
      %dma_start3A_67 = arith.constant 0 : i32
      %dma_start3A_68 = arith.constant 0 : i32
      %dma_start3A_69 = tpu.memref_slice %arg8[%dma_start3A_67, %dma_start3A_68] : memref<80x128xf32, #tpu.memory_space<vmem>> -> memref<64x128xf32, #tpu.memory_space<vmem>>
      %dma_start3A_70 = arith.constant 0 : i32
      %dma_start3A_71 = tpu.memref_slice %arg10[%add3A_18, %dma_start3A_70] : memref<10112x128xf32, #tpu.memory_space<vmem_shared>> -> memref<64x128xf32, #tpu.memory_space<vmem_shared>>
      %dma_start3A_72 = arith.constant 0 : i32
      %dma_start3A_73 = tpu.memref_slice %arg10[%add3A_18, %dma_start3A_72] : memref<10112x128xf32, #tpu.memory_space<vmem_shared>> -> memref<64x128xf32, #tpu.memory_space<vmem_shared>>
      %dma_start3A_74 = arith.constant 0 : i32
      %dma_start3A_75 = arith.constant 0 : i32
      %dma_start3A_76 = tpu.memref_slice %arg8[%dma_start3A_74, %dma_start3A_75] : memref<80x128xf32, #tpu.memory_space<vmem>> -> memref<64x128xf32, #tpu.memory_space<vmem>>
      tpu.enqueue_dma source(%dma_start3A_76 : memref<64x128xf32, #tpu.memory_space<vmem>>) target(%dma_start3A_73 : memref<64x128xf32, #tpu.memory_space<vmem_shared>>) target_semaphore(%run_scoped3A_66 : memref<!tpu.dma_semaphore, #tpu.memory_space<semaphore_mem>>)
      %dma_wait3A_77 = arith.constant 0 : i32
      %dma_wait3A_78 = arith.constant 0 : i32
      %dma_wait3A_79 = tpu.memref_slice %arg8[%dma_wait3A_77, %dma_wait3A_78] : memref<80x128xf32, #tpu.memory_space<vmem>> -> memref<64x128xf32, #tpu.memory_space<vmem>>
      %dma_wait3A_80 = arith.constant 0 : i32
      %dma_wait3A_81 = tpu.memref_slice %arg10[%add3A_18, %dma_wait3A_80] : memref<10112x128xf32, #tpu.memory_space<vmem_shared>> -> memref<64x128xf32, #tpu.memory_space<vmem_shared>>
      %dma_wait3A_82 = arith.constant 0 : i32
      %dma_wait3A_83 = tpu.memref_slice %arg10[%add3A_18, %dma_wait3A_82] : memref<10112x128xf32, #tpu.memory_space<vmem_shared>> -> memref<64x128xf32, #tpu.memory_space<vmem_shared>>
      %dma_wait3A_84 = arith.constant 0 : i32
      %dma_wait3A_85 = arith.constant 0 : i32
      %dma_wait3A_86 = tpu.memref_slice %arg8[%dma_wait3A_84, %dma_wait3A_85] : memref<80x128xf32, #tpu.memory_space<vmem>> -> memref<64x128xf32, #tpu.memory_space<vmem>>
      tpu.wait_dma2 semaphore(%run_scoped3A_66 : memref<!tpu.dma_semaphore, #tpu.memory_space<semaphore_mem>>) src(%dma_wait3A_86 : memref<64x128xf32, #tpu.memory_space<vmem>>) dst(%dma_wait3A_83 : memref<64x128xf32, #tpu.memory_space<vmem_shared>>)
      tpu.yield
    }) : () -> ()
    %mul3A_19 = arith.constant 632 : i32
    %mul3A_20 = arith.muli %arg1, %mul3A_19 : i32
    %add3A_21 = arith.constant 192 : i32
    %add3A_22 = arith.addi %mul3A_20, %add3A_21 : i32
    "tpu.region"() ({
      %run_scoped3A_66 = tpu.sem_alloc : memref<!tpu.dma_semaphore, #tpu.memory_space<semaphore_mem>>
      %dma_start3A_67 = arith.constant 0 : i32
      %dma_start3A_68 = arith.constant 0 : i32
      %dma_start3A_69 = tpu.memref_slice %arg8[%dma_start3A_67, %dma_start3A_68] : memref<80x128xf32, #tpu.memory_space<vmem>> -> memref<64x128xf32, #tpu.memory_space<vmem>>
      %dma_start3A_70 = arith.constant 0 : i32
      %dma_start3A_71 = tpu.memref_slice %arg10[%add3A_22, %dma_start3A_70] : memref<10112x128xf32, #tpu.memory_space<vmem_shared>> -> memref<64x128xf32, #tpu.memory_space<vmem_shared>>
      %dma_start3A_72 = arith.constant 0 : i32
      %dma_start3A_73 = tpu.memref_slice %arg10[%add3A_22, %dma_start3A_72] : memref<10112x128xf32, #tpu.memory_space<vmem_shared>> -> memref<64x128xf32, #tpu.memory_space<vmem_shared>>
      %dma_start3A_74 = arith.constant 0 : i32
      %dma_start3A_75 = arith.constant 0 : i32
      %dma_start3A_76 = tpu.memref_slice %arg8[%dma_start3A_74, %dma_start3A_75] : memref<80x128xf32, #tpu.memory_space<vmem>> -> memref<64x128xf32, #tpu.memory_space<vmem>>
      tpu.enqueue_dma source(%dma_start3A_76 : memref<64x128xf32, #tpu.memory_space<vmem>>) target(%dma_start3A_73 : memref<64x128xf32, #tpu.memory_space<vmem_shared>>) target_semaphore(%run_scoped3A_66 : memref<!tpu.dma_semaphore, #tpu.memory_space<semaphore_mem>>)
      %dma_wait3A_77 = arith.constant 0 : i32
      %dma_wait3A_78 = arith.constant 0 : i32
      %dma_wait3A_79 = tpu.memref_slice %arg8[%dma_wait3A_77, %dma_wait3A_78] : memref<80x128xf32, #tpu.memory_space<vmem>> -> memref<64x128xf32, #tpu.memory_space<vmem>>
      %dma_wait3A_80 = arith.constant 0 : i32
      %dma_wait3A_81 = tpu.memref_slice %arg10[%add3A_22, %dma_wait3A_80] : memref<10112x128xf32, #tpu.memory_space<vmem_shared>> -> memref<64x128xf32, #tpu.memory_space<vmem_shared>>
      %dma_wait3A_82 = arith.constant 0 : i32
      %dma_wait3A_83 = tpu.memref_slice %arg10[%add3A_22, %dma_wait3A_82] : memref<10112x128xf32, #tpu.memory_space<vmem_shared>> -> memref<64x128xf32, #tpu.memory_space<vmem_shared>>
      %dma_wait3A_84 = arith.constant 0 : i32
      %dma_wait3A_85 = arith.constant 0 : i32
      %dma_wait3A_86 = tpu.memref_slice %arg8[%dma_wait3A_84, %dma_wait3A_85] : memref<80x128xf32, #tpu.memory_space<vmem>> -> memref<64x128xf32, #tpu.memory_space<vmem>>
      tpu.wait_dma2 semaphore(%run_scoped3A_66 : memref<!tpu.dma_semaphore, #tpu.memory_space<semaphore_mem>>) src(%dma_wait3A_86 : memref<64x128xf32, #tpu.memory_space<vmem>>) dst(%dma_wait3A_83 : memref<64x128xf32, #tpu.memory_space<vmem_shared>>)
      tpu.yield
    }) : () -> ()
    %mul3A_23 = arith.constant 632 : i32
    %mul3A_24 = arith.muli %arg1, %mul3A_23 : i32
    %add3A_25 = arith.constant 256 : i32
    %add3A_26 = arith.addi %mul3A_24, %add3A_25 : i32
    "tpu.region"() ({
      %run_scoped3A_66 = tpu.sem_alloc : memref<!tpu.dma_semaphore, #tpu.memory_space<semaphore_mem>>
      %dma_start3A_67 = arith.constant 0 : i32
      %dma_start3A_68 = arith.constant 0 : i32
      %dma_start3A_69 = tpu.memref_slice %arg8[%dma_start3A_67, %dma_start3A_68] : memref<80x128xf32, #tpu.memory_space<vmem>> -> memref<64x128xf32, #tpu.memory_space<vmem>>
      %dma_start3A_70 = arith.constant 0 : i32
      %dma_start3A_71 = tpu.memref_slice %arg10[%add3A_26, %dma_start3A_70] : memref<10112x128xf32, #tpu.memory_space<vmem_shared>> -> memref<64x128xf32, #tpu.memory_space<vmem_shared>>
      %dma_start3A_72 = arith.constant 0 : i32
      %dma_start3A_73 = tpu.memref_slice %arg10[%add3A_26, %dma_start3A_72] : memref<10112x128xf32, #tpu.memory_space<vmem_shared>> -> memref<64x128xf32, #tpu.memory_space<vmem_shared>>
      %dma_start3A_74 = arith.constant 0 : i32
      %dma_start3A_75 = arith.constant 0 : i32
      %dma_start3A_76 = tpu.memref_slice %arg8[%dma_start3A_74, %dma_start3A_75] : memref<80x128xf32, #tpu.memory_space<vmem>> -> memref<64x128xf32, #tpu.memory_space<vmem>>
      tpu.enqueue_dma source(%dma_start3A_76 : memref<64x128xf32, #tpu.memory_space<vmem>>) target(%dma_start3A_73 : memref<64x128xf32, #tpu.memory_space<vmem_shared>>) target_semaphore(%run_scoped3A_66 : memref<!tpu.dma_semaphore, #tpu.memory_space<semaphore_mem>>)
      %dma_wait3A_77 = arith.constant 0 : i32
      %dma_wait3A_78 = arith.constant 0 : i32
      %dma_wait3A_79 = tpu.memref_slice %arg8[%dma_wait3A_77, %dma_wait3A_78] : memref<80x128xf32, #tpu.memory_space<vmem>> -> memref<64x128xf32, #tpu.memory_space<vmem>>
      %dma_wait3A_80 = arith.constant 0 : i32
      %dma_wait3A_81 = tpu.memref_slice %arg10[%add3A_26, %dma_wait3A_80] : memref<10112x128xf32, #tpu.memory_space<vmem_shared>> -> memref<64x128xf32, #tpu.memory_space<vmem_shared>>
      %dma_wait3A_82 = arith.constant 0 : i32
      %dma_wait3A_83 = tpu.memref_slice %arg10[%add3A_26, %dma_wait3A_82] : memref<10112x128xf32, #tpu.memory_space<vmem_shared>> -> memref<64x128xf32, #tpu.memory_space<vmem_shared>>
      %dma_wait3A_84 = arith.constant 0 : i32
      %dma_wait3A_85 = arith.constant 0 : i32
      %dma_wait3A_86 = tpu.memref_slice %arg8[%dma_wait3A_84, %dma_wait3A_85] : memref<80x128xf32, #tpu.memory_space<vmem>> -> memref<64x128xf32, #tpu.memory_space<vmem>>
      tpu.wait_dma2 semaphore(%run_scoped3A_66 : memref<!tpu.dma_semaphore, #tpu.memory_space<semaphore_mem>>) src(%dma_wait3A_86 : memref<64x128xf32, #tpu.memory_space<vmem>>) dst(%dma_wait3A_83 : memref<64x128xf32, #tpu.memory_space<vmem_shared>>)
      tpu.yield
    }) : () -> ()
    %mul3A_27 = arith.constant 632 : i32
    %mul3A_28 = arith.muli %arg1, %mul3A_27 : i32
    %add3A_29 = arith.constant 320 : i32
    %add3A_30 = arith.addi %mul3A_28, %add3A_29 : i32
    "tpu.region"() ({
      %run_scoped3A_66 = tpu.sem_alloc : memref<!tpu.dma_semaphore, #tpu.memory_space<semaphore_mem>>
      %dma_start3A_67 = arith.constant 0 : i32
      %dma_start3A_68 = arith.constant 0 : i32
      %dma_start3A_69 = tpu.memref_slice %arg8[%dma_start3A_67, %dma_start3A_68] : memref<80x128xf32, #tpu.memory_space<vmem>> -> memref<64x128xf32, #tpu.memory_space<vmem>>
      %dma_start3A_70 = arith.constant 0 : i32
      %dma_start3A_71 = tpu.memref_slice %arg10[%add3A_30, %dma_start3A_70] : memref<10112x128xf32, #tpu.memory_space<vmem_shared>> -> memref<64x128xf32, #tpu.memory_space<vmem_shared>>
      %dma_start3A_72 = arith.constant 0 : i32
      %dma_start3A_73 = tpu.memref_slice %arg10[%add3A_30, %dma_start3A_72] : memref<10112x128xf32, #tpu.memory_space<vmem_shared>> -> memref<64x128xf32, #tpu.memory_space<vmem_shared>>
      %dma_start3A_74 = arith.constant 0 : i32
      %dma_start3A_75 = arith.constant 0 : i32
      %dma_start3A_76 = tpu.memref_slice %arg8[%dma_start3A_74, %dma_start3A_75] : memref<80x128xf32, #tpu.memory_space<vmem>> -> memref<64x128xf32, #tpu.memory_space<vmem>>
      tpu.enqueue_dma source(%dma_start3A_76 : memref<64x128xf32, #tpu.memory_space<vmem>>) target(%dma_start3A_73 : memref<64x128xf32, #tpu.memory_space<vmem_shared>>) target_semaphore(%run_scoped3A_66 : memref<!tpu.dma_semaphore, #tpu.memory_space<semaphore_mem>>)
      %dma_wait3A_77 = arith.constant 0 : i32
      %dma_wait3A_78 = arith.constant 0 : i32
      %dma_wait3A_79 = tpu.memref_slice %arg8[%dma_wait3A_77, %dma_wait3A_78] : memref<80x128xf32, #tpu.memory_space<vmem>> -> memref<64x128xf32, #tpu.memory_space<vmem>>
      %dma_wait3A_80 = arith.constant 0 : i32
      %dma_wait3A_81 = tpu.memref_slice %arg10[%add3A_30, %dma_wait3A_80] : memref<10112x128xf32, #tpu.memory_space<vmem_shared>> -> memref<64x128xf32, #tpu.memory_space<vmem_shared>>
      %dma_wait3A_82 = arith.constant 0 : i32
      %dma_wait3A_83 = tpu.memref_slice %arg10[%add3A_30, %dma_wait3A_82] : memref<10112x128xf32, #tpu.memory_space<vmem_shared>> -> memref<64x128xf32, #tpu.memory_space<vmem_shared>>
      %dma_wait3A_84 = arith.constant 0 : i32
      %dma_wait3A_85 = arith.constant 0 : i32
      %dma_wait3A_86 = tpu.memref_slice %arg8[%dma_wait3A_84, %dma_wait3A_85] : memref<80x128xf32, #tpu.memory_space<vmem>> -> memref<64x128xf32, #tpu.memory_space<vmem>>
      tpu.wait_dma2 semaphore(%run_scoped3A_66 : memref<!tpu.dma_semaphore, #tpu.memory_space<semaphore_mem>>) src(%dma_wait3A_86 : memref<64x128xf32, #tpu.memory_space<vmem>>) dst(%dma_wait3A_83 : memref<64x128xf32, #tpu.memory_space<vmem_shared>>)
      tpu.yield
    }) : () -> ()
    %mul3A_31 = arith.constant 632 : i32
    %mul3A_32 = arith.muli %arg1, %mul3A_31 : i32
    %add3A_33 = arith.constant 384 : i32
    %add3A_34 = arith.addi %mul3A_32, %add3A_33 : i32
    "tpu.region"() ({
      %run_scoped3A_66 = tpu.sem_alloc : memref<!tpu.dma_semaphore, #tpu.memory_space<semaphore_mem>>
      %dma_start3A_67 = arith.constant 0 : i32
      %dma_start3A_68 = arith.constant 0 : i32
      %dma_start3A_69 = tpu.memref_slice %arg8[%dma_start3A_67, %dma_start3A_68] : memref<80x128xf32, #tpu.memory_space<vmem>> -> memref<64x128xf32, #tpu.memory_space<vmem>>
      %dma_start3A_70 = arith.constant 0 : i32
      %dma_start3A_71 = tpu.memref_slice %arg10[%add3A_34, %dma_start3A_70] : memref<10112x128xf32, #tpu.memory_space<vmem_shared>> -> memref<64x128xf32, #tpu.memory_space<vmem_shared>>
      %dma_start3A_72 = arith.constant 0 : i32
      %dma_start3A_73 = tpu.memref_slice %arg10[%add3A_34, %dma_start3A_72] : memref<10112x128xf32, #tpu.memory_space<vmem_shared>> -> memref<64x128xf32, #tpu.memory_space<vmem_shared>>
      %dma_start3A_74 = arith.constant 0 : i32
      %dma_start3A_75 = arith.constant 0 : i32
      %dma_start3A_76 = tpu.memref_slice %arg8[%dma_start3A_74, %dma_start3A_75] : memref<80x128xf32, #tpu.memory_space<vmem>> -> memref<64x128xf32, #tpu.memory_space<vmem>>
      tpu.enqueue_dma source(%dma_start3A_76 : memref<64x128xf32, #tpu.memory_space<vmem>>) target(%dma_start3A_73 : memref<64x128xf32, #tpu.memory_space<vmem_shared>>) target_semaphore(%run_scoped3A_66 : memref<!tpu.dma_semaphore, #tpu.memory_space<semaphore_mem>>)
      %dma_wait3A_77 = arith.constant 0 : i32
      %dma_wait3A_78 = arith.constant 0 : i32
      %dma_wait3A_79 = tpu.memref_slice %arg8[%dma_wait3A_77, %dma_wait3A_78] : memref<80x128xf32, #tpu.memory_space<vmem>> -> memref<64x128xf32, #tpu.memory_space<vmem>>
      %dma_wait3A_80 = arith.constant 0 : i32
      %dma_wait3A_81 = tpu.memref_slice %arg10[%add3A_34, %dma_wait3A_80] : memref<10112x128xf32, #tpu.memory_space<vmem_shared>> -> memref<64x128xf32, #tpu.memory_space<vmem_shared>>
      %dma_wait3A_82 = arith.constant 0 : i32
      %dma_wait3A_83 = tpu.memref_slice %arg10[%add3A_34, %dma_wait3A_82] : memref<10112x128xf32, #tpu.memory_space<vmem_shared>> -> memref<64x128xf32, #tpu.memory_space<vmem_shared>>
      %dma_wait3A_84 = arith.constant 0 : i32
      %dma_wait3A_85 = arith.constant 0 : i32
      %dma_wait3A_86 = tpu.memref_slice %arg8[%dma_wait3A_84, %dma_wait3A_85] : memref<80x128xf32, #tpu.memory_space<vmem>> -> memref<64x128xf32, #tpu.memory_space<vmem>>
      tpu.wait_dma2 semaphore(%run_scoped3A_66 : memref<!tpu.dma_semaphore, #tpu.memory_space<semaphore_mem>>) src(%dma_wait3A_86 : memref<64x128xf32, #tpu.memory_space<vmem>>) dst(%dma_wait3A_83 : memref<64x128xf32, #tpu.memory_space<vmem_shared>>)
      tpu.yield
    }) : () -> ()
    %mul3A_35 = arith.constant 632 : i32
    %mul3A_36 = arith.muli %arg1, %mul3A_35 : i32
    %add3A_37 = arith.constant 448 : i32
    %add3A_38 = arith.addi %mul3A_36, %add3A_37 : i32
    "tpu.region"() ({
      %run_scoped3A_66 = tpu.sem_alloc : memref<!tpu.dma_semaphore, #tpu.memory_space<semaphore_mem>>
      %dma_start3A_67 = arith.constant 0 : i32
      %dma_start3A_68 = arith.constant 0 : i32
      %dma_start3A_69 = tpu.memref_slice %arg8[%dma_start3A_67, %dma_start3A_68] : memref<80x128xf32, #tpu.memory_space<vmem>> -> memref<64x128xf32, #tpu.memory_space<vmem>>
      %dma_start3A_70 = arith.constant 0 : i32
      %dma_start3A_71 = tpu.memref_slice %arg10[%add3A_38, %dma_start3A_70] : memref<10112x128xf32, #tpu.memory_space<vmem_shared>> -> memref<64x128xf32, #tpu.memory_space<vmem_shared>>
      %dma_start3A_72 = arith.constant 0 : i32
      %dma_start3A_73 = tpu.memref_slice %arg10[%add3A_38, %dma_start3A_72] : memref<10112x128xf32, #tpu.memory_space<vmem_shared>> -> memref<64x128xf32, #tpu.memory_space<vmem_shared>>
      %dma_start3A_74 = arith.constant 0 : i32
      %dma_start3A_75 = arith.constant 0 : i32
      %dma_start3A_76 = tpu.memref_slice %arg8[%dma_start3A_74, %dma_start3A_75] : memref<80x128xf32, #tpu.memory_space<vmem>> -> memref<64x128xf32, #tpu.memory_space<vmem>>
      tpu.enqueue_dma source(%dma_start3A_76 : memref<64x128xf32, #tpu.memory_space<vmem>>) target(%dma_start3A_73 : memref<64x128xf32, #tpu.memory_space<vmem_shared>>) target_semaphore(%run_scoped3A_66 : memref<!tpu.dma_semaphore, #tpu.memory_space<semaphore_mem>>)
      %dma_wait3A_77 = arith.constant 0 : i32
      %dma_wait3A_78 = arith.constant 0 : i32
      %dma_wait3A_79 = tpu.memref_slice %arg8[%dma_wait3A_77, %dma_wait3A_78] : memref<80x128xf32, #tpu.memory_space<vmem>> -> memref<64x128xf32, #tpu.memory_space<vmem>>
      %dma_wait3A_80 = arith.constant 0 : i32
      %dma_wait3A_81 = tpu.memref_slice %arg10[%add3A_38, %dma_wait3A_80] : memref<10112x128xf32, #tpu.memory_space<vmem_shared>> -> memref<64x128xf32, #tpu.memory_space<vmem_shared>>
      %dma_wait3A_82 = arith.constant 0 : i32
      %dma_wait3A_83 = tpu.memref_slice %arg10[%add3A_38, %dma_wait3A_82] : memref<10112x128xf32, #tpu.memory_space<vmem_shared>> -> memref<64x128xf32, #tpu.memory_space<vmem_shared>>
      %dma_wait3A_84 = arith.constant 0 : i32
      %dma_wait3A_85 = arith.constant 0 : i32
      %dma_wait3A_86 = tpu.memref_slice %arg8[%dma_wait3A_84, %dma_wait3A_85] : memref<80x128xf32, #tpu.memory_space<vmem>> -> memref<64x128xf32, #tpu.memory_space<vmem>>
      tpu.wait_dma2 semaphore(%run_scoped3A_66 : memref<!tpu.dma_semaphore, #tpu.memory_space<semaphore_mem>>) src(%dma_wait3A_86 : memref<64x128xf32, #tpu.memory_space<vmem>>) dst(%dma_wait3A_83 : memref<64x128xf32, #tpu.memory_space<vmem_shared>>)
      tpu.yield
    }) : () -> ()
    %mul3A_39 = arith.constant 632 : i32
    %mul3A_40 = arith.muli %arg1, %mul3A_39 : i32
    %add3A_41 = arith.constant 512 : i32
    %add3A_42 = arith.addi %mul3A_40, %add3A_41 : i32
    "tpu.region"() ({
      %run_scoped3A_66 = tpu.sem_alloc : memref<!tpu.dma_semaphore, #tpu.memory_space<semaphore_mem>>
      %dma_start3A_67 = arith.constant 0 : i32
      %dma_start3A_68 = arith.constant 0 : i32
      %dma_start3A_69 = tpu.memref_slice %arg8[%dma_start3A_67, %dma_start3A_68] : memref<80x128xf32, #tpu.memory_space<vmem>> -> memref<64x128xf32, #tpu.memory_space<vmem>>
      %dma_start3A_70 = arith.constant 0 : i32
      %dma_start3A_71 = tpu.memref_slice %arg10[%add3A_42, %dma_start3A_70] : memref<10112x128xf32, #tpu.memory_space<vmem_shared>> -> memref<64x128xf32, #tpu.memory_space<vmem_shared>>
      %dma_start3A_72 = arith.constant 0 : i32
      %dma_start3A_73 = tpu.memref_slice %arg10[%add3A_42, %dma_start3A_72] : memref<10112x128xf32, #tpu.memory_space<vmem_shared>> -> memref<64x128xf32, #tpu.memory_space<vmem_shared>>
      %dma_start3A_74 = arith.constant 0 : i32
      %dma_start3A_75 = arith.constant 0 : i32
      %dma_start3A_76 = tpu.memref_slice %arg8[%dma_start3A_74, %dma_start3A_75] : memref<80x128xf32, #tpu.memory_space<vmem>> -> memref<64x128xf32, #tpu.memory_space<vmem>>
      tpu.enqueue_dma source(%dma_start3A_76 : memref<64x128xf32, #tpu.memory_space<vmem>>) target(%dma_start3A_73 : memref<64x128xf32, #tpu.memory_space<vmem_shared>>) target_semaphore(%run_scoped3A_66 : memref<!tpu.dma_semaphore, #tpu.memory_space<semaphore_mem>>)
      %dma_wait3A_77 = arith.constant 0 : i32
      %dma_wait3A_78 = arith.constant 0 : i32
      %dma_wait3A_79 = tpu.memref_slice %arg8[%dma_wait3A_77, %dma_wait3A_78] : memref<80x128xf32, #tpu.memory_space<vmem>> -> memref<64x128xf32, #tpu.memory_space<vmem>>
      %dma_wait3A_80 = arith.constant 0 : i32
      %dma_wait3A_81 = tpu.memref_slice %arg10[%add3A_42, %dma_wait3A_80] : memref<10112x128xf32, #tpu.memory_space<vmem_shared>> -> memref<64x128xf32, #tpu.memory_space<vmem_shared>>
      %dma_wait3A_82 = arith.constant 0 : i32
      %dma_wait3A_83 = tpu.memref_slice %arg10[%add3A_42, %dma_wait3A_82] : memref<10112x128xf32, #tpu.memory_space<vmem_shared>> -> memref<64x128xf32, #tpu.memory_space<vmem_shared>>
      %dma_wait3A_84 = arith.constant 0 : i32
      %dma_wait3A_85 = arith.constant 0 : i32
      %dma_wait3A_86 = tpu.memref_slice %arg8[%dma_wait3A_84, %dma_wait3A_85] : memref<80x128xf32, #tpu.memory_space<vmem>> -> memref<64x128xf32, #tpu.memory_space<vmem>>
      tpu.wait_dma2 semaphore(%run_scoped3A_66 : memref<!tpu.dma_semaphore, #tpu.memory_space<semaphore_mem>>) src(%dma_wait3A_86 : memref<64x128xf32, #tpu.memory_space<vmem>>) dst(%dma_wait3A_83 : memref<64x128xf32, #tpu.memory_space<vmem_shared>>)
      tpu.yield
    }) : () -> ()
    %mul3A_43 = arith.constant 632 : i32
    %mul3A_44 = arith.muli %arg1, %mul3A_43 : i32
    %add3A_45 = arith.constant 576 : i32
    %add3A_46 = arith.addi %mul3A_44, %add3A_45 : i32
    "tpu.region"() ({
      %run_scoped3A_66 = tpu.sem_alloc : memref<!tpu.dma_semaphore, #tpu.memory_space<semaphore_mem>>
      %dma_start3A_67 = arith.constant 0 : i32
      %dma_start3A_68 = arith.constant 0 : i32
      %dma_start3A_69 = tpu.memref_slice %arg8[%dma_start3A_67, %dma_start3A_68] : memref<80x128xf32, #tpu.memory_space<vmem>> -> memref<56x128xf32, #tpu.memory_space<vmem>>
      %dma_start3A_70 = arith.constant 0 : i32
      %dma_start3A_71 = tpu.memref_slice %arg10[%add3A_46, %dma_start3A_70] : memref<10112x128xf32, #tpu.memory_space<vmem_shared>> -> memref<56x128xf32, #tpu.memory_space<vmem_shared>>
      %dma_start3A_72 = arith.constant 0 : i32
      %dma_start3A_73 = tpu.memref_slice %arg10[%add3A_46, %dma_start3A_72] : memref<10112x128xf32, #tpu.memory_space<vmem_shared>> -> memref<56x128xf32, #tpu.memory_space<vmem_shared>>
      %dma_start3A_74 = arith.constant 0 : i32
      %dma_start3A_75 = arith.constant 0 : i32
      %dma_start3A_76 = tpu.memref_slice %arg8[%dma_start3A_74, %dma_start3A_75] : memref<80x128xf32, #tpu.memory_space<vmem>> -> memref<56x128xf32, #tpu.memory_space<vmem>>
      tpu.enqueue_dma source(%dma_start3A_76 : memref<56x128xf32, #tpu.memory_space<vmem>>) target(%dma_start3A_73 : memref<56x128xf32, #tpu.memory_space<vmem_shared>>) target_semaphore(%run_scoped3A_66 : memref<!tpu.dma_semaphore, #tpu.memory_space<semaphore_mem>>)
      %dma_wait3A_77 = arith.constant 0 : i32
      %dma_wait3A_78 = arith.constant 0 : i32
      %dma_wait3A_79 = tpu.memref_slice %arg8[%dma_wait3A_77, %dma_wait3A_78] : memref<80x128xf32, #tpu.memory_space<vmem>> -> memref<56x128xf32, #tpu.memory_space<vmem>>
      %dma_wait3A_80 = arith.constant 0 : i32
      %dma_wait3A_81 = tpu.memref_slice %arg10[%add3A_46, %dma_wait3A_80] : memref<10112x128xf32, #tpu.memory_space<vmem_shared>> -> memref<56x128xf32, #tpu.memory_space<vmem_shared>>
      %dma_wait3A_82 = arith.constant 0 : i32
      %dma_wait3A_83 = tpu.memref_slice %arg10[%add3A_46, %dma_wait3A_82] : memref<10112x128xf32, #tpu.memory_space<vmem_shared>> -> memref<56x128xf32, #tpu.memory_space<vmem_shared>>
      %dma_wait3A_84 = arith.constant 0 : i32
      %dma_wait3A_85 = arith.constant 0 : i32
      %dma_wait3A_86 = tpu.memref_slice %arg8[%dma_wait3A_84, %dma_wait3A_85] : memref<80x128xf32, #tpu.memory_space<vmem>> -> memref<56x128xf32, #tpu.memory_space<vmem>>
      tpu.wait_dma2 semaphore(%run_scoped3A_66 : memref<!tpu.dma_semaphore, #tpu.memory_space<semaphore_mem>>) src(%dma_wait3A_86 : memref<56x128xf32, #tpu.memory_space<vmem>>) dst(%dma_wait3A_83 : memref<56x128xf32, #tpu.memory_space<vmem_shared>>)
      tpu.yield
    }) : () -> ()
    %barrier3A = arith.constant 0 : index
    tpu.barrier barrier_id(%barrier3A)
    %dma_start3A = arith.constant 0 : i32
    %dma_start3A_47 = tpu.memref_slice %arg6[%dma_start3A] : memref<10000xi32, #tpu.memory_space<vmem>> -> memref<80xi32, #tpu.memory_space<vmem>>
    %dma_start3A_48 = arith.constant 0 : i32
    %dma_start3A_49 = arith.constant 0 : i32
    %dma_start3A_50 = tpu.memref_slice %arg2[%dma_start3A_48, %dma_start3A_49] : memref<10000x128xf32, #tpu.memory_space<hbm>> -> memref<10000x128xf32, #tpu.memory_space<hbm>>
    tpu.enqueue_indirect_dma source(%dma_start3A_50 : memref<10000x128xf32, #tpu.memory_space<hbm>>) target(%arg8 : memref<80x128xf32, #tpu.memory_space<vmem>>) offsets(%dma_start3A_47 : memref<80xi32, #tpu.memory_space<vmem>>) semaphore(%arg11 : memref<!tpu.dma_semaphore, #tpu.memory_space<semaphore_mem>>)
    %scan3A_51 = arith.constant 0 : i32
    %scan3A_52 = arith.constant 0 : i32
    %scan3A_53 = arith.constant 62 : i32
    %scan3A_54 = arith.addi %scan3A_52, %scan3A_53 : i32
    %scan3A_55 = arith.constant 1 : i32
    scf.for %scan3A_66 = %scan3A_52 to %scan3A_54 step %scan3A_55  : i32 {
      %mul3A_67 = arith.constant 2 : i32
      %mul3A_68 = arith.muli %mul3A_67, %scan3A_66 : i32
      %add3A_69 = arith.constant 1 : i32
      %add3A_70 = arith.addi %mul3A_68, %add3A_69 : i32
      %mul3A_71 = arith.constant 80 : i32
      %mul3A_72 = arith.muli %mul3A_68, %mul3A_71 : i32
      %dma_wait3A_73 = tpu.memref_slice %arg6[%mul3A_72] : memref<10000xi32, #tpu.memory_space<vmem>> -> memref<80xi32, #tpu.memory_space<vmem>>
      %dma_wait3A_74 = arith.constant 0 : i32
      %dma_wait3A_75 = arith.constant 0 : i32
      %dma_wait3A_76 = tpu.memref_slice %arg2[%dma_wait3A_74, %dma_wait3A_75] : memref<10000x128xf32, #tpu.memory_space<hbm>> -> memref<10000x128xf32, #tpu.memory_space<hbm>>
      tpu.wait_indirect_dma semaphore(%arg11 : memref<!tpu.dma_semaphore, #tpu.memory_space<semaphore_mem>>) src(%dma_wait3A_76 : memref<10000x128xf32, #tpu.memory_space<hbm>>) dst(%arg8 : memref<80x128xf32, #tpu.memory_space<vmem>>)
      %mul3A_77 = arith.constant 80 : i32
      %mul3A_78 = arith.muli %add3A_70, %mul3A_77 : i32
      %dma_start3A_79 = tpu.memref_slice %arg6[%mul3A_78] : memref<10000xi32, #tpu.memory_space<vmem>> -> memref<80xi32, #tpu.memory_space<vmem>>
      %dma_start3A_80 = arith.constant 0 : i32
      %dma_start3A_81 = arith.constant 0 : i32
      %dma_start3A_82 = tpu.memref_slice %arg2[%dma_start3A_80, %dma_start3A_81] : memref<10000x128xf32, #tpu.memory_space<hbm>> -> memref<10000x128xf32, #tpu.memory_space<hbm>>
      tpu.enqueue_indirect_dma source(%dma_start3A_82 : memref<10000x128xf32, #tpu.memory_space<hbm>>) target(%arg9 : memref<80x128xf32, #tpu.memory_space<vmem>>) offsets(%dma_start3A_79 : memref<80xi32, #tpu.memory_space<vmem>>) semaphore(%arg12 : memref<!tpu.dma_semaphore, #tpu.memory_space<semaphore_mem>>)
      "tpu.region"() ({
        %run_scoped3A_97 = tpu.sem_alloc : memref<!tpu.dma_semaphore, #tpu.memory_space<semaphore_mem>>
        %dma_start3A_98 = arith.constant 0 : i32
        %dma_start3A_99 = tpu.memref_slice %arg7[%mul3A_68, %dma_start3A_98] : memref<125x80xi32, #tpu.memory_space<vmem>> -> memref<1x80xi32, #tpu.memory_space<vmem>>
        %dma_start3A_100 = tpu.memref_squeeze %dma_start3A_99 : memref<1x80xi32, #tpu.memory_space<vmem>> -> memref<80xi32, #tpu.memory_space<vmem>>
        %dma_start3A_101 = arith.constant 0 : i32
        %dma_start3A_102 = arith.constant 0 : i32
        %dma_start3A_103 = tpu.memref_slice %arg10[%dma_start3A_101, %dma_start3A_102] : memref<10112x128xf32, #tpu.memory_space<vmem_shared>> -> memref<10112x128xf32, #tpu.memory_space<vmem_shared>>
        tpu.enqueue_indirect_dma source(%arg8 : memref<80x128xf32, #tpu.memory_space<vmem>>) target(%dma_start3A_103 : memref<10112x128xf32, #tpu.memory_space<vmem_shared>>) offsets(%dma_start3A_100 : memref<80xi32, #tpu.memory_space<vmem>>) semaphore(%run_scoped3A_97 : memref<!tpu.dma_semaphore, #tpu.memory_space<semaphore_mem>>) {add = true}
        %dma_wait3A_104 = arith.constant 0 : i32
        %dma_wait3A_105 = tpu.memref_slice %arg7[%mul3A_68, %dma_wait3A_104] : memref<125x80xi32, #tpu.memory_space<vmem>> -> memref<1x80xi32, #tpu.memory_space<vmem>>
        %dma_wait3A_106 = tpu.memref_squeeze %dma_wait3A_105 : memref<1x80xi32, #tpu.memory_space<vmem>> -> memref<80xi32, #tpu.memory_space<vmem>>
        %dma_wait3A_107 = arith.constant 0 : i32
        %dma_wait3A_108 = arith.constant 0 : i32
        %dma_wait3A_109 = tpu.memref_slice %arg10[%dma_wait3A_107, %dma_wait3A_108] : memref<10112x128xf32, #tpu.memory_space<vmem_shared>> -> memref<10112x128xf32, #tpu.memory_space<vmem_shared>>
        tpu.wait_indirect_dma semaphore(%run_scoped3A_97 : memref<!tpu.dma_semaphore, #tpu.memory_space<semaphore_mem>>) src(%arg8 : memref<80x128xf32, #tpu.memory_space<vmem>>) dst(%dma_wait3A_109 : memref<10112x128xf32, #tpu.memory_space<vmem_shared>>)
        tpu.yield
      }) : () -> ()
      %mul3A_83 = arith.constant 80 : i32
      %mul3A_84 = arith.muli %add3A_70, %mul3A_83 : i32
      %dma_wait3A_85 = tpu.memref_slice %arg6[%mul3A_84] : memref<10000xi32, #tpu.memory_space<vmem>> -> memref<80xi32, #tpu.memory_space<vmem>>
      %dma_wait3A_86 = arith.constant 0 : i32
      %dma_wait3A_87 = arith.constant 0 : i32
      %dma_wait3A_88 = tpu.memref_slice %arg2[%dma_wait3A_86, %dma_wait3A_87] : memref<10000x128xf32, #tpu.memory_space<hbm>> -> memref<10000x128xf32, #tpu.memory_space<hbm>>
      tpu.wait_indirect_dma semaphore(%arg12 : memref<!tpu.dma_semaphore, #tpu.memory_space<semaphore_mem>>) src(%dma_wait3A_88 : memref<10000x128xf32, #tpu.memory_space<hbm>>) dst(%arg9 : memref<80x128xf32, #tpu.memory_space<vmem>>)
      %add3A_89 = arith.constant 2 : i32
      %add3A_90 = arith.addi %mul3A_68, %add3A_89 : i32
      %mul3A_91 = arith.constant 80 : i32
      %mul3A_92 = arith.muli %add3A_90, %mul3A_91 : i32
      %dma_start3A_93 = tpu.memref_slice %arg6[%mul3A_92] : memref<10000xi32, #tpu.memory_space<vmem>> -> memref<80xi32, #tpu.memory_space<vmem>>
      %dma_start3A_94 = arith.constant 0 : i32
      %dma_start3A_95 = arith.constant 0 : i32
      %dma_start3A_96 = tpu.memref_slice %arg2[%dma_start3A_94, %dma_start3A_95] : memref<10000x128xf32, #tpu.memory_space<hbm>> -> memref<10000x128xf32, #tpu.memory_space<hbm>>
      tpu.enqueue_indirect_dma source(%dma_start3A_96 : memref<10000x128xf32, #tpu.memory_space<hbm>>) target(%arg8 : memref<80x128xf32, #tpu.memory_space<vmem>>) offsets(%dma_start3A_93 : memref<80xi32, #tpu.memory_space<vmem>>) semaphore(%arg11 : memref<!tpu.dma_semaphore, #tpu.memory_space<semaphore_mem>>)
      "tpu.region"() ({
        %run_scoped3A_97 = tpu.sem_alloc : memref<!tpu.dma_semaphore, #tpu.memory_space<semaphore_mem>>
        %dma_start3A_98 = arith.constant 0 : i32
        %dma_start3A_99 = tpu.memref_slice %arg7[%add3A_70, %dma_start3A_98] : memref<125x80xi32, #tpu.memory_space<vmem>> -> memref<1x80xi32, #tpu.memory_space<vmem>>
        %dma_start3A_100 = tpu.memref_squeeze %dma_start3A_99 : memref<1x80xi32, #tpu.memory_space<vmem>> -> memref<80xi32, #tpu.memory_space<vmem>>
        %dma_start3A_101 = arith.constant 0 : i32
        %dma_start3A_102 = arith.constant 0 : i32
        %dma_start3A_103 = tpu.memref_slice %arg10[%dma_start3A_101, %dma_start3A_102] : memref<10112x128xf32, #tpu.memory_space<vmem_shared>> -> memref<10112x128xf32, #tpu.memory_space<vmem_shared>>
        tpu.enqueue_indirect_dma source(%arg9 : memref<80x128xf32, #tpu.memory_space<vmem>>) target(%dma_start3A_103 : memref<10112x128xf32, #tpu.memory_space<vmem_shared>>) offsets(%dma_start3A_100 : memref<80xi32, #tpu.memory_space<vmem>>) semaphore(%run_scoped3A_97 : memref<!tpu.dma_semaphore, #tpu.memory_space<semaphore_mem>>) {add = true}
        %dma_wait3A_104 = arith.constant 0 : i32
        %dma_wait3A_105 = tpu.memref_slice %arg7[%add3A_70, %dma_wait3A_104] : memref<125x80xi32, #tpu.memory_space<vmem>> -> memref<1x80xi32, #tpu.memory_space<vmem>>
        %dma_wait3A_106 = tpu.memref_squeeze %dma_wait3A_105 : memref<1x80xi32, #tpu.memory_space<vmem>> -> memref<80xi32, #tpu.memory_space<vmem>>
        %dma_wait3A_107 = arith.constant 0 : i32
        %dma_wait3A_108 = arith.constant 0 : i32
        %dma_wait3A_109 = tpu.memref_slice %arg10[%dma_wait3A_107, %dma_wait3A_108] : memref<10112x128xf32, #tpu.memory_space<vmem_shared>> -> memref<10112x128xf32, #tpu.memory_space<vmem_shared>>
        tpu.wait_indirect_dma semaphore(%run_scoped3A_97 : memref<!tpu.dma_semaphore, #tpu.memory_space<semaphore_mem>>) src(%arg9 : memref<80x128xf32, #tpu.memory_space<vmem>>) dst(%dma_wait3A_109 : memref<10112x128xf32, #tpu.memory_space<vmem_shared>>)
        tpu.yield
      }) : () -> ()
    }
    %scan3A_56 = arith.constant 62 : i32
    %dma_wait3A = arith.constant 0 : i32
    %dma_wait3A_57 = tpu.memref_slice %arg6[%dma_wait3A] : memref<10000xi32, #tpu.memory_space<vmem>> -> memref<80xi32, #tpu.memory_space<vmem>>
    %dma_wait3A_58 = arith.constant 0 : i32
    %dma_wait3A_59 = arith.constant 0 : i32
    %dma_wait3A_60 = tpu.memref_slice %arg2[%dma_wait3A_58, %dma_wait3A_59] : memref<10000x128xf32, #tpu.memory_space<hbm>> -> memref<10000x128xf32, #tpu.memory_space<hbm>>
    tpu.wait_indirect_dma semaphore(%arg11 : memref<!tpu.dma_semaphore, #tpu.memory_space<semaphore_mem>>) src(%dma_wait3A_60 : memref<10000x128xf32, #tpu.memory_space<hbm>>) dst(%arg8 : memref<80x128xf32, #tpu.memory_space<vmem>>)
    %run_scoped3A = arith.constant 124 : i32
    "tpu.region"() ({
      %run_scoped3A_66 = tpu.sem_alloc : memref<!tpu.dma_semaphore, #tpu.memory_space<semaphore_mem>>
      %dma_start3A_67 = arith.constant 0 : i32
      %dma_start3A_68 = tpu.memref_slice %arg7[%run_scoped3A, %dma_start3A_67] : memref<125x80xi32, #tpu.memory_space<vmem>> -> memref<1x80xi32, #tpu.memory_space<vmem>>
      %dma_start3A_69 = tpu.memref_squeeze %dma_start3A_68 : memref<1x80xi32, #tpu.memory_space<vmem>> -> memref<80xi32, #tpu.memory_space<vmem>>
      %dma_start3A_70 = arith.constant 0 : i32
      %dma_start3A_71 = arith.constant 0 : i32
      %dma_start3A_72 = tpu.memref_slice %arg10[%dma_start3A_70, %dma_start3A_71] : memref<10112x128xf32, #tpu.memory_space<vmem_shared>> -> memref<10112x128xf32, #tpu.memory_space<vmem_shared>>
      tpu.enqueue_indirect_dma source(%arg8 : memref<80x128xf32, #tpu.memory_space<vmem>>) target(%dma_start3A_72 : memref<10112x128xf32, #tpu.memory_space<vmem_shared>>) offsets(%dma_start3A_69 : memref<80xi32, #tpu.memory_space<vmem>>) semaphore(%run_scoped3A_66 : memref<!tpu.dma_semaphore, #tpu.memory_space<semaphore_mem>>) {add = true}
      %dma_wait3A_73 = arith.constant 0 : i32
      %dma_wait3A_74 = tpu.memref_slice %arg7[%run_scoped3A, %dma_wait3A_73] : memref<125x80xi32, #tpu.memory_space<vmem>> -> memref<1x80xi32, #tpu.memory_space<vmem>>
      %dma_wait3A_75 = tpu.memref_squeeze %dma_wait3A_74 : memref<1x80xi32, #tpu.memory_space<vmem>> -> memref<80xi32, #tpu.memory_space<vmem>>
      %dma_wait3A_76 = arith.constant 0 : i32
      %dma_wait3A_77 = arith.constant 0 : i32
      %dma_wait3A_78 = tpu.memref_slice %arg10[%dma_wait3A_76, %dma_wait3A_77] : memref<10112x128xf32, #tpu.memory_space<vmem_shared>> -> memref<10112x128xf32, #tpu.memory_space<vmem_shared>>
      tpu.wait_indirect_dma semaphore(%run_scoped3A_66 : memref<!tpu.dma_semaphore, #tpu.memory_space<semaphore_mem>>) src(%arg8 : memref<80x128xf32, #tpu.memory_space<vmem>>) dst(%dma_wait3A_78 : memref<10112x128xf32, #tpu.memory_space<vmem_shared>>)
      tpu.yield
    }) : () -> ()
    %barrier3A_61 = arith.constant 0 : index
    tpu.barrier barrier_id(%barrier3A_61)
    %mul3A_62 = arith.constant 632 : i32
    %mul3A_63 = arith.muli %arg1, %mul3A_62 : i32
    %mul3A_64 = arith.constant 632 : i32
    %mul3A_65 = arith.muli %arg1, %mul3A_64 : i32
    "tpu.region"() ({
      %run_scoped3A_66 = tpu.sem_alloc : memref<!tpu.dma_semaphore, #tpu.memory_space<semaphore_mem>>
      %dma_start3A_67 = arith.constant 0 : i32
      %dma_start3A_68 = tpu.memref_slice %arg5[%arg0, %mul3A_65, %dma_start3A_67] : memref<2x10112x128xf32, #tpu.memory_space<hbm>> -> memref<1x632x128xf32, #tpu.memory_space<hbm>>
      %dma_start3A_69 = tpu.memref_squeeze %dma_start3A_68 : memref<1x632x128xf32, #tpu.memory_space<hbm>> -> memref<632x128xf32, #tpu.memory_space<hbm>>
      %dma_start3A_70 = arith.constant 0 : i32
      %dma_start3A_71 = tpu.memref_slice %arg10[%mul3A_63, %dma_start3A_70] : memref<10112x128xf32, #tpu.memory_space<vmem_shared>> -> memref<632x128xf32, #tpu.memory_space<vmem_shared>>
      tpu.enqueue_dma source(%dma_start3A_71 : memref<632x128xf32, #tpu.memory_space<vmem_shared>>) target(%dma_start3A_69 : memref<632x128xf32, #tpu.memory_space<hbm>>) target_semaphore(%run_scoped3A_66 : memref<!tpu.dma_semaphore, #tpu.memory_space<semaphore_mem>>)
      %dma_wait3A_72 = arith.constant 0 : i32
      %dma_wait3A_73 = tpu.memref_slice %arg5[%arg0, %mul3A_65, %dma_wait3A_72] : memref<2x10112x128xf32, #tpu.memory_space<hbm>> -> memref<1x632x128xf32, #tpu.memory_space<hbm>>
      %dma_wait3A_74 = tpu.memref_squeeze %dma_wait3A_73 : memref<1x632x128xf32, #tpu.memory_space<hbm>> -> memref<632x128xf32, #tpu.memory_space<hbm>>
      %dma_wait3A_75 = arith.constant 0 : i32
      %dma_wait3A_76 = tpu.memref_slice %arg10[%mul3A_63, %dma_wait3A_75] : memref<10112x128xf32, #tpu.memory_space<vmem_shared>> -> memref<632x128xf32, #tpu.memory_space<vmem_shared>>
      tpu.wait_dma2 semaphore(%run_scoped3A_66 : memref<!tpu.dma_semaphore, #tpu.memory_space<semaphore_mem>>) src(%dma_wait3A_76 : memref<632x128xf32, #tpu.memory_space<vmem_shared>>) dst(%dma_wait3A_74 : memref<632x128xf32, #tpu.memory_space<hbm>>)
      tpu.yield
    }) : () -> ()
    return
  }
}

#map = affine_map<(d0, d1) -> (0, 0, 0)>
module attributes {stable_mosaic.version = 14 : i64} {
  func.func @_sc_degree(%arg0: i32, %arg1: i32, %arg2: memref<32x125x80xi32, #tpu.memory_space<hbm>>, %arg3: memref<2x10112x16xf32, #tpu.memory_space<hbm>>, %arg4: memref<125x80xi32, #tpu.memory_space<vmem>>, %arg5: memref<80x16xf32, #tpu.memory_space<vmem>>, %arg6: memref<10112x16xf32, #tpu.memory_space<vmem_shared>>) attributes {dimension_semantics = [#tpu.dimension_semantics<core_parallel>, #tpu.dimension_semantics<subcore_parallel>], iteration_bounds = array<i64: 2, 16>, scalar_prefetch = 0 : i64, scratch_operands = 3 : i64, tpu.core_type = #tpu.core_type<sc_vector_subcore>, window_params = [{transform_indices = #map}, {transform_indices = #map}]} {
    %mul3A = arith.constant 16 : i32
    %mul3A_0 = arith.muli %arg0, %mul3A : i32
    %add3A = arith.addi %mul3A_0, %arg1 : i32
    "tpu.region"() ({
      %run_scoped3A = tpu.sem_alloc : memref<!tpu.dma_semaphore, #tpu.memory_space<semaphore_mem>>
      %dma_start3A = arith.constant 0 : i32
      %dma_start3A_69 = arith.constant 0 : i32
      %dma_start3A_70 = tpu.memref_slice %arg2[%add3A, %dma_start3A, %dma_start3A_69] : memref<32x125x80xi32, #tpu.memory_space<hbm>> -> memref<1x125x80xi32, #tpu.memory_space<hbm>>
      %dma_start3A_71 = tpu.memref_squeeze %dma_start3A_70 : memref<1x125x80xi32, #tpu.memory_space<hbm>> -> memref<125x80xi32, #tpu.memory_space<hbm>>
      %dma_start3A_72 = arith.constant 0 : i32
      %dma_start3A_73 = arith.constant 0 : i32
      %dma_start3A_74 = tpu.memref_slice %arg2[%add3A, %dma_start3A_72, %dma_start3A_73] : memref<32x125x80xi32, #tpu.memory_space<hbm>> -> memref<1x125x80xi32, #tpu.memory_space<hbm>>
      %dma_start3A_75 = tpu.memref_squeeze %dma_start3A_74 : memref<1x125x80xi32, #tpu.memory_space<hbm>> -> memref<125x80xi32, #tpu.memory_space<hbm>>
      tpu.enqueue_dma source(%dma_start3A_75 : memref<125x80xi32, #tpu.memory_space<hbm>>) target(%arg4 : memref<125x80xi32, #tpu.memory_space<vmem>>) target_semaphore(%run_scoped3A : memref<!tpu.dma_semaphore, #tpu.memory_space<semaphore_mem>>)
      %dma_wait3A = arith.constant 0 : i32
      %dma_wait3A_76 = arith.constant 0 : i32
      %dma_wait3A_77 = tpu.memref_slice %arg2[%add3A, %dma_wait3A, %dma_wait3A_76] : memref<32x125x80xi32, #tpu.memory_space<hbm>> -> memref<1x125x80xi32, #tpu.memory_space<hbm>>
      %dma_wait3A_78 = tpu.memref_squeeze %dma_wait3A_77 : memref<1x125x80xi32, #tpu.memory_space<hbm>> -> memref<125x80xi32, #tpu.memory_space<hbm>>
      %dma_wait3A_79 = arith.constant 0 : i32
      %dma_wait3A_80 = arith.constant 0 : i32
      %dma_wait3A_81 = tpu.memref_slice %arg2[%add3A, %dma_wait3A_79, %dma_wait3A_80] : memref<32x125x80xi32, #tpu.memory_space<hbm>> -> memref<1x125x80xi32, #tpu.memory_space<hbm>>
      %dma_wait3A_82 = tpu.memref_squeeze %dma_wait3A_81 : memref<1x125x80xi32, #tpu.memory_space<hbm>> -> memref<125x80xi32, #tpu.memory_space<hbm>>
      tpu.wait_dma2 semaphore(%run_scoped3A : memref<!tpu.dma_semaphore, #tpu.memory_space<semaphore_mem>>) src(%dma_wait3A_82 : memref<125x80xi32, #tpu.memory_space<hbm>>) dst(%arg4 : memref<125x80xi32, #tpu.memory_space<vmem>>)
      tpu.yield
    }) : () -> ()
    %broadcast_in_dim3A = arith.constant 0.000000e+00 : f32
    %broadcast_in_dim3A_1 = vector.broadcast %broadcast_in_dim3A : f32 to vector<16xf32>
    %scan3A = arith.constant 0 : i32
    %scan3A_2 = arith.constant 0 : i32
    %scan3A_3 = arith.constant 80 : i32
    %scan3A_4 = arith.addi %scan3A_2, %scan3A_3 : i32
    %scan3A_5 = arith.constant 1 : i32
    scf.for %scan3A_69 = %scan3A_2 to %scan3A_4 step %scan3A_5  : i32 {
      %swap3A = arith.index_cast %scan3A_69 : i32 to index
      %swap3A_70 = arith.constant 0 : index
      %swap3A_71 = tpu.vector_load %arg5[%swap3A, %swap3A_70] {strides = array<i32>} : memref<80x16xf32, #tpu.memory_space<vmem>>, vector<1x16xf32>,
      %swap3A_72 = vector.shape_cast %swap3A_71 : vector<1x16xf32> to vector<16xf32>
      %swap3A_73 = vector.shape_cast %broadcast_in_dim3A_1 : vector<16xf32> to vector<1x16xf32>
      tpu.vector_store %arg5[%swap3A, %swap3A_70], %swap3A_73 {strides = array<i32>} : memref<80x16xf32, #tpu.memory_space<vmem>>, vector<1x16xf32>,
    }
    %scan3A_6 = arith.constant 80 : i32
    %mul3A_7 = arith.constant 632 : i32
    %mul3A_8 = arith.muli %arg1, %mul3A_7 : i32
    %add3A_9 = arith.constant 0 : i32
    %add3A_10 = arith.addi %mul3A_8, %add3A_9 : i32
    "tpu.region"() ({
      %run_scoped3A = tpu.sem_alloc : memref<!tpu.dma_semaphore, #tpu.memory_space<semaphore_mem>>
      %dma_start3A = arith.constant 0 : i32
      %dma_start3A_69 = arith.constant 0 : i32
      %dma_start3A_70 = tpu.memref_slice %arg5[%dma_start3A, %dma_start3A_69] : memref<80x16xf32, #tpu.memory_space<vmem>> -> memref<64x16xf32, #tpu.memory_space<vmem>>
      %dma_start3A_71 = arith.constant 0 : i32
      %dma_start3A_72 = tpu.memref_slice %arg6[%add3A_10, %dma_start3A_71] : memref<10112x16xf32, #tpu.memory_space<vmem_shared>> -> memref<64x16xf32, #tpu.memory_space<vmem_shared>>
      %dma_start3A_73 = arith.constant 0 : i32
      %dma_start3A_74 = tpu.memref_slice %arg6[%add3A_10, %dma_start3A_73] : memref<10112x16xf32, #tpu.memory_space<vmem_shared>> -> memref<64x16xf32, #tpu.memory_space<vmem_shared>>
      %dma_start3A_75 = arith.constant 0 : i32
      %dma_start3A_76 = arith.constant 0 : i32
      %dma_start3A_77 = tpu.memref_slice %arg5[%dma_start3A_75, %dma_start3A_76] : memref<80x16xf32, #tpu.memory_space<vmem>> -> memref<64x16xf32, #tpu.memory_space<vmem>>
      tpu.enqueue_dma source(%dma_start3A_77 : memref<64x16xf32, #tpu.memory_space<vmem>>) target(%dma_start3A_74 : memref<64x16xf32, #tpu.memory_space<vmem_shared>>) target_semaphore(%run_scoped3A : memref<!tpu.dma_semaphore, #tpu.memory_space<semaphore_mem>>)
      %dma_wait3A = arith.constant 0 : i32
      %dma_wait3A_78 = arith.constant 0 : i32
      %dma_wait3A_79 = tpu.memref_slice %arg5[%dma_wait3A, %dma_wait3A_78] : memref<80x16xf32, #tpu.memory_space<vmem>> -> memref<64x16xf32, #tpu.memory_space<vmem>>
      %dma_wait3A_80 = arith.constant 0 : i32
      %dma_wait3A_81 = tpu.memref_slice %arg6[%add3A_10, %dma_wait3A_80] : memref<10112x16xf32, #tpu.memory_space<vmem_shared>> -> memref<64x16xf32, #tpu.memory_space<vmem_shared>>
      %dma_wait3A_82 = arith.constant 0 : i32
      %dma_wait3A_83 = tpu.memref_slice %arg6[%add3A_10, %dma_wait3A_82] : memref<10112x16xf32, #tpu.memory_space<vmem_shared>> -> memref<64x16xf32, #tpu.memory_space<vmem_shared>>
      %dma_wait3A_84 = arith.constant 0 : i32
      %dma_wait3A_85 = arith.constant 0 : i32
      %dma_wait3A_86 = tpu.memref_slice %arg5[%dma_wait3A_84, %dma_wait3A_85] : memref<80x16xf32, #tpu.memory_space<vmem>> -> memref<64x16xf32, #tpu.memory_space<vmem>>
      tpu.wait_dma2 semaphore(%run_scoped3A : memref<!tpu.dma_semaphore, #tpu.memory_space<semaphore_mem>>) src(%dma_wait3A_86 : memref<64x16xf32, #tpu.memory_space<vmem>>) dst(%dma_wait3A_83 : memref<64x16xf32, #tpu.memory_space<vmem_shared>>)
      tpu.yield
    }) : () -> ()
    %mul3A_11 = arith.constant 632 : i32
    %mul3A_12 = arith.muli %arg1, %mul3A_11 : i32
    %add3A_13 = arith.constant 64 : i32
    %add3A_14 = arith.addi %mul3A_12, %add3A_13 : i32
    "tpu.region"() ({
      %run_scoped3A = tpu.sem_alloc : memref<!tpu.dma_semaphore, #tpu.memory_space<semaphore_mem>>
      %dma_start3A = arith.constant 0 : i32
      %dma_start3A_69 = arith.constant 0 : i32
      %dma_start3A_70 = tpu.memref_slice %arg5[%dma_start3A, %dma_start3A_69] : memref<80x16xf32, #tpu.memory_space<vmem>> -> memref<64x16xf32, #tpu.memory_space<vmem>>
      %dma_start3A_71 = arith.constant 0 : i32
      %dma_start3A_72 = tpu.memref_slice %arg6[%add3A_14, %dma_start3A_71] : memref<10112x16xf32, #tpu.memory_space<vmem_shared>> -> memref<64x16xf32, #tpu.memory_space<vmem_shared>>
      %dma_start3A_73 = arith.constant 0 : i32
      %dma_start3A_74 = tpu.memref_slice %arg6[%add3A_14, %dma_start3A_73] : memref<10112x16xf32, #tpu.memory_space<vmem_shared>> -> memref<64x16xf32, #tpu.memory_space<vmem_shared>>
      %dma_start3A_75 = arith.constant 0 : i32
      %dma_start3A_76 = arith.constant 0 : i32
      %dma_start3A_77 = tpu.memref_slice %arg5[%dma_start3A_75, %dma_start3A_76] : memref<80x16xf32, #tpu.memory_space<vmem>> -> memref<64x16xf32, #tpu.memory_space<vmem>>
      tpu.enqueue_dma source(%dma_start3A_77 : memref<64x16xf32, #tpu.memory_space<vmem>>) target(%dma_start3A_74 : memref<64x16xf32, #tpu.memory_space<vmem_shared>>) target_semaphore(%run_scoped3A : memref<!tpu.dma_semaphore, #tpu.memory_space<semaphore_mem>>)
      %dma_wait3A = arith.constant 0 : i32
      %dma_wait3A_78 = arith.constant 0 : i32
      %dma_wait3A_79 = tpu.memref_slice %arg5[%dma_wait3A, %dma_wait3A_78] : memref<80x16xf32, #tpu.memory_space<vmem>> -> memref<64x16xf32, #tpu.memory_space<vmem>>
      %dma_wait3A_80 = arith.constant 0 : i32
      %dma_wait3A_81 = tpu.memref_slice %arg6[%add3A_14, %dma_wait3A_80] : memref<10112x16xf32, #tpu.memory_space<vmem_shared>> -> memref<64x16xf32, #tpu.memory_space<vmem_shared>>
      %dma_wait3A_82 = arith.constant 0 : i32
      %dma_wait3A_83 = tpu.memref_slice %arg6[%add3A_14, %dma_wait3A_82] : memref<10112x16xf32, #tpu.memory_space<vmem_shared>> -> memref<64x16xf32, #tpu.memory_space<vmem_shared>>
      %dma_wait3A_84 = arith.constant 0 : i32
      %dma_wait3A_85 = arith.constant 0 : i32
      %dma_wait3A_86 = tpu.memref_slice %arg5[%dma_wait3A_84, %dma_wait3A_85] : memref<80x16xf32, #tpu.memory_space<vmem>> -> memref<64x16xf32, #tpu.memory_space<vmem>>
      tpu.wait_dma2 semaphore(%run_scoped3A : memref<!tpu.dma_semaphore, #tpu.memory_space<semaphore_mem>>) src(%dma_wait3A_86 : memref<64x16xf32, #tpu.memory_space<vmem>>) dst(%dma_wait3A_83 : memref<64x16xf32, #tpu.memory_space<vmem_shared>>)
      tpu.yield
    }) : () -> ()
    %mul3A_15 = arith.constant 632 : i32
    %mul3A_16 = arith.muli %arg1, %mul3A_15 : i32
    %add3A_17 = arith.constant 128 : i32
    %add3A_18 = arith.addi %mul3A_16, %add3A_17 : i32
    "tpu.region"() ({
      %run_scoped3A = tpu.sem_alloc : memref<!tpu.dma_semaphore, #tpu.memory_space<semaphore_mem>>
      %dma_start3A = arith.constant 0 : i32
      %dma_start3A_69 = arith.constant 0 : i32
      %dma_start3A_70 = tpu.memref_slice %arg5[%dma_start3A, %dma_start3A_69] : memref<80x16xf32, #tpu.memory_space<vmem>> -> memref<64x16xf32, #tpu.memory_space<vmem>>
      %dma_start3A_71 = arith.constant 0 : i32
      %dma_start3A_72 = tpu.memref_slice %arg6[%add3A_18, %dma_start3A_71] : memref<10112x16xf32, #tpu.memory_space<vmem_shared>> -> memref<64x16xf32, #tpu.memory_space<vmem_shared>>
      %dma_start3A_73 = arith.constant 0 : i32
      %dma_start3A_74 = tpu.memref_slice %arg6[%add3A_18, %dma_start3A_73] : memref<10112x16xf32, #tpu.memory_space<vmem_shared>> -> memref<64x16xf32, #tpu.memory_space<vmem_shared>>
      %dma_start3A_75 = arith.constant 0 : i32
      %dma_start3A_76 = arith.constant 0 : i32
      %dma_start3A_77 = tpu.memref_slice %arg5[%dma_start3A_75, %dma_start3A_76] : memref<80x16xf32, #tpu.memory_space<vmem>> -> memref<64x16xf32, #tpu.memory_space<vmem>>
      tpu.enqueue_dma source(%dma_start3A_77 : memref<64x16xf32, #tpu.memory_space<vmem>>) target(%dma_start3A_74 : memref<64x16xf32, #tpu.memory_space<vmem_shared>>) target_semaphore(%run_scoped3A : memref<!tpu.dma_semaphore, #tpu.memory_space<semaphore_mem>>)
      %dma_wait3A = arith.constant 0 : i32
      %dma_wait3A_78 = arith.constant 0 : i32
      %dma_wait3A_79 = tpu.memref_slice %arg5[%dma_wait3A, %dma_wait3A_78] : memref<80x16xf32, #tpu.memory_space<vmem>> -> memref<64x16xf32, #tpu.memory_space<vmem>>
      %dma_wait3A_80 = arith.constant 0 : i32
      %dma_wait3A_81 = tpu.memref_slice %arg6[%add3A_18, %dma_wait3A_80] : memref<10112x16xf32, #tpu.memory_space<vmem_shared>> -> memref<64x16xf32, #tpu.memory_space<vmem_shared>>
      %dma_wait3A_82 = arith.constant 0 : i32
      %dma_wait3A_83 = tpu.memref_slice %arg6[%add3A_18, %dma_wait3A_82] : memref<10112x16xf32, #tpu.memory_space<vmem_shared>> -> memref<64x16xf32, #tpu.memory_space<vmem_shared>>
      %dma_wait3A_84 = arith.constant 0 : i32
      %dma_wait3A_85 = arith.constant 0 : i32
      %dma_wait3A_86 = tpu.memref_slice %arg5[%dma_wait3A_84, %dma_wait3A_85] : memref<80x16xf32, #tpu.memory_space<vmem>> -> memref<64x16xf32, #tpu.memory_space<vmem>>
      tpu.wait_dma2 semaphore(%run_scoped3A : memref<!tpu.dma_semaphore, #tpu.memory_space<semaphore_mem>>) src(%dma_wait3A_86 : memref<64x16xf32, #tpu.memory_space<vmem>>) dst(%dma_wait3A_83 : memref<64x16xf32, #tpu.memory_space<vmem_shared>>)
      tpu.yield
    }) : () -> ()
    %mul3A_19 = arith.constant 632 : i32
    %mul3A_20 = arith.muli %arg1, %mul3A_19 : i32
    %add3A_21 = arith.constant 192 : i32
    %add3A_22 = arith.addi %mul3A_20, %add3A_21 : i32
    "tpu.region"() ({
      %run_scoped3A = tpu.sem_alloc : memref<!tpu.dma_semaphore, #tpu.memory_space<semaphore_mem>>
      %dma_start3A = arith.constant 0 : i32
      %dma_start3A_69 = arith.constant 0 : i32
      %dma_start3A_70 = tpu.memref_slice %arg5[%dma_start3A, %dma_start3A_69] : memref<80x16xf32, #tpu.memory_space<vmem>> -> memref<64x16xf32, #tpu.memory_space<vmem>>
      %dma_start3A_71 = arith.constant 0 : i32
      %dma_start3A_72 = tpu.memref_slice %arg6[%add3A_22, %dma_start3A_71] : memref<10112x16xf32, #tpu.memory_space<vmem_shared>> -> memref<64x16xf32, #tpu.memory_space<vmem_shared>>
      %dma_start3A_73 = arith.constant 0 : i32
      %dma_start3A_74 = tpu.memref_slice %arg6[%add3A_22, %dma_start3A_73] : memref<10112x16xf32, #tpu.memory_space<vmem_shared>> -> memref<64x16xf32, #tpu.memory_space<vmem_shared>>
      %dma_start3A_75 = arith.constant 0 : i32
      %dma_start3A_76 = arith.constant 0 : i32
      %dma_start3A_77 = tpu.memref_slice %arg5[%dma_start3A_75, %dma_start3A_76] : memref<80x16xf32, #tpu.memory_space<vmem>> -> memref<64x16xf32, #tpu.memory_space<vmem>>
      tpu.enqueue_dma source(%dma_start3A_77 : memref<64x16xf32, #tpu.memory_space<vmem>>) target(%dma_start3A_74 : memref<64x16xf32, #tpu.memory_space<vmem_shared>>) target_semaphore(%run_scoped3A : memref<!tpu.dma_semaphore, #tpu.memory_space<semaphore_mem>>)
      %dma_wait3A = arith.constant 0 : i32
      %dma_wait3A_78 = arith.constant 0 : i32
      %dma_wait3A_79 = tpu.memref_slice %arg5[%dma_wait3A, %dma_wait3A_78] : memref<80x16xf32, #tpu.memory_space<vmem>> -> memref<64x16xf32, #tpu.memory_space<vmem>>
      %dma_wait3A_80 = arith.constant 0 : i32
      %dma_wait3A_81 = tpu.memref_slice %arg6[%add3A_22, %dma_wait3A_80] : memref<10112x16xf32, #tpu.memory_space<vmem_shared>> -> memref<64x16xf32, #tpu.memory_space<vmem_shared>>
      %dma_wait3A_82 = arith.constant 0 : i32
      %dma_wait3A_83 = tpu.memref_slice %arg6[%add3A_22, %dma_wait3A_82] : memref<10112x16xf32, #tpu.memory_space<vmem_shared>> -> memref<64x16xf32, #tpu.memory_space<vmem_shared>>
      %dma_wait3A_84 = arith.constant 0 : i32
      %dma_wait3A_85 = arith.constant 0 : i32
      %dma_wait3A_86 = tpu.memref_slice %arg5[%dma_wait3A_84, %dma_wait3A_85] : memref<80x16xf32, #tpu.memory_space<vmem>> -> memref<64x16xf32, #tpu.memory_space<vmem>>
      tpu.wait_dma2 semaphore(%run_scoped3A : memref<!tpu.dma_semaphore, #tpu.memory_space<semaphore_mem>>) src(%dma_wait3A_86 : memref<64x16xf32, #tpu.memory_space<vmem>>) dst(%dma_wait3A_83 : memref<64x16xf32, #tpu.memory_space<vmem_shared>>)
      tpu.yield
    }) : () -> ()
    %mul3A_23 = arith.constant 632 : i32
    %mul3A_24 = arith.muli %arg1, %mul3A_23 : i32
    %add3A_25 = arith.constant 256 : i32
    %add3A_26 = arith.addi %mul3A_24, %add3A_25 : i32
    "tpu.region"() ({
      %run_scoped3A = tpu.sem_alloc : memref<!tpu.dma_semaphore, #tpu.memory_space<semaphore_mem>>
      %dma_start3A = arith.constant 0 : i32
      %dma_start3A_69 = arith.constant 0 : i32
      %dma_start3A_70 = tpu.memref_slice %arg5[%dma_start3A, %dma_start3A_69] : memref<80x16xf32, #tpu.memory_space<vmem>> -> memref<64x16xf32, #tpu.memory_space<vmem>>
      %dma_start3A_71 = arith.constant 0 : i32
      %dma_start3A_72 = tpu.memref_slice %arg6[%add3A_26, %dma_start3A_71] : memref<10112x16xf32, #tpu.memory_space<vmem_shared>> -> memref<64x16xf32, #tpu.memory_space<vmem_shared>>
      %dma_start3A_73 = arith.constant 0 : i32
      %dma_start3A_74 = tpu.memref_slice %arg6[%add3A_26, %dma_start3A_73] : memref<10112x16xf32, #tpu.memory_space<vmem_shared>> -> memref<64x16xf32, #tpu.memory_space<vmem_shared>>
      %dma_start3A_75 = arith.constant 0 : i32
      %dma_start3A_76 = arith.constant 0 : i32
      %dma_start3A_77 = tpu.memref_slice %arg5[%dma_start3A_75, %dma_start3A_76] : memref<80x16xf32, #tpu.memory_space<vmem>> -> memref<64x16xf32, #tpu.memory_space<vmem>>
      tpu.enqueue_dma source(%dma_start3A_77 : memref<64x16xf32, #tpu.memory_space<vmem>>) target(%dma_start3A_74 : memref<64x16xf32, #tpu.memory_space<vmem_shared>>) target_semaphore(%run_scoped3A : memref<!tpu.dma_semaphore, #tpu.memory_space<semaphore_mem>>)
      %dma_wait3A = arith.constant 0 : i32
      %dma_wait3A_78 = arith.constant 0 : i32
      %dma_wait3A_79 = tpu.memref_slice %arg5[%dma_wait3A, %dma_wait3A_78] : memref<80x16xf32, #tpu.memory_space<vmem>> -> memref<64x16xf32, #tpu.memory_space<vmem>>
      %dma_wait3A_80 = arith.constant 0 : i32
      %dma_wait3A_81 = tpu.memref_slice %arg6[%add3A_26, %dma_wait3A_80] : memref<10112x16xf32, #tpu.memory_space<vmem_shared>> -> memref<64x16xf32, #tpu.memory_space<vmem_shared>>
      %dma_wait3A_82 = arith.constant 0 : i32
      %dma_wait3A_83 = tpu.memref_slice %arg6[%add3A_26, %dma_wait3A_82] : memref<10112x16xf32, #tpu.memory_space<vmem_shared>> -> memref<64x16xf32, #tpu.memory_space<vmem_shared>>
      %dma_wait3A_84 = arith.constant 0 : i32
      %dma_wait3A_85 = arith.constant 0 : i32
      %dma_wait3A_86 = tpu.memref_slice %arg5[%dma_wait3A_84, %dma_wait3A_85] : memref<80x16xf32, #tpu.memory_space<vmem>> -> memref<64x16xf32, #tpu.memory_space<vmem>>
      tpu.wait_dma2 semaphore(%run_scoped3A : memref<!tpu.dma_semaphore, #tpu.memory_space<semaphore_mem>>) src(%dma_wait3A_86 : memref<64x16xf32, #tpu.memory_space<vmem>>) dst(%dma_wait3A_83 : memref<64x16xf32, #tpu.memory_space<vmem_shared>>)
      tpu.yield
    }) : () -> ()
    %mul3A_27 = arith.constant 632 : i32
    %mul3A_28 = arith.muli %arg1, %mul3A_27 : i32
    %add3A_29 = arith.constant 320 : i32
    %add3A_30 = arith.addi %mul3A_28, %add3A_29 : i32
    "tpu.region"() ({
      %run_scoped3A = tpu.sem_alloc : memref<!tpu.dma_semaphore, #tpu.memory_space<semaphore_mem>>
      %dma_start3A = arith.constant 0 : i32
      %dma_start3A_69 = arith.constant 0 : i32
      %dma_start3A_70 = tpu.memref_slice %arg5[%dma_start3A, %dma_start3A_69] : memref<80x16xf32, #tpu.memory_space<vmem>> -> memref<64x16xf32, #tpu.memory_space<vmem>>
      %dma_start3A_71 = arith.constant 0 : i32
      %dma_start3A_72 = tpu.memref_slice %arg6[%add3A_30, %dma_start3A_71] : memref<10112x16xf32, #tpu.memory_space<vmem_shared>> -> memref<64x16xf32, #tpu.memory_space<vmem_shared>>
      %dma_start3A_73 = arith.constant 0 : i32
      %dma_start3A_74 = tpu.memref_slice %arg6[%add3A_30, %dma_start3A_73] : memref<10112x16xf32, #tpu.memory_space<vmem_shared>> -> memref<64x16xf32, #tpu.memory_space<vmem_shared>>
      %dma_start3A_75 = arith.constant 0 : i32
      %dma_start3A_76 = arith.constant 0 : i32
      %dma_start3A_77 = tpu.memref_slice %arg5[%dma_start3A_75, %dma_start3A_76] : memref<80x16xf32, #tpu.memory_space<vmem>> -> memref<64x16xf32, #tpu.memory_space<vmem>>
      tpu.enqueue_dma source(%dma_start3A_77 : memref<64x16xf32, #tpu.memory_space<vmem>>) target(%dma_start3A_74 : memref<64x16xf32, #tpu.memory_space<vmem_shared>>) target_semaphore(%run_scoped3A : memref<!tpu.dma_semaphore, #tpu.memory_space<semaphore_mem>>)
      %dma_wait3A = arith.constant 0 : i32
      %dma_wait3A_78 = arith.constant 0 : i32
      %dma_wait3A_79 = tpu.memref_slice %arg5[%dma_wait3A, %dma_wait3A_78] : memref<80x16xf32, #tpu.memory_space<vmem>> -> memref<64x16xf32, #tpu.memory_space<vmem>>
      %dma_wait3A_80 = arith.constant 0 : i32
      %dma_wait3A_81 = tpu.memref_slice %arg6[%add3A_30, %dma_wait3A_80] : memref<10112x16xf32, #tpu.memory_space<vmem_shared>> -> memref<64x16xf32, #tpu.memory_space<vmem_shared>>
      %dma_wait3A_82 = arith.constant 0 : i32
      %dma_wait3A_83 = tpu.memref_slice %arg6[%add3A_30, %dma_wait3A_82] : memref<10112x16xf32, #tpu.memory_space<vmem_shared>> -> memref<64x16xf32, #tpu.memory_space<vmem_shared>>
      %dma_wait3A_84 = arith.constant 0 : i32
      %dma_wait3A_85 = arith.constant 0 : i32
      %dma_wait3A_86 = tpu.memref_slice %arg5[%dma_wait3A_84, %dma_wait3A_85] : memref<80x16xf32, #tpu.memory_space<vmem>> -> memref<64x16xf32, #tpu.memory_space<vmem>>
      tpu.wait_dma2 semaphore(%run_scoped3A : memref<!tpu.dma_semaphore, #tpu.memory_space<semaphore_mem>>) src(%dma_wait3A_86 : memref<64x16xf32, #tpu.memory_space<vmem>>) dst(%dma_wait3A_83 : memref<64x16xf32, #tpu.memory_space<vmem_shared>>)
      tpu.yield
    }) : () -> ()
    %mul3A_31 = arith.constant 632 : i32
    %mul3A_32 = arith.muli %arg1, %mul3A_31 : i32
    %add3A_33 = arith.constant 384 : i32
    %add3A_34 = arith.addi %mul3A_32, %add3A_33 : i32
    "tpu.region"() ({
      %run_scoped3A = tpu.sem_alloc : memref<!tpu.dma_semaphore, #tpu.memory_space<semaphore_mem>>
      %dma_start3A = arith.constant 0 : i32
      %dma_start3A_69 = arith.constant 0 : i32
      %dma_start3A_70 = tpu.memref_slice %arg5[%dma_start3A, %dma_start3A_69] : memref<80x16xf32, #tpu.memory_space<vmem>> -> memref<64x16xf32, #tpu.memory_space<vmem>>
      %dma_start3A_71 = arith.constant 0 : i32
      %dma_start3A_72 = tpu.memref_slice %arg6[%add3A_34, %dma_start3A_71] : memref<10112x16xf32, #tpu.memory_space<vmem_shared>> -> memref<64x16xf32, #tpu.memory_space<vmem_shared>>
      %dma_start3A_73 = arith.constant 0 : i32
      %dma_start3A_74 = tpu.memref_slice %arg6[%add3A_34, %dma_start3A_73] : memref<10112x16xf32, #tpu.memory_space<vmem_shared>> -> memref<64x16xf32, #tpu.memory_space<vmem_shared>>
      %dma_start3A_75 = arith.constant 0 : i32
      %dma_start3A_76 = arith.constant 0 : i32
      %dma_start3A_77 = tpu.memref_slice %arg5[%dma_start3A_75, %dma_start3A_76] : memref<80x16xf32, #tpu.memory_space<vmem>> -> memref<64x16xf32, #tpu.memory_space<vmem>>
      tpu.enqueue_dma source(%dma_start3A_77 : memref<64x16xf32, #tpu.memory_space<vmem>>) target(%dma_start3A_74 : memref<64x16xf32, #tpu.memory_space<vmem_shared>>) target_semaphore(%run_scoped3A : memref<!tpu.dma_semaphore, #tpu.memory_space<semaphore_mem>>)
      %dma_wait3A = arith.constant 0 : i32
      %dma_wait3A_78 = arith.constant 0 : i32
      %dma_wait3A_79 = tpu.memref_slice %arg5[%dma_wait3A, %dma_wait3A_78] : memref<80x16xf32, #tpu.memory_space<vmem>> -> memref<64x16xf32, #tpu.memory_space<vmem>>
      %dma_wait3A_80 = arith.constant 0 : i32
      %dma_wait3A_81 = tpu.memref_slice %arg6[%add3A_34, %dma_wait3A_80] : memref<10112x16xf32, #tpu.memory_space<vmem_shared>> -> memref<64x16xf32, #tpu.memory_space<vmem_shared>>
      %dma_wait3A_82 = arith.constant 0 : i32
      %dma_wait3A_83 = tpu.memref_slice %arg6[%add3A_34, %dma_wait3A_82] : memref<10112x16xf32, #tpu.memory_space<vmem_shared>> -> memref<64x16xf32, #tpu.memory_space<vmem_shared>>
      %dma_wait3A_84 = arith.constant 0 : i32
      %dma_wait3A_85 = arith.constant 0 : i32
      %dma_wait3A_86 = tpu.memref_slice %arg5[%dma_wait3A_84, %dma_wait3A_85] : memref<80x16xf32, #tpu.memory_space<vmem>> -> memref<64x16xf32, #tpu.memory_space<vmem>>
      tpu.wait_dma2 semaphore(%run_scoped3A : memref<!tpu.dma_semaphore, #tpu.memory_space<semaphore_mem>>) src(%dma_wait3A_86 : memref<64x16xf32, #tpu.memory_space<vmem>>) dst(%dma_wait3A_83 : memref<64x16xf32, #tpu.memory_space<vmem_shared>>)
      tpu.yield
    }) : () -> ()
    %mul3A_35 = arith.constant 632 : i32
    %mul3A_36 = arith.muli %arg1, %mul3A_35 : i32
    %add3A_37 = arith.constant 448 : i32
    %add3A_38 = arith.addi %mul3A_36, %add3A_37 : i32
    "tpu.region"() ({
      %run_scoped3A = tpu.sem_alloc : memref<!tpu.dma_semaphore, #tpu.memory_space<semaphore_mem>>
      %dma_start3A = arith.constant 0 : i32
      %dma_start3A_69 = arith.constant 0 : i32
      %dma_start3A_70 = tpu.memref_slice %arg5[%dma_start3A, %dma_start3A_69] : memref<80x16xf32, #tpu.memory_space<vmem>> -> memref<64x16xf32, #tpu.memory_space<vmem>>
      %dma_start3A_71 = arith.constant 0 : i32
      %dma_start3A_72 = tpu.memref_slice %arg6[%add3A_38, %dma_start3A_71] : memref<10112x16xf32, #tpu.memory_space<vmem_shared>> -> memref<64x16xf32, #tpu.memory_space<vmem_shared>>
      %dma_start3A_73 = arith.constant 0 : i32
      %dma_start3A_74 = tpu.memref_slice %arg6[%add3A_38, %dma_start3A_73] : memref<10112x16xf32, #tpu.memory_space<vmem_shared>> -> memref<64x16xf32, #tpu.memory_space<vmem_shared>>
      %dma_start3A_75 = arith.constant 0 : i32
      %dma_start3A_76 = arith.constant 0 : i32
      %dma_start3A_77 = tpu.memref_slice %arg5[%dma_start3A_75, %dma_start3A_76] : memref<80x16xf32, #tpu.memory_space<vmem>> -> memref<64x16xf32, #tpu.memory_space<vmem>>
      tpu.enqueue_dma source(%dma_start3A_77 : memref<64x16xf32, #tpu.memory_space<vmem>>) target(%dma_start3A_74 : memref<64x16xf32, #tpu.memory_space<vmem_shared>>) target_semaphore(%run_scoped3A : memref<!tpu.dma_semaphore, #tpu.memory_space<semaphore_mem>>)
      %dma_wait3A = arith.constant 0 : i32
      %dma_wait3A_78 = arith.constant 0 : i32
      %dma_wait3A_79 = tpu.memref_slice %arg5[%dma_wait3A, %dma_wait3A_78] : memref<80x16xf32, #tpu.memory_space<vmem>> -> memref<64x16xf32, #tpu.memory_space<vmem>>
      %dma_wait3A_80 = arith.constant 0 : i32
      %dma_wait3A_81 = tpu.memref_slice %arg6[%add3A_38, %dma_wait3A_80] : memref<10112x16xf32, #tpu.memory_space<vmem_shared>> -> memref<64x16xf32, #tpu.memory_space<vmem_shared>>
      %dma_wait3A_82 = arith.constant 0 : i32
      %dma_wait3A_83 = tpu.memref_slice %arg6[%add3A_38, %dma_wait3A_82] : memref<10112x16xf32, #tpu.memory_space<vmem_shared>> -> memref<64x16xf32, #tpu.memory_space<vmem_shared>>
      %dma_wait3A_84 = arith.constant 0 : i32
      %dma_wait3A_85 = arith.constant 0 : i32
      %dma_wait3A_86 = tpu.memref_slice %arg5[%dma_wait3A_84, %dma_wait3A_85] : memref<80x16xf32, #tpu.memory_space<vmem>> -> memref<64x16xf32, #tpu.memory_space<vmem>>
      tpu.wait_dma2 semaphore(%run_scoped3A : memref<!tpu.dma_semaphore, #tpu.memory_space<semaphore_mem>>) src(%dma_wait3A_86 : memref<64x16xf32, #tpu.memory_space<vmem>>) dst(%dma_wait3A_83 : memref<64x16xf32, #tpu.memory_space<vmem_shared>>)
      tpu.yield
    }) : () -> ()
    %mul3A_39 = arith.constant 632 : i32
    %mul3A_40 = arith.muli %arg1, %mul3A_39 : i32
    %add3A_41 = arith.constant 512 : i32
    %add3A_42 = arith.addi %mul3A_40, %add3A_41 : i32
    "tpu.region"() ({
      %run_scoped3A = tpu.sem_alloc : memref<!tpu.dma_semaphore, #tpu.memory_space<semaphore_mem>>
      %dma_start3A = arith.constant 0 : i32
      %dma_start3A_69 = arith.constant 0 : i32
      %dma_start3A_70 = tpu.memref_slice %arg5[%dma_start3A, %dma_start3A_69] : memref<80x16xf32, #tpu.memory_space<vmem>> -> memref<64x16xf32, #tpu.memory_space<vmem>>
      %dma_start3A_71 = arith.constant 0 : i32
      %dma_start3A_72 = tpu.memref_slice %arg6[%add3A_42, %dma_start3A_71] : memref<10112x16xf32, #tpu.memory_space<vmem_shared>> -> memref<64x16xf32, #tpu.memory_space<vmem_shared>>
      %dma_start3A_73 = arith.constant 0 : i32
      %dma_start3A_74 = tpu.memref_slice %arg6[%add3A_42, %dma_start3A_73] : memref<10112x16xf32, #tpu.memory_space<vmem_shared>> -> memref<64x16xf32, #tpu.memory_space<vmem_shared>>
      %dma_start3A_75 = arith.constant 0 : i32
      %dma_start3A_76 = arith.constant 0 : i32
      %dma_start3A_77 = tpu.memref_slice %arg5[%dma_start3A_75, %dma_start3A_76] : memref<80x16xf32, #tpu.memory_space<vmem>> -> memref<64x16xf32, #tpu.memory_space<vmem>>
      tpu.enqueue_dma source(%dma_start3A_77 : memref<64x16xf32, #tpu.memory_space<vmem>>) target(%dma_start3A_74 : memref<64x16xf32, #tpu.memory_space<vmem_shared>>) target_semaphore(%run_scoped3A : memref<!tpu.dma_semaphore, #tpu.memory_space<semaphore_mem>>)
      %dma_wait3A = arith.constant 0 : i32
      %dma_wait3A_78 = arith.constant 0 : i32
      %dma_wait3A_79 = tpu.memref_slice %arg5[%dma_wait3A, %dma_wait3A_78] : memref<80x16xf32, #tpu.memory_space<vmem>> -> memref<64x16xf32, #tpu.memory_space<vmem>>
      %dma_wait3A_80 = arith.constant 0 : i32
      %dma_wait3A_81 = tpu.memref_slice %arg6[%add3A_42, %dma_wait3A_80] : memref<10112x16xf32, #tpu.memory_space<vmem_shared>> -> memref<64x16xf32, #tpu.memory_space<vmem_shared>>
      %dma_wait3A_82 = arith.constant 0 : i32
      %dma_wait3A_83 = tpu.memref_slice %arg6[%add3A_42, %dma_wait3A_82] : memref<10112x16xf32, #tpu.memory_space<vmem_shared>> -> memref<64x16xf32, #tpu.memory_space<vmem_shared>>
      %dma_wait3A_84 = arith.constant 0 : i32
      %dma_wait3A_85 = arith.constant 0 : i32
      %dma_wait3A_86 = tpu.memref_slice %arg5[%dma_wait3A_84, %dma_wait3A_85] : memref<80x16xf32, #tpu.memory_space<vmem>> -> memref<64x16xf32, #tpu.memory_space<vmem>>
      tpu.wait_dma2 semaphore(%run_scoped3A : memref<!tpu.dma_semaphore, #tpu.memory_space<semaphore_mem>>) src(%dma_wait3A_86 : memref<64x16xf32, #tpu.memory_space<vmem>>) dst(%dma_wait3A_83 : memref<64x16xf32, #tpu.memory_space<vmem_shared>>)
      tpu.yield
    }) : () -> ()
    %mul3A_43 = arith.constant 632 : i32
    %mul3A_44 = arith.muli %arg1, %mul3A_43 : i32
    %add3A_45 = arith.constant 576 : i32
    %add3A_46 = arith.addi %mul3A_44, %add3A_45 : i32
    "tpu.region"() ({
      %run_scoped3A = tpu.sem_alloc : memref<!tpu.dma_semaphore, #tpu.memory_space<semaphore_mem>>
      %dma_start3A = arith.constant 0 : i32
      %dma_start3A_69 = arith.constant 0 : i32
      %dma_start3A_70 = tpu.memref_slice %arg5[%dma_start3A, %dma_start3A_69] : memref<80x16xf32, #tpu.memory_space<vmem>> -> memref<56x16xf32, #tpu.memory_space<vmem>>
      %dma_start3A_71 = arith.constant 0 : i32
      %dma_start3A_72 = tpu.memref_slice %arg6[%add3A_46, %dma_start3A_71] : memref<10112x16xf32, #tpu.memory_space<vmem_shared>> -> memref<56x16xf32, #tpu.memory_space<vmem_shared>>
      %dma_start3A_73 = arith.constant 0 : i32
      %dma_start3A_74 = tpu.memref_slice %arg6[%add3A_46, %dma_start3A_73] : memref<10112x16xf32, #tpu.memory_space<vmem_shared>> -> memref<56x16xf32, #tpu.memory_space<vmem_shared>>
      %dma_start3A_75 = arith.constant 0 : i32
      %dma_start3A_76 = arith.constant 0 : i32
      %dma_start3A_77 = tpu.memref_slice %arg5[%dma_start3A_75, %dma_start3A_76] : memref<80x16xf32, #tpu.memory_space<vmem>> -> memref<56x16xf32, #tpu.memory_space<vmem>>
      tpu.enqueue_dma source(%dma_start3A_77 : memref<56x16xf32, #tpu.memory_space<vmem>>) target(%dma_start3A_74 : memref<56x16xf32, #tpu.memory_space<vmem_shared>>) target_semaphore(%run_scoped3A : memref<!tpu.dma_semaphore, #tpu.memory_space<semaphore_mem>>)
      %dma_wait3A = arith.constant 0 : i32
      %dma_wait3A_78 = arith.constant 0 : i32
      %dma_wait3A_79 = tpu.memref_slice %arg5[%dma_wait3A, %dma_wait3A_78] : memref<80x16xf32, #tpu.memory_space<vmem>> -> memref<56x16xf32, #tpu.memory_space<vmem>>
      %dma_wait3A_80 = arith.constant 0 : i32
      %dma_wait3A_81 = tpu.memref_slice %arg6[%add3A_46, %dma_wait3A_80] : memref<10112x16xf32, #tpu.memory_space<vmem_shared>> -> memref<56x16xf32, #tpu.memory_space<vmem_shared>>
      %dma_wait3A_82 = arith.constant 0 : i32
      %dma_wait3A_83 = tpu.memref_slice %arg6[%add3A_46, %dma_wait3A_82] : memref<10112x16xf32, #tpu.memory_space<vmem_shared>> -> memref<56x16xf32, #tpu.memory_space<vmem_shared>>
      %dma_wait3A_84 = arith.constant 0 : i32
      %dma_wait3A_85 = arith.constant 0 : i32
      %dma_wait3A_86 = tpu.memref_slice %arg5[%dma_wait3A_84, %dma_wait3A_85] : memref<80x16xf32, #tpu.memory_space<vmem>> -> memref<56x16xf32, #tpu.memory_space<vmem>>
      tpu.wait_dma2 semaphore(%run_scoped3A : memref<!tpu.dma_semaphore, #tpu.memory_space<semaphore_mem>>) src(%dma_wait3A_86 : memref<56x16xf32, #tpu.memory_space<vmem>>) dst(%dma_wait3A_83 : memref<56x16xf32, #tpu.memory_space<vmem_shared>>)
      tpu.yield
    }) : () -> ()
    %iota3A = tpu.iota {dimensions = array<i32: 0>} : vector<16xi32>
    %eq3A = arith.constant 0 : i32
    %eq3A_47 = vector.broadcast %eq3A : i32 to vector<16xi32>
    %eq3A_48 = arith.cmpi eq, %iota3A, %eq3A_47 : vector<16xi32>
    %jit3A = arith.constant 1.000000e+00 : f32
    %jit3A_49 = arith.constant 0.000000e+00 : f32
    %broadcast_in_dim3A_50 = vector.broadcast %jit3A : f32 to vector<16xf32>
    %broadcast_in_dim3A_51 = vector.broadcast %jit3A_49 : f32 to vector<16xf32>
    %select_n3A = arith.select %eq3A_48, %broadcast_in_dim3A_50, %broadcast_in_dim3A_51 : vector<16xi1>, vector<16xf32>
    %scan3A_52 = arith.constant 0 : i32
    %scan3A_53 = arith.constant 0 : i32
    %scan3A_54 = arith.constant 80 : i32
    %scan3A_55 = arith.addi %scan3A_53, %scan3A_54 : i32
    %scan3A_56 = arith.constant 1 : i32
    scf.for %scan3A_69 = %scan3A_53 to %scan3A_55 step %scan3A_56  : i32 {
      %swap3A = arith.index_cast %scan3A_69 : i32 to index
      %swap3A_70 = arith.constant 0 : index
      %swap3A_71 = tpu.vector_load %arg5[%swap3A, %swap3A_70] {strides = array<i32>} : memref<80x16xf32, #tpu.memory_space<vmem>>, vector<1x16xf32>,
      %swap3A_72 = vector.shape_cast %swap3A_71 : vector<1x16xf32> to vector<16xf32>
      %swap3A_73 = vector.shape_cast %select_n3A : vector<16xf32> to vector<1x16xf32>
      tpu.vector_store %arg5[%swap3A, %swap3A_70], %swap3A_73 {strides = array<i32>} : memref<80x16xf32, #tpu.memory_space<vmem>>, vector<1x16xf32>,
    }
    %scan3A_57 = arith.constant 80 : i32
    %barrier3A = arith.constant 0 : index
    tpu.barrier barrier_id(%barrier3A)
    %scan3A_58 = arith.constant 0 : i32
    %scan3A_59 = arith.constant 0 : i32
    %scan3A_60 = arith.constant 125 : i32
    %scan3A_61 = arith.addi %scan3A_59, %scan3A_60 : i32
    %scan3A_62 = arith.constant 1 : i32
    scf.for %scan3A_69 = %scan3A_59 to %scan3A_61 step %scan3A_62  : i32 {
      "tpu.region"() ({
        %run_scoped3A = tpu.sem_alloc : memref<!tpu.dma_semaphore, #tpu.memory_space<semaphore_mem>>
        %dma_start3A = arith.constant 0 : i32
        %dma_start3A_70 = tpu.memref_slice %arg4[%scan3A_69, %dma_start3A] : memref<125x80xi32, #tpu.memory_space<vmem>> -> memref<1x80xi32, #tpu.memory_space<vmem>>
        %dma_start3A_71 = tpu.memref_squeeze %dma_start3A_70 : memref<1x80xi32, #tpu.memory_space<vmem>> -> memref<80xi32, #tpu.memory_space<vmem>>
        %dma_start3A_72 = arith.constant 0 : i32
        %dma_start3A_73 = arith.constant 0 : i32
        %dma_start3A_74 = tpu.memref_slice %arg6[%dma_start3A_72, %dma_start3A_73] : memref<10112x16xf32, #tpu.memory_space<vmem_shared>> -> memref<10112x16xf32, #tpu.memory_space<vmem_shared>>
        tpu.enqueue_indirect_dma source(%arg5 : memref<80x16xf32, #tpu.memory_space<vmem>>) target(%dma_start3A_74 : memref<10112x16xf32, #tpu.memory_space<vmem_shared>>) offsets(%dma_start3A_71 : memref<80xi32, #tpu.memory_space<vmem>>) semaphore(%run_scoped3A : memref<!tpu.dma_semaphore, #tpu.memory_space<semaphore_mem>>) {add = true}
        %dma_wait3A = arith.constant 0 : i32
        %dma_wait3A_75 = tpu.memref_slice %arg4[%scan3A_69, %dma_wait3A] : memref<125x80xi32, #tpu.memory_space<vmem>> -> memref<1x80xi32, #tpu.memory_space<vmem>>
        %dma_wait3A_76 = tpu.memref_squeeze %dma_wait3A_75 : memref<1x80xi32, #tpu.memory_space<vmem>> -> memref<80xi32, #tpu.memory_space<vmem>>
        %dma_wait3A_77 = arith.constant 0 : i32
        %dma_wait3A_78 = arith.constant 0 : i32
        %dma_wait3A_79 = tpu.memref_slice %arg6[%dma_wait3A_77, %dma_wait3A_78] : memref<10112x16xf32, #tpu.memory_space<vmem_shared>> -> memref<10112x16xf32, #tpu.memory_space<vmem_shared>>
        tpu.wait_indirect_dma semaphore(%run_scoped3A : memref<!tpu.dma_semaphore, #tpu.memory_space<semaphore_mem>>) src(%arg5 : memref<80x16xf32, #tpu.memory_space<vmem>>) dst(%dma_wait3A_79 : memref<10112x16xf32, #tpu.memory_space<vmem_shared>>)
        tpu.yield
      }) : () -> ()
    }
    %scan3A_63 = arith.constant 125 : i32
    %barrier3A_64 = arith.constant 0 : index
    tpu.barrier barrier_id(%barrier3A_64)
    %mul3A_65 = arith.constant 632 : i32
    %mul3A_66 = arith.muli %arg1, %mul3A_65 : i32
    %mul3A_67 = arith.constant 632 : i32
    %mul3A_68 = arith.muli %arg1, %mul3A_67 : i32
    "tpu.region"() ({
      %run_scoped3A = tpu.sem_alloc : memref<!tpu.dma_semaphore, #tpu.memory_space<semaphore_mem>>
      %dma_start3A = arith.constant 0 : i32
      %dma_start3A_69 = tpu.memref_slice %arg3[%arg0, %mul3A_68, %dma_start3A] : memref<2x10112x16xf32, #tpu.memory_space<hbm>> -> memref<1x632x16xf32, #tpu.memory_space<hbm>>
      %dma_start3A_70 = tpu.memref_squeeze %dma_start3A_69 : memref<1x632x16xf32, #tpu.memory_space<hbm>> -> memref<632x16xf32, #tpu.memory_space<hbm>>
      %dma_start3A_71 = arith.constant 0 : i32
      %dma_start3A_72 = tpu.memref_slice %arg6[%mul3A_66, %dma_start3A_71] : memref<10112x16xf32, #tpu.memory_space<vmem_shared>> -> memref<632x16xf32, #tpu.memory_space<vmem_shared>>
      tpu.enqueue_dma source(%dma_start3A_72 : memref<632x16xf32, #tpu.memory_space<vmem_shared>>) target(%dma_start3A_70 : memref<632x16xf32, #tpu.memory_space<hbm>>) target_semaphore(%run_scoped3A : memref<!tpu.dma_semaphore, #tpu.memory_space<semaphore_mem>>)
      %dma_wait3A = arith.constant 0 : i32
      %dma_wait3A_73 = tpu.memref_slice %arg3[%arg0, %mul3A_68, %dma_wait3A] : memref<2x10112x16xf32, #tpu.memory_space<hbm>> -> memref<1x632x16xf32, #tpu.memory_space<hbm>>
      %dma_wait3A_74 = tpu.memref_squeeze %dma_wait3A_73 : memref<1x632x16xf32, #tpu.memory_space<hbm>> -> memref<632x16xf32, #tpu.memory_space<hbm>>
      %dma_wait3A_75 = arith.constant 0 : i32
      %dma_wait3A_76 = tpu.memref_slice %arg6[%mul3A_66, %dma_wait3A_75] : memref<10112x16xf32, #tpu.memory_space<vmem_shared>> -> memref<632x16xf32, #tpu.memory_space<vmem_shared>>
      tpu.wait_dma2 semaphore(%run_scoped3A : memref<!tpu.dma_semaphore, #tpu.memory_space<semaphore_mem>>) src(%dma_wait3A_76 : memref<632x16xf32, #tpu.memory_space<vmem_shared>>) dst(%dma_wait3A_74 : memref<632x16xf32, #tpu.memory_space<hbm>>)
      tpu.yield
    }) : () -> ()
    return
  }
}

#map = affine_map<(d0, d1) -> (0, 0)>
#map1 = affine_map<(d0, d1) -> (0, 0, 0)>
module attributes {stable_mosaic.version = 14 : i64} {
  func.func @_sc_aggregate(%arg0: i32, %arg1: i32, %arg2: memref<10000x128xf32, #tpu.memory_space<hbm>>, %arg3: memref<32x10000xi32, #tpu.memory_space<hbm>>, %arg4: memref<32x125x80xi32, #tpu.memory_space<hbm>>, %arg5: memref<2x10112x128xf32, #tpu.memory_space<hbm>>, %arg6: memref<10000xi32, #tpu.memory_space<vmem>>, %arg7: memref<125x80xi32, #tpu.memory_space<vmem>>, %arg8: memref<80x128xf32, #tpu.memory_space<vmem>>, %arg9: memref<80x128xf32, #tpu.memory_space<vmem>>, %arg10: memref<10112x128xf32, #tpu.memory_space<vmem_shared>>, %arg11: memref<!tpu.dma_semaphore, #tpu.memory_space<semaphore_mem>>, %arg12: memref<!tpu.dma_semaphore, #tpu.memory_space<semaphore_mem>>) attributes {dimension_semantics = [#tpu.dimension_semantics<core_parallel>, #tpu.dimension_semantics<subcore_parallel>], iteration_bounds = array<i64: 2, 16>, scalar_prefetch = 0 : i64, scratch_operands = 7 : i64, tpu.core_type = #tpu.core_type<sc_vector_subcore>, window_params = [{transform_indices = #map}, {transform_indices = #map}, {transform_indices = #map1}, {transform_indices = #map1}]} {
    %mul3A = arith.constant 16 : i32
    %mul3A_0 = arith.muli %arg0, %mul3A : i32
    %add3A = arith.addi %mul3A_0, %arg1 : i32
    "tpu.region"() ({
      %run_scoped3A_66 = tpu.sem_alloc : memref<!tpu.dma_semaphore, #tpu.memory_space<semaphore_mem>>
      %dma_start3A_67 = arith.constant 0 : i32
      %dma_start3A_68 = tpu.memref_slice %arg3[%add3A, %dma_start3A_67] : memref<32x10000xi32, #tpu.memory_space<hbm>> -> memref<1x10000xi32, #tpu.memory_space<hbm>>
      %dma_start3A_69 = tpu.memref_squeeze %dma_start3A_68 : memref<1x10000xi32, #tpu.memory_space<hbm>> -> memref<10000xi32, #tpu.memory_space<hbm>>
      %dma_start3A_70 = arith.constant 0 : i32
      %dma_start3A_71 = tpu.memref_slice %arg3[%add3A, %dma_start3A_70] : memref<32x10000xi32, #tpu.memory_space<hbm>> -> memref<1x10000xi32, #tpu.memory_space<hbm>>
      %dma_start3A_72 = tpu.memref_squeeze %dma_start3A_71 : memref<1x10000xi32, #tpu.memory_space<hbm>> -> memref<10000xi32, #tpu.memory_space<hbm>>
      tpu.enqueue_dma source(%dma_start3A_72 : memref<10000xi32, #tpu.memory_space<hbm>>) target(%arg6 : memref<10000xi32, #tpu.memory_space<vmem>>) target_semaphore(%run_scoped3A_66 : memref<!tpu.dma_semaphore, #tpu.memory_space<semaphore_mem>>)
      %dma_wait3A_73 = arith.constant 0 : i32
      %dma_wait3A_74 = tpu.memref_slice %arg3[%add3A, %dma_wait3A_73] : memref<32x10000xi32, #tpu.memory_space<hbm>> -> memref<1x10000xi32, #tpu.memory_space<hbm>>
      %dma_wait3A_75 = tpu.memref_squeeze %dma_wait3A_74 : memref<1x10000xi32, #tpu.memory_space<hbm>> -> memref<10000xi32, #tpu.memory_space<hbm>>
      %dma_wait3A_76 = arith.constant 0 : i32
      %dma_wait3A_77 = tpu.memref_slice %arg3[%add3A, %dma_wait3A_76] : memref<32x10000xi32, #tpu.memory_space<hbm>> -> memref<1x10000xi32, #tpu.memory_space<hbm>>
      %dma_wait3A_78 = tpu.memref_squeeze %dma_wait3A_77 : memref<1x10000xi32, #tpu.memory_space<hbm>> -> memref<10000xi32, #tpu.memory_space<hbm>>
      tpu.wait_dma2 semaphore(%run_scoped3A_66 : memref<!tpu.dma_semaphore, #tpu.memory_space<semaphore_mem>>) src(%dma_wait3A_78 : memref<10000xi32, #tpu.memory_space<hbm>>) dst(%arg6 : memref<10000xi32, #tpu.memory_space<vmem>>)
      tpu.yield
    }) : () -> ()
    "tpu.region"() ({
      %run_scoped3A_66 = tpu.sem_alloc : memref<!tpu.dma_semaphore, #tpu.memory_space<semaphore_mem>>
      %dma_start3A_67 = arith.constant 0 : i32
      %dma_start3A_68 = arith.constant 0 : i32
      %dma_start3A_69 = tpu.memref_slice %arg4[%add3A, %dma_start3A_67, %dma_start3A_68] : memref<32x125x80xi32, #tpu.memory_space<hbm>> -> memref<1x125x80xi32, #tpu.memory_space<hbm>>
      %dma_start3A_70 = tpu.memref_squeeze %dma_start3A_69 : memref<1x125x80xi32, #tpu.memory_space<hbm>> -> memref<125x80xi32, #tpu.memory_space<hbm>>
      %dma_start3A_71 = arith.constant 0 : i32
      %dma_start3A_72 = arith.constant 0 : i32
      %dma_start3A_73 = tpu.memref_slice %arg4[%add3A, %dma_start3A_71, %dma_start3A_72] : memref<32x125x80xi32, #tpu.memory_space<hbm>> -> memref<1x125x80xi32, #tpu.memory_space<hbm>>
      %dma_start3A_74 = tpu.memref_squeeze %dma_start3A_73 : memref<1x125x80xi32, #tpu.memory_space<hbm>> -> memref<125x80xi32, #tpu.memory_space<hbm>>
      tpu.enqueue_dma source(%dma_start3A_74 : memref<125x80xi32, #tpu.memory_space<hbm>>) target(%arg7 : memref<125x80xi32, #tpu.memory_space<vmem>>) target_semaphore(%run_scoped3A_66 : memref<!tpu.dma_semaphore, #tpu.memory_space<semaphore_mem>>)
      %dma_wait3A_75 = arith.constant 0 : i32
      %dma_wait3A_76 = arith.constant 0 : i32
      %dma_wait3A_77 = tpu.memref_slice %arg4[%add3A, %dma_wait3A_75, %dma_wait3A_76] : memref<32x125x80xi32, #tpu.memory_space<hbm>> -> memref<1x125x80xi32, #tpu.memory_space<hbm>>
      %dma_wait3A_78 = tpu.memref_squeeze %dma_wait3A_77 : memref<1x125x80xi32, #tpu.memory_space<hbm>> -> memref<125x80xi32, #tpu.memory_space<hbm>>
      %dma_wait3A_79 = arith.constant 0 : i32
      %dma_wait3A_80 = arith.constant 0 : i32
      %dma_wait3A_81 = tpu.memref_slice %arg4[%add3A, %dma_wait3A_79, %dma_wait3A_80] : memref<32x125x80xi32, #tpu.memory_space<hbm>> -> memref<1x125x80xi32, #tpu.memory_space<hbm>>
      %dma_wait3A_82 = tpu.memref_squeeze %dma_wait3A_81 : memref<1x125x80xi32, #tpu.memory_space<hbm>> -> memref<125x80xi32, #tpu.memory_space<hbm>>
      tpu.wait_dma2 semaphore(%run_scoped3A_66 : memref<!tpu.dma_semaphore, #tpu.memory_space<semaphore_mem>>) src(%dma_wait3A_82 : memref<125x80xi32, #tpu.memory_space<hbm>>) dst(%arg7 : memref<125x80xi32, #tpu.memory_space<vmem>>)
      tpu.yield
    }) : () -> ()
    %broadcast_in_dim3A = arith.constant 0.000000e+00 : f32
    %broadcast_in_dim3A_1 = vector.broadcast %broadcast_in_dim3A : f32 to vector<16xf32>
    %scan3A = arith.constant 0 : i32
    %scan3A_2 = arith.constant 0 : i32
    %scan3A_3 = arith.constant 80 : i32
    %scan3A_4 = arith.addi %scan3A_2, %scan3A_3 : i32
    %scan3A_5 = arith.constant 1 : i32
    scf.for %scan3A_66 = %scan3A_2 to %scan3A_4 step %scan3A_5  : i32 {
      %swap3A = arith.index_cast %scan3A_66 : i32 to index
      %swap3A_67 = arith.constant 0 : index
      %swap3A_68 = tpu.vector_load %arg8[%swap3A, %swap3A_67] {strides = array<i32>} : memref<80x128xf32, #tpu.memory_space<vmem>>, vector<1x16xf32>,
      %swap3A_69 = vector.shape_cast %swap3A_68 : vector<1x16xf32> to vector<16xf32>
      %swap3A_70 = vector.shape_cast %broadcast_in_dim3A_1 : vector<16xf32> to vector<1x16xf32>
      tpu.vector_store %arg8[%swap3A, %swap3A_67], %swap3A_70 {strides = array<i32>} : memref<80x128xf32, #tpu.memory_space<vmem>>, vector<1x16xf32>,
      %swap3A_71 = arith.index_cast %scan3A_66 : i32 to index
      %swap3A_72 = arith.constant 16 : index
      %swap3A_73 = tpu.vector_load %arg8[%swap3A_71, %swap3A_72] {strides = array<i32>} : memref<80x128xf32, #tpu.memory_space<vmem>>, vector<1x16xf32>,
      %swap3A_74 = vector.shape_cast %swap3A_73 : vector<1x16xf32> to vector<16xf32>
      %swap3A_75 = vector.shape_cast %broadcast_in_dim3A_1 : vector<16xf32> to vector<1x16xf32>
      tpu.vector_store %arg8[%swap3A_71, %swap3A_72], %swap3A_75 {strides = array<i32>} : memref<80x128xf32, #tpu.memory_space<vmem>>, vector<1x16xf32>,
      %swap3A_76 = arith.index_cast %scan3A_66 : i32 to index
      %swap3A_77 = arith.constant 32 : index
      %swap3A_78 = tpu.vector_load %arg8[%swap3A_76, %swap3A_77] {strides = array<i32>} : memref<80x128xf32, #tpu.memory_space<vmem>>, vector<1x16xf32>,
      %swap3A_79 = vector.shape_cast %swap3A_78 : vector<1x16xf32> to vector<16xf32>
      %swap3A_80 = vector.shape_cast %broadcast_in_dim3A_1 : vector<16xf32> to vector<1x16xf32>
      tpu.vector_store %arg8[%swap3A_76, %swap3A_77], %swap3A_80 {strides = array<i32>} : memref<80x128xf32, #tpu.memory_space<vmem>>, vector<1x16xf32>,
      %swap3A_81 = arith.index_cast %scan3A_66 : i32 to index
      %swap3A_82 = arith.constant 48 : index
      %swap3A_83 = tpu.vector_load %arg8[%swap3A_81, %swap3A_82] {strides = array<i32>} : memref<80x128xf32, #tpu.memory_space<vmem>>, vector<1x16xf32>,
      %swap3A_84 = vector.shape_cast %swap3A_83 : vector<1x16xf32> to vector<16xf32>
      %swap3A_85 = vector.shape_cast %broadcast_in_dim3A_1 : vector<16xf32> to vector<1x16xf32>
      tpu.vector_store %arg8[%swap3A_81, %swap3A_82], %swap3A_85 {strides = array<i32>} : memref<80x128xf32, #tpu.memory_space<vmem>>, vector<1x16xf32>,
      %swap3A_86 = arith.index_cast %scan3A_66 : i32 to index
      %swap3A_87 = arith.constant 64 : index
      %swap3A_88 = tpu.vector_load %arg8[%swap3A_86, %swap3A_87] {strides = array<i32>} : memref<80x128xf32, #tpu.memory_space<vmem>>, vector<1x16xf32>,
      %swap3A_89 = vector.shape_cast %swap3A_88 : vector<1x16xf32> to vector<16xf32>
      %swap3A_90 = vector.shape_cast %broadcast_in_dim3A_1 : vector<16xf32> to vector<1x16xf32>
      tpu.vector_store %arg8[%swap3A_86, %swap3A_87], %swap3A_90 {strides = array<i32>} : memref<80x128xf32, #tpu.memory_space<vmem>>, vector<1x16xf32>,
      %swap3A_91 = arith.index_cast %scan3A_66 : i32 to index
      %swap3A_92 = arith.constant 80 : index
      %swap3A_93 = tpu.vector_load %arg8[%swap3A_91, %swap3A_92] {strides = array<i32>} : memref<80x128xf32, #tpu.memory_space<vmem>>, vector<1x16xf32>,
      %swap3A_94 = vector.shape_cast %swap3A_93 : vector<1x16xf32> to vector<16xf32>
      %swap3A_95 = vector.shape_cast %broadcast_in_dim3A_1 : vector<16xf32> to vector<1x16xf32>
      tpu.vector_store %arg8[%swap3A_91, %swap3A_92], %swap3A_95 {strides = array<i32>} : memref<80x128xf32, #tpu.memory_space<vmem>>, vector<1x16xf32>,
      %swap3A_96 = arith.index_cast %scan3A_66 : i32 to index
      %swap3A_97 = arith.constant 96 : index
      %swap3A_98 = tpu.vector_load %arg8[%swap3A_96, %swap3A_97] {strides = array<i32>} : memref<80x128xf32, #tpu.memory_space<vmem>>, vector<1x16xf32>,
      %swap3A_99 = vector.shape_cast %swap3A_98 : vector<1x16xf32> to vector<16xf32>
      %swap3A_100 = vector.shape_cast %broadcast_in_dim3A_1 : vector<16xf32> to vector<1x16xf32>
      tpu.vector_store %arg8[%swap3A_96, %swap3A_97], %swap3A_100 {strides = array<i32>} : memref<80x128xf32, #tpu.memory_space<vmem>>, vector<1x16xf32>,
      %swap3A_101 = arith.index_cast %scan3A_66 : i32 to index
      %swap3A_102 = arith.constant 112 : index
      %swap3A_103 = tpu.vector_load %arg8[%swap3A_101, %swap3A_102] {strides = array<i32>} : memref<80x128xf32, #tpu.memory_space<vmem>>, vector<1x16xf32>,
      %swap3A_104 = vector.shape_cast %swap3A_103 : vector<1x16xf32> to vector<16xf32>
      %swap3A_105 = vector.shape_cast %broadcast_in_dim3A_1 : vector<16xf32> to vector<1x16xf32>
      tpu.vector_store %arg8[%swap3A_101, %swap3A_102], %swap3A_105 {strides = array<i32>} : memref<80x128xf32, #tpu.memory_space<vmem>>, vector<1x16xf32>,
    }
    %scan3A_6 = arith.constant 80 : i32
    %mul3A_7 = arith.constant 632 : i32
    %mul3A_8 = arith.muli %arg1, %mul3A_7 : i32
    %add3A_9 = arith.constant 0 : i32
    %add3A_10 = arith.addi %mul3A_8, %add3A_9 : i32
    "tpu.region"() ({
      %run_scoped3A_66 = tpu.sem_alloc : memref<!tpu.dma_semaphore, #tpu.memory_space<semaphore_mem>>
      %dma_start3A_67 = arith.constant 0 : i32
      %dma_start3A_68 = arith.constant 0 : i32
      %dma_start3A_69 = tpu.memref_slice %arg8[%dma_start3A_67, %dma_start3A_68] : memref<80x128xf32, #tpu.memory_space<vmem>> -> memref<64x128xf32, #tpu.memory_space<vmem>>
      %dma_start3A_70 = arith.constant 0 : i32
      %dma_start3A_71 = tpu.memref_slice %arg10[%add3A_10, %dma_start3A_70] : memref<10112x128xf32, #tpu.memory_space<vmem_shared>> -> memref<64x128xf32, #tpu.memory_space<vmem_shared>>
      %dma_start3A_72 = arith.constant 0 : i32
      %dma_start3A_73 = tpu.memref_slice %arg10[%add3A_10, %dma_start3A_72] : memref<10112x128xf32, #tpu.memory_space<vmem_shared>> -> memref<64x128xf32, #tpu.memory_space<vmem_shared>>
      %dma_start3A_74 = arith.constant 0 : i32
      %dma_start3A_75 = arith.constant 0 : i32
      %dma_start3A_76 = tpu.memref_slice %arg8[%dma_start3A_74, %dma_start3A_75] : memref<80x128xf32, #tpu.memory_space<vmem>> -> memref<64x128xf32, #tpu.memory_space<vmem>>
      tpu.enqueue_dma source(%dma_start3A_76 : memref<64x128xf32, #tpu.memory_space<vmem>>) target(%dma_start3A_73 : memref<64x128xf32, #tpu.memory_space<vmem_shared>>) target_semaphore(%run_scoped3A_66 : memref<!tpu.dma_semaphore, #tpu.memory_space<semaphore_mem>>)
      %dma_wait3A_77 = arith.constant 0 : i32
      %dma_wait3A_78 = arith.constant 0 : i32
      %dma_wait3A_79 = tpu.memref_slice %arg8[%dma_wait3A_77, %dma_wait3A_78] : memref<80x128xf32, #tpu.memory_space<vmem>> -> memref<64x128xf32, #tpu.memory_space<vmem>>
      %dma_wait3A_80 = arith.constant 0 : i32
      %dma_wait3A_81 = tpu.memref_slice %arg10[%add3A_10, %dma_wait3A_80] : memref<10112x128xf32, #tpu.memory_space<vmem_shared>> -> memref<64x128xf32, #tpu.memory_space<vmem_shared>>
      %dma_wait3A_82 = arith.constant 0 : i32
      %dma_wait3A_83 = tpu.memref_slice %arg10[%add3A_10, %dma_wait3A_82] : memref<10112x128xf32, #tpu.memory_space<vmem_shared>> -> memref<64x128xf32, #tpu.memory_space<vmem_shared>>
      %dma_wait3A_84 = arith.constant 0 : i32
      %dma_wait3A_85 = arith.constant 0 : i32
      %dma_wait3A_86 = tpu.memref_slice %arg8[%dma_wait3A_84, %dma_wait3A_85] : memref<80x128xf32, #tpu.memory_space<vmem>> -> memref<64x128xf32, #tpu.memory_space<vmem>>
      tpu.wait_dma2 semaphore(%run_scoped3A_66 : memref<!tpu.dma_semaphore, #tpu.memory_space<semaphore_mem>>) src(%dma_wait3A_86 : memref<64x128xf32, #tpu.memory_space<vmem>>) dst(%dma_wait3A_83 : memref<64x128xf32, #tpu.memory_space<vmem_shared>>)
      tpu.yield
    }) : () -> ()
    %mul3A_11 = arith.constant 632 : i32
    %mul3A_12 = arith.muli %arg1, %mul3A_11 : i32
    %add3A_13 = arith.constant 64 : i32
    %add3A_14 = arith.addi %mul3A_12, %add3A_13 : i32
    "tpu.region"() ({
      %run_scoped3A_66 = tpu.sem_alloc : memref<!tpu.dma_semaphore, #tpu.memory_space<semaphore_mem>>
      %dma_start3A_67 = arith.constant 0 : i32
      %dma_start3A_68 = arith.constant 0 : i32
      %dma_start3A_69 = tpu.memref_slice %arg8[%dma_start3A_67, %dma_start3A_68] : memref<80x128xf32, #tpu.memory_space<vmem>> -> memref<64x128xf32, #tpu.memory_space<vmem>>
      %dma_start3A_70 = arith.constant 0 : i32
      %dma_start3A_71 = tpu.memref_slice %arg10[%add3A_14, %dma_start3A_70] : memref<10112x128xf32, #tpu.memory_space<vmem_shared>> -> memref<64x128xf32, #tpu.memory_space<vmem_shared>>
      %dma_start3A_72 = arith.constant 0 : i32
      %dma_start3A_73 = tpu.memref_slice %arg10[%add3A_14, %dma_start3A_72] : memref<10112x128xf32, #tpu.memory_space<vmem_shared>> -> memref<64x128xf32, #tpu.memory_space<vmem_shared>>
      %dma_start3A_74 = arith.constant 0 : i32
      %dma_start3A_75 = arith.constant 0 : i32
      %dma_start3A_76 = tpu.memref_slice %arg8[%dma_start3A_74, %dma_start3A_75] : memref<80x128xf32, #tpu.memory_space<vmem>> -> memref<64x128xf32, #tpu.memory_space<vmem>>
      tpu.enqueue_dma source(%dma_start3A_76 : memref<64x128xf32, #tpu.memory_space<vmem>>) target(%dma_start3A_73 : memref<64x128xf32, #tpu.memory_space<vmem_shared>>) target_semaphore(%run_scoped3A_66 : memref<!tpu.dma_semaphore, #tpu.memory_space<semaphore_mem>>)
      %dma_wait3A_77 = arith.constant 0 : i32
      %dma_wait3A_78 = arith.constant 0 : i32
      %dma_wait3A_79 = tpu.memref_slice %arg8[%dma_wait3A_77, %dma_wait3A_78] : memref<80x128xf32, #tpu.memory_space<vmem>> -> memref<64x128xf32, #tpu.memory_space<vmem>>
      %dma_wait3A_80 = arith.constant 0 : i32
      %dma_wait3A_81 = tpu.memref_slice %arg10[%add3A_14, %dma_wait3A_80] : memref<10112x128xf32, #tpu.memory_space<vmem_shared>> -> memref<64x128xf32, #tpu.memory_space<vmem_shared>>
      %dma_wait3A_82 = arith.constant 0 : i32
      %dma_wait3A_83 = tpu.memref_slice %arg10[%add3A_14, %dma_wait3A_82] : memref<10112x128xf32, #tpu.memory_space<vmem_shared>> -> memref<64x128xf32, #tpu.memory_space<vmem_shared>>
      %dma_wait3A_84 = arith.constant 0 : i32
      %dma_wait3A_85 = arith.constant 0 : i32
      %dma_wait3A_86 = tpu.memref_slice %arg8[%dma_wait3A_84, %dma_wait3A_85] : memref<80x128xf32, #tpu.memory_space<vmem>> -> memref<64x128xf32, #tpu.memory_space<vmem>>
      tpu.wait_dma2 semaphore(%run_scoped3A_66 : memref<!tpu.dma_semaphore, #tpu.memory_space<semaphore_mem>>) src(%dma_wait3A_86 : memref<64x128xf32, #tpu.memory_space<vmem>>) dst(%dma_wait3A_83 : memref<64x128xf32, #tpu.memory_space<vmem_shared>>)
      tpu.yield
    }) : () -> ()
    %mul3A_15 = arith.constant 632 : i32
    %mul3A_16 = arith.muli %arg1, %mul3A_15 : i32
    %add3A_17 = arith.constant 128 : i32
    %add3A_18 = arith.addi %mul3A_16, %add3A_17 : i32
    "tpu.region"() ({
      %run_scoped3A_66 = tpu.sem_alloc : memref<!tpu.dma_semaphore, #tpu.memory_space<semaphore_mem>>
      %dma_start3A_67 = arith.constant 0 : i32
      %dma_start3A_68 = arith.constant 0 : i32
      %dma_start3A_69 = tpu.memref_slice %arg8[%dma_start3A_67, %dma_start3A_68] : memref<80x128xf32, #tpu.memory_space<vmem>> -> memref<64x128xf32, #tpu.memory_space<vmem>>
      %dma_start3A_70 = arith.constant 0 : i32
      %dma_start3A_71 = tpu.memref_slice %arg10[%add3A_18, %dma_start3A_70] : memref<10112x128xf32, #tpu.memory_space<vmem_shared>> -> memref<64x128xf32, #tpu.memory_space<vmem_shared>>
      %dma_start3A_72 = arith.constant 0 : i32
      %dma_start3A_73 = tpu.memref_slice %arg10[%add3A_18, %dma_start3A_72] : memref<10112x128xf32, #tpu.memory_space<vmem_shared>> -> memref<64x128xf32, #tpu.memory_space<vmem_shared>>
      %dma_start3A_74 = arith.constant 0 : i32
      %dma_start3A_75 = arith.constant 0 : i32
      %dma_start3A_76 = tpu.memref_slice %arg8[%dma_start3A_74, %dma_start3A_75] : memref<80x128xf32, #tpu.memory_space<vmem>> -> memref<64x128xf32, #tpu.memory_space<vmem>>
      tpu.enqueue_dma source(%dma_start3A_76 : memref<64x128xf32, #tpu.memory_space<vmem>>) target(%dma_start3A_73 : memref<64x128xf32, #tpu.memory_space<vmem_shared>>) target_semaphore(%run_scoped3A_66 : memref<!tpu.dma_semaphore, #tpu.memory_space<semaphore_mem>>)
      %dma_wait3A_77 = arith.constant 0 : i32
      %dma_wait3A_78 = arith.constant 0 : i32
      %dma_wait3A_79 = tpu.memref_slice %arg8[%dma_wait3A_77, %dma_wait3A_78] : memref<80x128xf32, #tpu.memory_space<vmem>> -> memref<64x128xf32, #tpu.memory_space<vmem>>
      %dma_wait3A_80 = arith.constant 0 : i32
      %dma_wait3A_81 = tpu.memref_slice %arg10[%add3A_18, %dma_wait3A_80] : memref<10112x128xf32, #tpu.memory_space<vmem_shared>> -> memref<64x128xf32, #tpu.memory_space<vmem_shared>>
      %dma_wait3A_82 = arith.constant 0 : i32
      %dma_wait3A_83 = tpu.memref_slice %arg10[%add3A_18, %dma_wait3A_82] : memref<10112x128xf32, #tpu.memory_space<vmem_shared>> -> memref<64x128xf32, #tpu.memory_space<vmem_shared>>
      %dma_wait3A_84 = arith.constant 0 : i32
      %dma_wait3A_85 = arith.constant 0 : i32
      %dma_wait3A_86 = tpu.memref_slice %arg8[%dma_wait3A_84, %dma_wait3A_85] : memref<80x128xf32, #tpu.memory_space<vmem>> -> memref<64x128xf32, #tpu.memory_space<vmem>>
      tpu.wait_dma2 semaphore(%run_scoped3A_66 : memref<!tpu.dma_semaphore, #tpu.memory_space<semaphore_mem>>) src(%dma_wait3A_86 : memref<64x128xf32, #tpu.memory_space<vmem>>) dst(%dma_wait3A_83 : memref<64x128xf32, #tpu.memory_space<vmem_shared>>)
      tpu.yield
    }) : () -> ()
    %mul3A_19 = arith.constant 632 : i32
    %mul3A_20 = arith.muli %arg1, %mul3A_19 : i32
    %add3A_21 = arith.constant 192 : i32
    %add3A_22 = arith.addi %mul3A_20, %add3A_21 : i32
    "tpu.region"() ({
      %run_scoped3A_66 = tpu.sem_alloc : memref<!tpu.dma_semaphore, #tpu.memory_space<semaphore_mem>>
      %dma_start3A_67 = arith.constant 0 : i32
      %dma_start3A_68 = arith.constant 0 : i32
      %dma_start3A_69 = tpu.memref_slice %arg8[%dma_start3A_67, %dma_start3A_68] : memref<80x128xf32, #tpu.memory_space<vmem>> -> memref<64x128xf32, #tpu.memory_space<vmem>>
      %dma_start3A_70 = arith.constant 0 : i32
      %dma_start3A_71 = tpu.memref_slice %arg10[%add3A_22, %dma_start3A_70] : memref<10112x128xf32, #tpu.memory_space<vmem_shared>> -> memref<64x128xf32, #tpu.memory_space<vmem_shared>>
      %dma_start3A_72 = arith.constant 0 : i32
      %dma_start3A_73 = tpu.memref_slice %arg10[%add3A_22, %dma_start3A_72] : memref<10112x128xf32, #tpu.memory_space<vmem_shared>> -> memref<64x128xf32, #tpu.memory_space<vmem_shared>>
      %dma_start3A_74 = arith.constant 0 : i32
      %dma_start3A_75 = arith.constant 0 : i32
      %dma_start3A_76 = tpu.memref_slice %arg8[%dma_start3A_74, %dma_start3A_75] : memref<80x128xf32, #tpu.memory_space<vmem>> -> memref<64x128xf32, #tpu.memory_space<vmem>>
      tpu.enqueue_dma source(%dma_start3A_76 : memref<64x128xf32, #tpu.memory_space<vmem>>) target(%dma_start3A_73 : memref<64x128xf32, #tpu.memory_space<vmem_shared>>) target_semaphore(%run_scoped3A_66 : memref<!tpu.dma_semaphore, #tpu.memory_space<semaphore_mem>>)
      %dma_wait3A_77 = arith.constant 0 : i32
      %dma_wait3A_78 = arith.constant 0 : i32
      %dma_wait3A_79 = tpu.memref_slice %arg8[%dma_wait3A_77, %dma_wait3A_78] : memref<80x128xf32, #tpu.memory_space<vmem>> -> memref<64x128xf32, #tpu.memory_space<vmem>>
      %dma_wait3A_80 = arith.constant 0 : i32
      %dma_wait3A_81 = tpu.memref_slice %arg10[%add3A_22, %dma_wait3A_80] : memref<10112x128xf32, #tpu.memory_space<vmem_shared>> -> memref<64x128xf32, #tpu.memory_space<vmem_shared>>
      %dma_wait3A_82 = arith.constant 0 : i32
      %dma_wait3A_83 = tpu.memref_slice %arg10[%add3A_22, %dma_wait3A_82] : memref<10112x128xf32, #tpu.memory_space<vmem_shared>> -> memref<64x128xf32, #tpu.memory_space<vmem_shared>>
      %dma_wait3A_84 = arith.constant 0 : i32
      %dma_wait3A_85 = arith.constant 0 : i32
      %dma_wait3A_86 = tpu.memref_slice %arg8[%dma_wait3A_84, %dma_wait3A_85] : memref<80x128xf32, #tpu.memory_space<vmem>> -> memref<64x128xf32, #tpu.memory_space<vmem>>
      tpu.wait_dma2 semaphore(%run_scoped3A_66 : memref<!tpu.dma_semaphore, #tpu.memory_space<semaphore_mem>>) src(%dma_wait3A_86 : memref<64x128xf32, #tpu.memory_space<vmem>>) dst(%dma_wait3A_83 : memref<64x128xf32, #tpu.memory_space<vmem_shared>>)
      tpu.yield
    }) : () -> ()
    %mul3A_23 = arith.constant 632 : i32
    %mul3A_24 = arith.muli %arg1, %mul3A_23 : i32
    %add3A_25 = arith.constant 256 : i32
    %add3A_26 = arith.addi %mul3A_24, %add3A_25 : i32
    "tpu.region"() ({
      %run_scoped3A_66 = tpu.sem_alloc : memref<!tpu.dma_semaphore, #tpu.memory_space<semaphore_mem>>
      %dma_start3A_67 = arith.constant 0 : i32
      %dma_start3A_68 = arith.constant 0 : i32
      %dma_start3A_69 = tpu.memref_slice %arg8[%dma_start3A_67, %dma_start3A_68] : memref<80x128xf32, #tpu.memory_space<vmem>> -> memref<64x128xf32, #tpu.memory_space<vmem>>
      %dma_start3A_70 = arith.constant 0 : i32
      %dma_start3A_71 = tpu.memref_slice %arg10[%add3A_26, %dma_start3A_70] : memref<10112x128xf32, #tpu.memory_space<vmem_shared>> -> memref<64x128xf32, #tpu.memory_space<vmem_shared>>
      %dma_start3A_72 = arith.constant 0 : i32
      %dma_start3A_73 = tpu.memref_slice %arg10[%add3A_26, %dma_start3A_72] : memref<10112x128xf32, #tpu.memory_space<vmem_shared>> -> memref<64x128xf32, #tpu.memory_space<vmem_shared>>
      %dma_start3A_74 = arith.constant 0 : i32
      %dma_start3A_75 = arith.constant 0 : i32
      %dma_start3A_76 = tpu.memref_slice %arg8[%dma_start3A_74, %dma_start3A_75] : memref<80x128xf32, #tpu.memory_space<vmem>> -> memref<64x128xf32, #tpu.memory_space<vmem>>
      tpu.enqueue_dma source(%dma_start3A_76 : memref<64x128xf32, #tpu.memory_space<vmem>>) target(%dma_start3A_73 : memref<64x128xf32, #tpu.memory_space<vmem_shared>>) target_semaphore(%run_scoped3A_66 : memref<!tpu.dma_semaphore, #tpu.memory_space<semaphore_mem>>)
      %dma_wait3A_77 = arith.constant 0 : i32
      %dma_wait3A_78 = arith.constant 0 : i32
      %dma_wait3A_79 = tpu.memref_slice %arg8[%dma_wait3A_77, %dma_wait3A_78] : memref<80x128xf32, #tpu.memory_space<vmem>> -> memref<64x128xf32, #tpu.memory_space<vmem>>
      %dma_wait3A_80 = arith.constant 0 : i32
      %dma_wait3A_81 = tpu.memref_slice %arg10[%add3A_26, %dma_wait3A_80] : memref<10112x128xf32, #tpu.memory_space<vmem_shared>> -> memref<64x128xf32, #tpu.memory_space<vmem_shared>>
      %dma_wait3A_82 = arith.constant 0 : i32
      %dma_wait3A_83 = tpu.memref_slice %arg10[%add3A_26, %dma_wait3A_82] : memref<10112x128xf32, #tpu.memory_space<vmem_shared>> -> memref<64x128xf32, #tpu.memory_space<vmem_shared>>
      %dma_wait3A_84 = arith.constant 0 : i32
      %dma_wait3A_85 = arith.constant 0 : i32
      %dma_wait3A_86 = tpu.memref_slice %arg8[%dma_wait3A_84, %dma_wait3A_85] : memref<80x128xf32, #tpu.memory_space<vmem>> -> memref<64x128xf32, #tpu.memory_space<vmem>>
      tpu.wait_dma2 semaphore(%run_scoped3A_66 : memref<!tpu.dma_semaphore, #tpu.memory_space<semaphore_mem>>) src(%dma_wait3A_86 : memref<64x128xf32, #tpu.memory_space<vmem>>) dst(%dma_wait3A_83 : memref<64x128xf32, #tpu.memory_space<vmem_shared>>)
      tpu.yield
    }) : () -> ()
    %mul3A_27 = arith.constant 632 : i32
    %mul3A_28 = arith.muli %arg1, %mul3A_27 : i32
    %add3A_29 = arith.constant 320 : i32
    %add3A_30 = arith.addi %mul3A_28, %add3A_29 : i32
    "tpu.region"() ({
      %run_scoped3A_66 = tpu.sem_alloc : memref<!tpu.dma_semaphore, #tpu.memory_space<semaphore_mem>>
      %dma_start3A_67 = arith.constant 0 : i32
      %dma_start3A_68 = arith.constant 0 : i32
      %dma_start3A_69 = tpu.memref_slice %arg8[%dma_start3A_67, %dma_start3A_68] : memref<80x128xf32, #tpu.memory_space<vmem>> -> memref<64x128xf32, #tpu.memory_space<vmem>>
      %dma_start3A_70 = arith.constant 0 : i32
      %dma_start3A_71 = tpu.memref_slice %arg10[%add3A_30, %dma_start3A_70] : memref<10112x128xf32, #tpu.memory_space<vmem_shared>> -> memref<64x128xf32, #tpu.memory_space<vmem_shared>>
      %dma_start3A_72 = arith.constant 0 : i32
      %dma_start3A_73 = tpu.memref_slice %arg10[%add3A_30, %dma_start3A_72] : memref<10112x128xf32, #tpu.memory_space<vmem_shared>> -> memref<64x128xf32, #tpu.memory_space<vmem_shared>>
      %dma_start3A_74 = arith.constant 0 : i32
      %dma_start3A_75 = arith.constant 0 : i32
      %dma_start3A_76 = tpu.memref_slice %arg8[%dma_start3A_74, %dma_start3A_75] : memref<80x128xf32, #tpu.memory_space<vmem>> -> memref<64x128xf32, #tpu.memory_space<vmem>>
      tpu.enqueue_dma source(%dma_start3A_76 : memref<64x128xf32, #tpu.memory_space<vmem>>) target(%dma_start3A_73 : memref<64x128xf32, #tpu.memory_space<vmem_shared>>) target_semaphore(%run_scoped3A_66 : memref<!tpu.dma_semaphore, #tpu.memory_space<semaphore_mem>>)
      %dma_wait3A_77 = arith.constant 0 : i32
      %dma_wait3A_78 = arith.constant 0 : i32
      %dma_wait3A_79 = tpu.memref_slice %arg8[%dma_wait3A_77, %dma_wait3A_78] : memref<80x128xf32, #tpu.memory_space<vmem>> -> memref<64x128xf32, #tpu.memory_space<vmem>>
      %dma_wait3A_80 = arith.constant 0 : i32
      %dma_wait3A_81 = tpu.memref_slice %arg10[%add3A_30, %dma_wait3A_80] : memref<10112x128xf32, #tpu.memory_space<vmem_shared>> -> memref<64x128xf32, #tpu.memory_space<vmem_shared>>
      %dma_wait3A_82 = arith.constant 0 : i32
      %dma_wait3A_83 = tpu.memref_slice %arg10[%add3A_30, %dma_wait3A_82] : memref<10112x128xf32, #tpu.memory_space<vmem_shared>> -> memref<64x128xf32, #tpu.memory_space<vmem_shared>>
      %dma_wait3A_84 = arith.constant 0 : i32
      %dma_wait3A_85 = arith.constant 0 : i32
      %dma_wait3A_86 = tpu.memref_slice %arg8[%dma_wait3A_84, %dma_wait3A_85] : memref<80x128xf32, #tpu.memory_space<vmem>> -> memref<64x128xf32, #tpu.memory_space<vmem>>
      tpu.wait_dma2 semaphore(%run_scoped3A_66 : memref<!tpu.dma_semaphore, #tpu.memory_space<semaphore_mem>>) src(%dma_wait3A_86 : memref<64x128xf32, #tpu.memory_space<vmem>>) dst(%dma_wait3A_83 : memref<64x128xf32, #tpu.memory_space<vmem_shared>>)
      tpu.yield
    }) : () -> ()
    %mul3A_31 = arith.constant 632 : i32
    %mul3A_32 = arith.muli %arg1, %mul3A_31 : i32
    %add3A_33 = arith.constant 384 : i32
    %add3A_34 = arith.addi %mul3A_32, %add3A_33 : i32
    "tpu.region"() ({
      %run_scoped3A_66 = tpu.sem_alloc : memref<!tpu.dma_semaphore, #tpu.memory_space<semaphore_mem>>
      %dma_start3A_67 = arith.constant 0 : i32
      %dma_start3A_68 = arith.constant 0 : i32
      %dma_start3A_69 = tpu.memref_slice %arg8[%dma_start3A_67, %dma_start3A_68] : memref<80x128xf32, #tpu.memory_space<vmem>> -> memref<64x128xf32, #tpu.memory_space<vmem>>
      %dma_start3A_70 = arith.constant 0 : i32
      %dma_start3A_71 = tpu.memref_slice %arg10[%add3A_34, %dma_start3A_70] : memref<10112x128xf32, #tpu.memory_space<vmem_shared>> -> memref<64x128xf32, #tpu.memory_space<vmem_shared>>
      %dma_start3A_72 = arith.constant 0 : i32
      %dma_start3A_73 = tpu.memref_slice %arg10[%add3A_34, %dma_start3A_72] : memref<10112x128xf32, #tpu.memory_space<vmem_shared>> -> memref<64x128xf32, #tpu.memory_space<vmem_shared>>
      %dma_start3A_74 = arith.constant 0 : i32
      %dma_start3A_75 = arith.constant 0 : i32
      %dma_start3A_76 = tpu.memref_slice %arg8[%dma_start3A_74, %dma_start3A_75] : memref<80x128xf32, #tpu.memory_space<vmem>> -> memref<64x128xf32, #tpu.memory_space<vmem>>
      tpu.enqueue_dma source(%dma_start3A_76 : memref<64x128xf32, #tpu.memory_space<vmem>>) target(%dma_start3A_73 : memref<64x128xf32, #tpu.memory_space<vmem_shared>>) target_semaphore(%run_scoped3A_66 : memref<!tpu.dma_semaphore, #tpu.memory_space<semaphore_mem>>)
      %dma_wait3A_77 = arith.constant 0 : i32
      %dma_wait3A_78 = arith.constant 0 : i32
      %dma_wait3A_79 = tpu.memref_slice %arg8[%dma_wait3A_77, %dma_wait3A_78] : memref<80x128xf32, #tpu.memory_space<vmem>> -> memref<64x128xf32, #tpu.memory_space<vmem>>
      %dma_wait3A_80 = arith.constant 0 : i32
      %dma_wait3A_81 = tpu.memref_slice %arg10[%add3A_34, %dma_wait3A_80] : memref<10112x128xf32, #tpu.memory_space<vmem_shared>> -> memref<64x128xf32, #tpu.memory_space<vmem_shared>>
      %dma_wait3A_82 = arith.constant 0 : i32
      %dma_wait3A_83 = tpu.memref_slice %arg10[%add3A_34, %dma_wait3A_82] : memref<10112x128xf32, #tpu.memory_space<vmem_shared>> -> memref<64x128xf32, #tpu.memory_space<vmem_shared>>
      %dma_wait3A_84 = arith.constant 0 : i32
      %dma_wait3A_85 = arith.constant 0 : i32
      %dma_wait3A_86 = tpu.memref_slice %arg8[%dma_wait3A_84, %dma_wait3A_85] : memref<80x128xf32, #tpu.memory_space<vmem>> -> memref<64x128xf32, #tpu.memory_space<vmem>>
      tpu.wait_dma2 semaphore(%run_scoped3A_66 : memref<!tpu.dma_semaphore, #tpu.memory_space<semaphore_mem>>) src(%dma_wait3A_86 : memref<64x128xf32, #tpu.memory_space<vmem>>) dst(%dma_wait3A_83 : memref<64x128xf32, #tpu.memory_space<vmem_shared>>)
      tpu.yield
    }) : () -> ()
    %mul3A_35 = arith.constant 632 : i32
    %mul3A_36 = arith.muli %arg1, %mul3A_35 : i32
    %add3A_37 = arith.constant 448 : i32
    %add3A_38 = arith.addi %mul3A_36, %add3A_37 : i32
    "tpu.region"() ({
      %run_scoped3A_66 = tpu.sem_alloc : memref<!tpu.dma_semaphore, #tpu.memory_space<semaphore_mem>>
      %dma_start3A_67 = arith.constant 0 : i32
      %dma_start3A_68 = arith.constant 0 : i32
      %dma_start3A_69 = tpu.memref_slice %arg8[%dma_start3A_67, %dma_start3A_68] : memref<80x128xf32, #tpu.memory_space<vmem>> -> memref<64x128xf32, #tpu.memory_space<vmem>>
      %dma_start3A_70 = arith.constant 0 : i32
      %dma_start3A_71 = tpu.memref_slice %arg10[%add3A_38, %dma_start3A_70] : memref<10112x128xf32, #tpu.memory_space<vmem_shared>> -> memref<64x128xf32, #tpu.memory_space<vmem_shared>>
      %dma_start3A_72 = arith.constant 0 : i32
      %dma_start3A_73 = tpu.memref_slice %arg10[%add3A_38, %dma_start3A_72] : memref<10112x128xf32, #tpu.memory_space<vmem_shared>> -> memref<64x128xf32, #tpu.memory_space<vmem_shared>>
      %dma_start3A_74 = arith.constant 0 : i32
      %dma_start3A_75 = arith.constant 0 : i32
      %dma_start3A_76 = tpu.memref_slice %arg8[%dma_start3A_74, %dma_start3A_75] : memref<80x128xf32, #tpu.memory_space<vmem>> -> memref<64x128xf32, #tpu.memory_space<vmem>>
      tpu.enqueue_dma source(%dma_start3A_76 : memref<64x128xf32, #tpu.memory_space<vmem>>) target(%dma_start3A_73 : memref<64x128xf32, #tpu.memory_space<vmem_shared>>) target_semaphore(%run_scoped3A_66 : memref<!tpu.dma_semaphore, #tpu.memory_space<semaphore_mem>>)
      %dma_wait3A_77 = arith.constant 0 : i32
      %dma_wait3A_78 = arith.constant 0 : i32
      %dma_wait3A_79 = tpu.memref_slice %arg8[%dma_wait3A_77, %dma_wait3A_78] : memref<80x128xf32, #tpu.memory_space<vmem>> -> memref<64x128xf32, #tpu.memory_space<vmem>>
      %dma_wait3A_80 = arith.constant 0 : i32
      %dma_wait3A_81 = tpu.memref_slice %arg10[%add3A_38, %dma_wait3A_80] : memref<10112x128xf32, #tpu.memory_space<vmem_shared>> -> memref<64x128xf32, #tpu.memory_space<vmem_shared>>
      %dma_wait3A_82 = arith.constant 0 : i32
      %dma_wait3A_83 = tpu.memref_slice %arg10[%add3A_38, %dma_wait3A_82] : memref<10112x128xf32, #tpu.memory_space<vmem_shared>> -> memref<64x128xf32, #tpu.memory_space<vmem_shared>>
      %dma_wait3A_84 = arith.constant 0 : i32
      %dma_wait3A_85 = arith.constant 0 : i32
      %dma_wait3A_86 = tpu.memref_slice %arg8[%dma_wait3A_84, %dma_wait3A_85] : memref<80x128xf32, #tpu.memory_space<vmem>> -> memref<64x128xf32, #tpu.memory_space<vmem>>
      tpu.wait_dma2 semaphore(%run_scoped3A_66 : memref<!tpu.dma_semaphore, #tpu.memory_space<semaphore_mem>>) src(%dma_wait3A_86 : memref<64x128xf32, #tpu.memory_space<vmem>>) dst(%dma_wait3A_83 : memref<64x128xf32, #tpu.memory_space<vmem_shared>>)
      tpu.yield
    }) : () -> ()
    %mul3A_39 = arith.constant 632 : i32
    %mul3A_40 = arith.muli %arg1, %mul3A_39 : i32
    %add3A_41 = arith.constant 512 : i32
    %add3A_42 = arith.addi %mul3A_40, %add3A_41 : i32
    "tpu.region"() ({
      %run_scoped3A_66 = tpu.sem_alloc : memref<!tpu.dma_semaphore, #tpu.memory_space<semaphore_mem>>
      %dma_start3A_67 = arith.constant 0 : i32
      %dma_start3A_68 = arith.constant 0 : i32
      %dma_start3A_69 = tpu.memref_slice %arg8[%dma_start3A_67, %dma_start3A_68] : memref<80x128xf32, #tpu.memory_space<vmem>> -> memref<64x128xf32, #tpu.memory_space<vmem>>
      %dma_start3A_70 = arith.constant 0 : i32
      %dma_start3A_71 = tpu.memref_slice %arg10[%add3A_42, %dma_start3A_70] : memref<10112x128xf32, #tpu.memory_space<vmem_shared>> -> memref<64x128xf32, #tpu.memory_space<vmem_shared>>
      %dma_start3A_72 = arith.constant 0 : i32
      %dma_start3A_73 = tpu.memref_slice %arg10[%add3A_42, %dma_start3A_72] : memref<10112x128xf32, #tpu.memory_space<vmem_shared>> -> memref<64x128xf32, #tpu.memory_space<vmem_shared>>
      %dma_start3A_74 = arith.constant 0 : i32
      %dma_start3A_75 = arith.constant 0 : i32
      %dma_start3A_76 = tpu.memref_slice %arg8[%dma_start3A_74, %dma_start3A_75] : memref<80x128xf32, #tpu.memory_space<vmem>> -> memref<64x128xf32, #tpu.memory_space<vmem>>
      tpu.enqueue_dma source(%dma_start3A_76 : memref<64x128xf32, #tpu.memory_space<vmem>>) target(%dma_start3A_73 : memref<64x128xf32, #tpu.memory_space<vmem_shared>>) target_semaphore(%run_scoped3A_66 : memref<!tpu.dma_semaphore, #tpu.memory_space<semaphore_mem>>)
      %dma_wait3A_77 = arith.constant 0 : i32
      %dma_wait3A_78 = arith.constant 0 : i32
      %dma_wait3A_79 = tpu.memref_slice %arg8[%dma_wait3A_77, %dma_wait3A_78] : memref<80x128xf32, #tpu.memory_space<vmem>> -> memref<64x128xf32, #tpu.memory_space<vmem>>
      %dma_wait3A_80 = arith.constant 0 : i32
      %dma_wait3A_81 = tpu.memref_slice %arg10[%add3A_42, %dma_wait3A_80] : memref<10112x128xf32, #tpu.memory_space<vmem_shared>> -> memref<64x128xf32, #tpu.memory_space<vmem_shared>>
      %dma_wait3A_82 = arith.constant 0 : i32
      %dma_wait3A_83 = tpu.memref_slice %arg10[%add3A_42, %dma_wait3A_82] : memref<10112x128xf32, #tpu.memory_space<vmem_shared>> -> memref<64x128xf32, #tpu.memory_space<vmem_shared>>
      %dma_wait3A_84 = arith.constant 0 : i32
      %dma_wait3A_85 = arith.constant 0 : i32
      %dma_wait3A_86 = tpu.memref_slice %arg8[%dma_wait3A_84, %dma_wait3A_85] : memref<80x128xf32, #tpu.memory_space<vmem>> -> memref<64x128xf32, #tpu.memory_space<vmem>>
      tpu.wait_dma2 semaphore(%run_scoped3A_66 : memref<!tpu.dma_semaphore, #tpu.memory_space<semaphore_mem>>) src(%dma_wait3A_86 : memref<64x128xf32, #tpu.memory_space<vmem>>) dst(%dma_wait3A_83 : memref<64x128xf32, #tpu.memory_space<vmem_shared>>)
      tpu.yield
    }) : () -> ()
    %mul3A_43 = arith.constant 632 : i32
    %mul3A_44 = arith.muli %arg1, %mul3A_43 : i32
    %add3A_45 = arith.constant 576 : i32
    %add3A_46 = arith.addi %mul3A_44, %add3A_45 : i32
    "tpu.region"() ({
      %run_scoped3A_66 = tpu.sem_alloc : memref<!tpu.dma_semaphore, #tpu.memory_space<semaphore_mem>>
      %dma_start3A_67 = arith.constant 0 : i32
      %dma_start3A_68 = arith.constant 0 : i32
      %dma_start3A_69 = tpu.memref_slice %arg8[%dma_start3A_67, %dma_start3A_68] : memref<80x128xf32, #tpu.memory_space<vmem>> -> memref<56x128xf32, #tpu.memory_space<vmem>>
      %dma_start3A_70 = arith.constant 0 : i32
      %dma_start3A_71 = tpu.memref_slice %arg10[%add3A_46, %dma_start3A_70] : memref<10112x128xf32, #tpu.memory_space<vmem_shared>> -> memref<56x128xf32, #tpu.memory_space<vmem_shared>>
      %dma_start3A_72 = arith.constant 0 : i32
      %dma_start3A_73 = tpu.memref_slice %arg10[%add3A_46, %dma_start3A_72] : memref<10112x128xf32, #tpu.memory_space<vmem_shared>> -> memref<56x128xf32, #tpu.memory_space<vmem_shared>>
      %dma_start3A_74 = arith.constant 0 : i32
      %dma_start3A_75 = arith.constant 0 : i32
      %dma_start3A_76 = tpu.memref_slice %arg8[%dma_start3A_74, %dma_start3A_75] : memref<80x128xf32, #tpu.memory_space<vmem>> -> memref<56x128xf32, #tpu.memory_space<vmem>>
      tpu.enqueue_dma source(%dma_start3A_76 : memref<56x128xf32, #tpu.memory_space<vmem>>) target(%dma_start3A_73 : memref<56x128xf32, #tpu.memory_space<vmem_shared>>) target_semaphore(%run_scoped3A_66 : memref<!tpu.dma_semaphore, #tpu.memory_space<semaphore_mem>>)
      %dma_wait3A_77 = arith.constant 0 : i32
      %dma_wait3A_78 = arith.constant 0 : i32
      %dma_wait3A_79 = tpu.memref_slice %arg8[%dma_wait3A_77, %dma_wait3A_78] : memref<80x128xf32, #tpu.memory_space<vmem>> -> memref<56x128xf32, #tpu.memory_space<vmem>>
      %dma_wait3A_80 = arith.constant 0 : i32
      %dma_wait3A_81 = tpu.memref_slice %arg10[%add3A_46, %dma_wait3A_80] : memref<10112x128xf32, #tpu.memory_space<vmem_shared>> -> memref<56x128xf32, #tpu.memory_space<vmem_shared>>
      %dma_wait3A_82 = arith.constant 0 : i32
      %dma_wait3A_83 = tpu.memref_slice %arg10[%add3A_46, %dma_wait3A_82] : memref<10112x128xf32, #tpu.memory_space<vmem_shared>> -> memref<56x128xf32, #tpu.memory_space<vmem_shared>>
      %dma_wait3A_84 = arith.constant 0 : i32
      %dma_wait3A_85 = arith.constant 0 : i32
      %dma_wait3A_86 = tpu.memref_slice %arg8[%dma_wait3A_84, %dma_wait3A_85] : memref<80x128xf32, #tpu.memory_space<vmem>> -> memref<56x128xf32, #tpu.memory_space<vmem>>
      tpu.wait_dma2 semaphore(%run_scoped3A_66 : memref<!tpu.dma_semaphore, #tpu.memory_space<semaphore_mem>>) src(%dma_wait3A_86 : memref<56x128xf32, #tpu.memory_space<vmem>>) dst(%dma_wait3A_83 : memref<56x128xf32, #tpu.memory_space<vmem_shared>>)
      tpu.yield
    }) : () -> ()
    %barrier3A = arith.constant 0 : index
    tpu.barrier barrier_id(%barrier3A)
    %dma_start3A = arith.constant 0 : i32
    %dma_start3A_47 = tpu.memref_slice %arg6[%dma_start3A] : memref<10000xi32, #tpu.memory_space<vmem>> -> memref<80xi32, #tpu.memory_space<vmem>>
    %dma_start3A_48 = arith.constant 0 : i32
    %dma_start3A_49 = arith.constant 0 : i32
    %dma_start3A_50 = tpu.memref_slice %arg2[%dma_start3A_48, %dma_start3A_49] : memref<10000x128xf32, #tpu.memory_space<hbm>> -> memref<10000x128xf32, #tpu.memory_space<hbm>>
    tpu.enqueue_indirect_dma source(%dma_start3A_50 : memref<10000x128xf32, #tpu.memory_space<hbm>>) target(%arg8 : memref<80x128xf32, #tpu.memory_space<vmem>>) offsets(%dma_start3A_47 : memref<80xi32, #tpu.memory_space<vmem>>) semaphore(%arg11 : memref<!tpu.dma_semaphore, #tpu.memory_space<semaphore_mem>>)
    %scan3A_51 = arith.constant 0 : i32
    %scan3A_52 = arith.constant 0 : i32
    %scan3A_53 = arith.constant 62 : i32
    %scan3A_54 = arith.addi %scan3A_52, %scan3A_53 : i32
    %scan3A_55 = arith.constant 1 : i32
    scf.for %scan3A_66 = %scan3A_52 to %scan3A_54 step %scan3A_55  : i32 {
      %mul3A_67 = arith.constant 2 : i32
      %mul3A_68 = arith.muli %mul3A_67, %scan3A_66 : i32
      %add3A_69 = arith.constant 1 : i32
      %add3A_70 = arith.addi %mul3A_68, %add3A_69 : i32
      %mul3A_71 = arith.constant 80 : i32
      %mul3A_72 = arith.muli %mul3A_68, %mul3A_71 : i32
      %dma_wait3A_73 = tpu.memref_slice %arg6[%mul3A_72] : memref<10000xi32, #tpu.memory_space<vmem>> -> memref<80xi32, #tpu.memory_space<vmem>>
      %dma_wait3A_74 = arith.constant 0 : i32
      %dma_wait3A_75 = arith.constant 0 : i32
      %dma_wait3A_76 = tpu.memref_slice %arg2[%dma_wait3A_74, %dma_wait3A_75] : memref<10000x128xf32, #tpu.memory_space<hbm>> -> memref<10000x128xf32, #tpu.memory_space<hbm>>
      tpu.wait_indirect_dma semaphore(%arg11 : memref<!tpu.dma_semaphore, #tpu.memory_space<semaphore_mem>>) src(%dma_wait3A_76 : memref<10000x128xf32, #tpu.memory_space<hbm>>) dst(%arg8 : memref<80x128xf32, #tpu.memory_space<vmem>>)
      %mul3A_77 = arith.constant 80 : i32
      %mul3A_78 = arith.muli %add3A_70, %mul3A_77 : i32
      %dma_start3A_79 = tpu.memref_slice %arg6[%mul3A_78] : memref<10000xi32, #tpu.memory_space<vmem>> -> memref<80xi32, #tpu.memory_space<vmem>>
      %dma_start3A_80 = arith.constant 0 : i32
      %dma_start3A_81 = arith.constant 0 : i32
      %dma_start3A_82 = tpu.memref_slice %arg2[%dma_start3A_80, %dma_start3A_81] : memref<10000x128xf32, #tpu.memory_space<hbm>> -> memref<10000x128xf32, #tpu.memory_space<hbm>>
      tpu.enqueue_indirect_dma source(%dma_start3A_82 : memref<10000x128xf32, #tpu.memory_space<hbm>>) target(%arg9 : memref<80x128xf32, #tpu.memory_space<vmem>>) offsets(%dma_start3A_79 : memref<80xi32, #tpu.memory_space<vmem>>) semaphore(%arg12 : memref<!tpu.dma_semaphore, #tpu.memory_space<semaphore_mem>>)
      "tpu.region"() ({
        %run_scoped3A_97 = tpu.sem_alloc : memref<!tpu.dma_semaphore, #tpu.memory_space<semaphore_mem>>
        %dma_start3A_98 = arith.constant 0 : i32
        %dma_start3A_99 = tpu.memref_slice %arg7[%mul3A_68, %dma_start3A_98] : memref<125x80xi32, #tpu.memory_space<vmem>> -> memref<1x80xi32, #tpu.memory_space<vmem>>
        %dma_start3A_100 = tpu.memref_squeeze %dma_start3A_99 : memref<1x80xi32, #tpu.memory_space<vmem>> -> memref<80xi32, #tpu.memory_space<vmem>>
        %dma_start3A_101 = arith.constant 0 : i32
        %dma_start3A_102 = arith.constant 0 : i32
        %dma_start3A_103 = tpu.memref_slice %arg10[%dma_start3A_101, %dma_start3A_102] : memref<10112x128xf32, #tpu.memory_space<vmem_shared>> -> memref<10112x128xf32, #tpu.memory_space<vmem_shared>>
        tpu.enqueue_indirect_dma source(%arg8 : memref<80x128xf32, #tpu.memory_space<vmem>>) target(%dma_start3A_103 : memref<10112x128xf32, #tpu.memory_space<vmem_shared>>) offsets(%dma_start3A_100 : memref<80xi32, #tpu.memory_space<vmem>>) semaphore(%run_scoped3A_97 : memref<!tpu.dma_semaphore, #tpu.memory_space<semaphore_mem>>) {add = true}
        %dma_wait3A_104 = arith.constant 0 : i32
        %dma_wait3A_105 = tpu.memref_slice %arg7[%mul3A_68, %dma_wait3A_104] : memref<125x80xi32, #tpu.memory_space<vmem>> -> memref<1x80xi32, #tpu.memory_space<vmem>>
        %dma_wait3A_106 = tpu.memref_squeeze %dma_wait3A_105 : memref<1x80xi32, #tpu.memory_space<vmem>> -> memref<80xi32, #tpu.memory_space<vmem>>
        %dma_wait3A_107 = arith.constant 0 : i32
        %dma_wait3A_108 = arith.constant 0 : i32
        %dma_wait3A_109 = tpu.memref_slice %arg10[%dma_wait3A_107, %dma_wait3A_108] : memref<10112x128xf32, #tpu.memory_space<vmem_shared>> -> memref<10112x128xf32, #tpu.memory_space<vmem_shared>>
        tpu.wait_indirect_dma semaphore(%run_scoped3A_97 : memref<!tpu.dma_semaphore, #tpu.memory_space<semaphore_mem>>) src(%arg8 : memref<80x128xf32, #tpu.memory_space<vmem>>) dst(%dma_wait3A_109 : memref<10112x128xf32, #tpu.memory_space<vmem_shared>>)
        tpu.yield
      }) : () -> ()
      %mul3A_83 = arith.constant 80 : i32
      %mul3A_84 = arith.muli %add3A_70, %mul3A_83 : i32
      %dma_wait3A_85 = tpu.memref_slice %arg6[%mul3A_84] : memref<10000xi32, #tpu.memory_space<vmem>> -> memref<80xi32, #tpu.memory_space<vmem>>
      %dma_wait3A_86 = arith.constant 0 : i32
      %dma_wait3A_87 = arith.constant 0 : i32
      %dma_wait3A_88 = tpu.memref_slice %arg2[%dma_wait3A_86, %dma_wait3A_87] : memref<10000x128xf32, #tpu.memory_space<hbm>> -> memref<10000x128xf32, #tpu.memory_space<hbm>>
      tpu.wait_indirect_dma semaphore(%arg12 : memref<!tpu.dma_semaphore, #tpu.memory_space<semaphore_mem>>) src(%dma_wait3A_88 : memref<10000x128xf32, #tpu.memory_space<hbm>>) dst(%arg9 : memref<80x128xf32, #tpu.memory_space<vmem>>)
      %add3A_89 = arith.constant 2 : i32
      %add3A_90 = arith.addi %mul3A_68, %add3A_89 : i32
      %mul3A_91 = arith.constant 80 : i32
      %mul3A_92 = arith.muli %add3A_90, %mul3A_91 : i32
      %dma_start3A_93 = tpu.memref_slice %arg6[%mul3A_92] : memref<10000xi32, #tpu.memory_space<vmem>> -> memref<80xi32, #tpu.memory_space<vmem>>
      %dma_start3A_94 = arith.constant 0 : i32
      %dma_start3A_95 = arith.constant 0 : i32
      %dma_start3A_96 = tpu.memref_slice %arg2[%dma_start3A_94, %dma_start3A_95] : memref<10000x128xf32, #tpu.memory_space<hbm>> -> memref<10000x128xf32, #tpu.memory_space<hbm>>
      tpu.enqueue_indirect_dma source(%dma_start3A_96 : memref<10000x128xf32, #tpu.memory_space<hbm>>) target(%arg8 : memref<80x128xf32, #tpu.memory_space<vmem>>) offsets(%dma_start3A_93 : memref<80xi32, #tpu.memory_space<vmem>>) semaphore(%arg11 : memref<!tpu.dma_semaphore, #tpu.memory_space<semaphore_mem>>)
      "tpu.region"() ({
        %run_scoped3A_97 = tpu.sem_alloc : memref<!tpu.dma_semaphore, #tpu.memory_space<semaphore_mem>>
        %dma_start3A_98 = arith.constant 0 : i32
        %dma_start3A_99 = tpu.memref_slice %arg7[%add3A_70, %dma_start3A_98] : memref<125x80xi32, #tpu.memory_space<vmem>> -> memref<1x80xi32, #tpu.memory_space<vmem>>
        %dma_start3A_100 = tpu.memref_squeeze %dma_start3A_99 : memref<1x80xi32, #tpu.memory_space<vmem>> -> memref<80xi32, #tpu.memory_space<vmem>>
        %dma_start3A_101 = arith.constant 0 : i32
        %dma_start3A_102 = arith.constant 0 : i32
        %dma_start3A_103 = tpu.memref_slice %arg10[%dma_start3A_101, %dma_start3A_102] : memref<10112x128xf32, #tpu.memory_space<vmem_shared>> -> memref<10112x128xf32, #tpu.memory_space<vmem_shared>>
        tpu.enqueue_indirect_dma source(%arg9 : memref<80x128xf32, #tpu.memory_space<vmem>>) target(%dma_start3A_103 : memref<10112x128xf32, #tpu.memory_space<vmem_shared>>) offsets(%dma_start3A_100 : memref<80xi32, #tpu.memory_space<vmem>>) semaphore(%run_scoped3A_97 : memref<!tpu.dma_semaphore, #tpu.memory_space<semaphore_mem>>) {add = true}
        %dma_wait3A_104 = arith.constant 0 : i32
        %dma_wait3A_105 = tpu.memref_slice %arg7[%add3A_70, %dma_wait3A_104] : memref<125x80xi32, #tpu.memory_space<vmem>> -> memref<1x80xi32, #tpu.memory_space<vmem>>
        %dma_wait3A_106 = tpu.memref_squeeze %dma_wait3A_105 : memref<1x80xi32, #tpu.memory_space<vmem>> -> memref<80xi32, #tpu.memory_space<vmem>>
        %dma_wait3A_107 = arith.constant 0 : i32
        %dma_wait3A_108 = arith.constant 0 : i32
        %dma_wait3A_109 = tpu.memref_slice %arg10[%dma_wait3A_107, %dma_wait3A_108] : memref<10112x128xf32, #tpu.memory_space<vmem_shared>> -> memref<10112x128xf32, #tpu.memory_space<vmem_shared>>
        tpu.wait_indirect_dma semaphore(%run_scoped3A_97 : memref<!tpu.dma_semaphore, #tpu.memory_space<semaphore_mem>>) src(%arg9 : memref<80x128xf32, #tpu.memory_space<vmem>>) dst(%dma_wait3A_109 : memref<10112x128xf32, #tpu.memory_space<vmem_shared>>)
        tpu.yield
      }) : () -> ()
    }
    %scan3A_56 = arith.constant 62 : i32
    %dma_wait3A = arith.constant 0 : i32
    %dma_wait3A_57 = tpu.memref_slice %arg6[%dma_wait3A] : memref<10000xi32, #tpu.memory_space<vmem>> -> memref<80xi32, #tpu.memory_space<vmem>>
    %dma_wait3A_58 = arith.constant 0 : i32
    %dma_wait3A_59 = arith.constant 0 : i32
    %dma_wait3A_60 = tpu.memref_slice %arg2[%dma_wait3A_58, %dma_wait3A_59] : memref<10000x128xf32, #tpu.memory_space<hbm>> -> memref<10000x128xf32, #tpu.memory_space<hbm>>
    tpu.wait_indirect_dma semaphore(%arg11 : memref<!tpu.dma_semaphore, #tpu.memory_space<semaphore_mem>>) src(%dma_wait3A_60 : memref<10000x128xf32, #tpu.memory_space<hbm>>) dst(%arg8 : memref<80x128xf32, #tpu.memory_space<vmem>>)
    %run_scoped3A = arith.constant 124 : i32
    "tpu.region"() ({
      %run_scoped3A_66 = tpu.sem_alloc : memref<!tpu.dma_semaphore, #tpu.memory_space<semaphore_mem>>
      %dma_start3A_67 = arith.constant 0 : i32
      %dma_start3A_68 = tpu.memref_slice %arg7[%run_scoped3A, %dma_start3A_67] : memref<125x80xi32, #tpu.memory_space<vmem>> -> memref<1x80xi32, #tpu.memory_space<vmem>>
      %dma_start3A_69 = tpu.memref_squeeze %dma_start3A_68 : memref<1x80xi32, #tpu.memory_space<vmem>> -> memref<80xi32, #tpu.memory_space<vmem>>
      %dma_start3A_70 = arith.constant 0 : i32
      %dma_start3A_71 = arith.constant 0 : i32
      %dma_start3A_72 = tpu.memref_slice %arg10[%dma_start3A_70, %dma_start3A_71] : memref<10112x128xf32, #tpu.memory_space<vmem_shared>> -> memref<10112x128xf32, #tpu.memory_space<vmem_shared>>
      tpu.enqueue_indirect_dma source(%arg8 : memref<80x128xf32, #tpu.memory_space<vmem>>) target(%dma_start3A_72 : memref<10112x128xf32, #tpu.memory_space<vmem_shared>>) offsets(%dma_start3A_69 : memref<80xi32, #tpu.memory_space<vmem>>) semaphore(%run_scoped3A_66 : memref<!tpu.dma_semaphore, #tpu.memory_space<semaphore_mem>>) {add = true}
      %dma_wait3A_73 = arith.constant 0 : i32
      %dma_wait3A_74 = tpu.memref_slice %arg7[%run_scoped3A, %dma_wait3A_73] : memref<125x80xi32, #tpu.memory_space<vmem>> -> memref<1x80xi32, #tpu.memory_space<vmem>>
      %dma_wait3A_75 = tpu.memref_squeeze %dma_wait3A_74 : memref<1x80xi32, #tpu.memory_space<vmem>> -> memref<80xi32, #tpu.memory_space<vmem>>
      %dma_wait3A_76 = arith.constant 0 : i32
      %dma_wait3A_77 = arith.constant 0 : i32
      %dma_wait3A_78 = tpu.memref_slice %arg10[%dma_wait3A_76, %dma_wait3A_77] : memref<10112x128xf32, #tpu.memory_space<vmem_shared>> -> memref<10112x128xf32, #tpu.memory_space<vmem_shared>>
      tpu.wait_indirect_dma semaphore(%run_scoped3A_66 : memref<!tpu.dma_semaphore, #tpu.memory_space<semaphore_mem>>) src(%arg8 : memref<80x128xf32, #tpu.memory_space<vmem>>) dst(%dma_wait3A_78 : memref<10112x128xf32, #tpu.memory_space<vmem_shared>>)
      tpu.yield
    }) : () -> ()
    %barrier3A_61 = arith.constant 0 : index
    tpu.barrier barrier_id(%barrier3A_61)
    %mul3A_62 = arith.constant 632 : i32
    %mul3A_63 = arith.muli %arg1, %mul3A_62 : i32
    %mul3A_64 = arith.constant 632 : i32
    %mul3A_65 = arith.muli %arg1, %mul3A_64 : i32
    "tpu.region"() ({
      %run_scoped3A_66 = tpu.sem_alloc : memref<!tpu.dma_semaphore, #tpu.memory_space<semaphore_mem>>
      %dma_start3A_67 = arith.constant 0 : i32
      %dma_start3A_68 = tpu.memref_slice %arg5[%arg0, %mul3A_65, %dma_start3A_67] : memref<2x10112x128xf32, #tpu.memory_space<hbm>> -> memref<1x632x128xf32, #tpu.memory_space<hbm>>
      %dma_start3A_69 = tpu.memref_squeeze %dma_start3A_68 : memref<1x632x128xf32, #tpu.memory_space<hbm>> -> memref<632x128xf32, #tpu.memory_space<hbm>>
      %dma_start3A_70 = arith.constant 0 : i32
      %dma_start3A_71 = tpu.memref_slice %arg10[%mul3A_63, %dma_start3A_70] : memref<10112x128xf32, #tpu.memory_space<vmem_shared>> -> memref<632x128xf32, #tpu.memory_space<vmem_shared>>
      tpu.enqueue_dma source(%dma_start3A_71 : memref<632x128xf32, #tpu.memory_space<vmem_shared>>) target(%dma_start3A_69 : memref<632x128xf32, #tpu.memory_space<hbm>>) target_semaphore(%run_scoped3A_66 : memref<!tpu.dma_semaphore, #tpu.memory_space<semaphore_mem>>)
      %dma_wait3A_72 = arith.constant 0 : i32
      %dma_wait3A_73 = tpu.memref_slice %arg5[%arg0, %mul3A_65, %dma_wait3A_72] : memref<2x10112x128xf32, #tpu.memory_space<hbm>> -> memref<1x632x128xf32, #tpu.memory_space<hbm>>
      %dma_wait3A_74 = tpu.memref_squeeze %dma_wait3A_73 : memref<1x632x128xf32, #tpu.memory_space<hbm>> -> memref<632x128xf32, #tpu.memory_space<hbm>>
      %dma_wait3A_75 = arith.constant 0 : i32
      %dma_wait3A_76 = tpu.memref_slice %arg10[%mul3A_63, %dma_wait3A_75] : memref<10112x128xf32, #tpu.memory_space<vmem_shared>> -> memref<632x128xf32, #tpu.memory_space<vmem_shared>>
      tpu.wait_dma2 semaphore(%run_scoped3A_66 : memref<!tpu.dma_semaphore, #tpu.memory_space<semaphore_mem>>) src(%dma_wait3A_76 : memref<632x128xf32, #tpu.memory_space<vmem_shared>>) dst(%dma_wait3A_74 : memref<632x128xf32, #tpu.memory_space<hbm>>)
      tpu.yield
    }) : () -> ()
    return
  }
}

#map = affine_map<(d0, d1) -> (0, 0)>
#map1 = affine_map<(d0, d1) -> (0, 0, 0)>
module attributes {stable_mosaic.version = 14 : i64} {
  func.func @_sc_aggregate(%arg0: i32, %arg1: i32, %arg2: memref<10000x128xf32, #tpu.memory_space<hbm>>, %arg3: memref<32x10000xi32, #tpu.memory_space<hbm>>, %arg4: memref<32x125x80xi32, #tpu.memory_space<hbm>>, %arg5: memref<2x10112x128xf32, #tpu.memory_space<hbm>>, %arg6: memref<10000xi32, #tpu.memory_space<vmem>>, %arg7: memref<125x80xi32, #tpu.memory_space<vmem>>, %arg8: memref<80x128xf32, #tpu.memory_space<vmem>>, %arg9: memref<80x128xf32, #tpu.memory_space<vmem>>, %arg10: memref<10112x128xf32, #tpu.memory_space<vmem_shared>>, %arg11: memref<!tpu.dma_semaphore, #tpu.memory_space<semaphore_mem>>, %arg12: memref<!tpu.dma_semaphore, #tpu.memory_space<semaphore_mem>>) attributes {dimension_semantics = [#tpu.dimension_semantics<core_parallel>, #tpu.dimension_semantics<subcore_parallel>], iteration_bounds = array<i64: 2, 16>, scalar_prefetch = 0 : i64, scratch_operands = 7 : i64, tpu.core_type = #tpu.core_type<sc_vector_subcore>, window_params = [{transform_indices = #map}, {transform_indices = #map}, {transform_indices = #map1}, {transform_indices = #map1}]} {
    %mul3A = arith.constant 16 : i32
    %mul3A_0 = arith.muli %arg0, %mul3A : i32
    %add3A = arith.addi %mul3A_0, %arg1 : i32
    "tpu.region"() ({
      %run_scoped3A_66 = tpu.sem_alloc : memref<!tpu.dma_semaphore, #tpu.memory_space<semaphore_mem>>
      %dma_start3A_67 = arith.constant 0 : i32
      %dma_start3A_68 = tpu.memref_slice %arg3[%add3A, %dma_start3A_67] : memref<32x10000xi32, #tpu.memory_space<hbm>> -> memref<1x10000xi32, #tpu.memory_space<hbm>>
      %dma_start3A_69 = tpu.memref_squeeze %dma_start3A_68 : memref<1x10000xi32, #tpu.memory_space<hbm>> -> memref<10000xi32, #tpu.memory_space<hbm>>
      %dma_start3A_70 = arith.constant 0 : i32
      %dma_start3A_71 = tpu.memref_slice %arg3[%add3A, %dma_start3A_70] : memref<32x10000xi32, #tpu.memory_space<hbm>> -> memref<1x10000xi32, #tpu.memory_space<hbm>>
      %dma_start3A_72 = tpu.memref_squeeze %dma_start3A_71 : memref<1x10000xi32, #tpu.memory_space<hbm>> -> memref<10000xi32, #tpu.memory_space<hbm>>
      tpu.enqueue_dma source(%dma_start3A_72 : memref<10000xi32, #tpu.memory_space<hbm>>) target(%arg6 : memref<10000xi32, #tpu.memory_space<vmem>>) target_semaphore(%run_scoped3A_66 : memref<!tpu.dma_semaphore, #tpu.memory_space<semaphore_mem>>)
      %dma_wait3A_73 = arith.constant 0 : i32
      %dma_wait3A_74 = tpu.memref_slice %arg3[%add3A, %dma_wait3A_73] : memref<32x10000xi32, #tpu.memory_space<hbm>> -> memref<1x10000xi32, #tpu.memory_space<hbm>>
      %dma_wait3A_75 = tpu.memref_squeeze %dma_wait3A_74 : memref<1x10000xi32, #tpu.memory_space<hbm>> -> memref<10000xi32, #tpu.memory_space<hbm>>
      %dma_wait3A_76 = arith.constant 0 : i32
      %dma_wait3A_77 = tpu.memref_slice %arg3[%add3A, %dma_wait3A_76] : memref<32x10000xi32, #tpu.memory_space<hbm>> -> memref<1x10000xi32, #tpu.memory_space<hbm>>
      %dma_wait3A_78 = tpu.memref_squeeze %dma_wait3A_77 : memref<1x10000xi32, #tpu.memory_space<hbm>> -> memref<10000xi32, #tpu.memory_space<hbm>>
      tpu.wait_dma2 semaphore(%run_scoped3A_66 : memref<!tpu.dma_semaphore, #tpu.memory_space<semaphore_mem>>) src(%dma_wait3A_78 : memref<10000xi32, #tpu.memory_space<hbm>>) dst(%arg6 : memref<10000xi32, #tpu.memory_space<vmem>>)
      tpu.yield
    }) : () -> ()
    "tpu.region"() ({
      %run_scoped3A_66 = tpu.sem_alloc : memref<!tpu.dma_semaphore, #tpu.memory_space<semaphore_mem>>
      %dma_start3A_67 = arith.constant 0 : i32
      %dma_start3A_68 = arith.constant 0 : i32
      %dma_start3A_69 = tpu.memref_slice %arg4[%add3A, %dma_start3A_67, %dma_start3A_68] : memref<32x125x80xi32, #tpu.memory_space<hbm>> -> memref<1x125x80xi32, #tpu.memory_space<hbm>>
      %dma_start3A_70 = tpu.memref_squeeze %dma_start3A_69 : memref<1x125x80xi32, #tpu.memory_space<hbm>> -> memref<125x80xi32, #tpu.memory_space<hbm>>
      %dma_start3A_71 = arith.constant 0 : i32
      %dma_start3A_72 = arith.constant 0 : i32
      %dma_start3A_73 = tpu.memref_slice %arg4[%add3A, %dma_start3A_71, %dma_start3A_72] : memref<32x125x80xi32, #tpu.memory_space<hbm>> -> memref<1x125x80xi32, #tpu.memory_space<hbm>>
      %dma_start3A_74 = tpu.memref_squeeze %dma_start3A_73 : memref<1x125x80xi32, #tpu.memory_space<hbm>> -> memref<125x80xi32, #tpu.memory_space<hbm>>
      tpu.enqueue_dma source(%dma_start3A_74 : memref<125x80xi32, #tpu.memory_space<hbm>>) target(%arg7 : memref<125x80xi32, #tpu.memory_space<vmem>>) target_semaphore(%run_scoped3A_66 : memref<!tpu.dma_semaphore, #tpu.memory_space<semaphore_mem>>)
      %dma_wait3A_75 = arith.constant 0 : i32
      %dma_wait3A_76 = arith.constant 0 : i32
      %dma_wait3A_77 = tpu.memref_slice %arg4[%add3A, %dma_wait3A_75, %dma_wait3A_76] : memref<32x125x80xi32, #tpu.memory_space<hbm>> -> memref<1x125x80xi32, #tpu.memory_space<hbm>>
      %dma_wait3A_78 = tpu.memref_squeeze %dma_wait3A_77 : memref<1x125x80xi32, #tpu.memory_space<hbm>> -> memref<125x80xi32, #tpu.memory_space<hbm>>
      %dma_wait3A_79 = arith.constant 0 : i32
      %dma_wait3A_80 = arith.constant 0 : i32
      %dma_wait3A_81 = tpu.memref_slice %arg4[%add3A, %dma_wait3A_79, %dma_wait3A_80] : memref<32x125x80xi32, #tpu.memory_space<hbm>> -> memref<1x125x80xi32, #tpu.memory_space<hbm>>
      %dma_wait3A_82 = tpu.memref_squeeze %dma_wait3A_81 : memref<1x125x80xi32, #tpu.memory_space<hbm>> -> memref<125x80xi32, #tpu.memory_space<hbm>>
      tpu.wait_dma2 semaphore(%run_scoped3A_66 : memref<!tpu.dma_semaphore, #tpu.memory_space<semaphore_mem>>) src(%dma_wait3A_82 : memref<125x80xi32, #tpu.memory_space<hbm>>) dst(%arg7 : memref<125x80xi32, #tpu.memory_space<vmem>>)
      tpu.yield
    }) : () -> ()
    %broadcast_in_dim3A = arith.constant 0.000000e+00 : f32
    %broadcast_in_dim3A_1 = vector.broadcast %broadcast_in_dim3A : f32 to vector<16xf32>
    %scan3A = arith.constant 0 : i32
    %scan3A_2 = arith.constant 0 : i32
    %scan3A_3 = arith.constant 80 : i32
    %scan3A_4 = arith.addi %scan3A_2, %scan3A_3 : i32
    %scan3A_5 = arith.constant 1 : i32
    scf.for %scan3A_66 = %scan3A_2 to %scan3A_4 step %scan3A_5  : i32 {
      %swap3A = arith.index_cast %scan3A_66 : i32 to index
      %swap3A_67 = arith.constant 0 : index
      %swap3A_68 = tpu.vector_load %arg8[%swap3A, %swap3A_67] {strides = array<i32>} : memref<80x128xf32, #tpu.memory_space<vmem>>, vector<1x16xf32>,
      %swap3A_69 = vector.shape_cast %swap3A_68 : vector<1x16xf32> to vector<16xf32>
      %swap3A_70 = vector.shape_cast %broadcast_in_dim3A_1 : vector<16xf32> to vector<1x16xf32>
      tpu.vector_store %arg8[%swap3A, %swap3A_67], %swap3A_70 {strides = array<i32>} : memref<80x128xf32, #tpu.memory_space<vmem>>, vector<1x16xf32>,
      %swap3A_71 = arith.index_cast %scan3A_66 : i32 to index
      %swap3A_72 = arith.constant 16 : index
      %swap3A_73 = tpu.vector_load %arg8[%swap3A_71, %swap3A_72] {strides = array<i32>} : memref<80x128xf32, #tpu.memory_space<vmem>>, vector<1x16xf32>,
      %swap3A_74 = vector.shape_cast %swap3A_73 : vector<1x16xf32> to vector<16xf32>
      %swap3A_75 = vector.shape_cast %broadcast_in_dim3A_1 : vector<16xf32> to vector<1x16xf32>
      tpu.vector_store %arg8[%swap3A_71, %swap3A_72], %swap3A_75 {strides = array<i32>} : memref<80x128xf32, #tpu.memory_space<vmem>>, vector<1x16xf32>,
      %swap3A_76 = arith.index_cast %scan3A_66 : i32 to index
      %swap3A_77 = arith.constant 32 : index
      %swap3A_78 = tpu.vector_load %arg8[%swap3A_76, %swap3A_77] {strides = array<i32>} : memref<80x128xf32, #tpu.memory_space<vmem>>, vector<1x16xf32>,
      %swap3A_79 = vector.shape_cast %swap3A_78 : vector<1x16xf32> to vector<16xf32>
      %swap3A_80 = vector.shape_cast %broadcast_in_dim3A_1 : vector<16xf32> to vector<1x16xf32>
      tpu.vector_store %arg8[%swap3A_76, %swap3A_77], %swap3A_80 {strides = array<i32>} : memref<80x128xf32, #tpu.memory_space<vmem>>, vector<1x16xf32>,
      %swap3A_81 = arith.index_cast %scan3A_66 : i32 to index
      %swap3A_82 = arith.constant 48 : index
      %swap3A_83 = tpu.vector_load %arg8[%swap3A_81, %swap3A_82] {strides = array<i32>} : memref<80x128xf32, #tpu.memory_space<vmem>>, vector<1x16xf32>,
      %swap3A_84 = vector.shape_cast %swap3A_83 : vector<1x16xf32> to vector<16xf32>
      %swap3A_85 = vector.shape_cast %broadcast_in_dim3A_1 : vector<16xf32> to vector<1x16xf32>
      tpu.vector_store %arg8[%swap3A_81, %swap3A_82], %swap3A_85 {strides = array<i32>} : memref<80x128xf32, #tpu.memory_space<vmem>>, vector<1x16xf32>,
      %swap3A_86 = arith.index_cast %scan3A_66 : i32 to index
      %swap3A_87 = arith.constant 64 : index
      %swap3A_88 = tpu.vector_load %arg8[%swap3A_86, %swap3A_87] {strides = array<i32>} : memref<80x128xf32, #tpu.memory_space<vmem>>, vector<1x16xf32>,
      %swap3A_89 = vector.shape_cast %swap3A_88 : vector<1x16xf32> to vector<16xf32>
      %swap3A_90 = vector.shape_cast %broadcast_in_dim3A_1 : vector<16xf32> to vector<1x16xf32>
      tpu.vector_store %arg8[%swap3A_86, %swap3A_87], %swap3A_90 {strides = array<i32>} : memref<80x128xf32, #tpu.memory_space<vmem>>, vector<1x16xf32>,
      %swap3A_91 = arith.index_cast %scan3A_66 : i32 to index
      %swap3A_92 = arith.constant 80 : index
      %swap3A_93 = tpu.vector_load %arg8[%swap3A_91, %swap3A_92] {strides = array<i32>} : memref<80x128xf32, #tpu.memory_space<vmem>>, vector<1x16xf32>,
      %swap3A_94 = vector.shape_cast %swap3A_93 : vector<1x16xf32> to vector<16xf32>
      %swap3A_95 = vector.shape_cast %broadcast_in_dim3A_1 : vector<16xf32> to vector<1x16xf32>
      tpu.vector_store %arg8[%swap3A_91, %swap3A_92], %swap3A_95 {strides = array<i32>} : memref<80x128xf32, #tpu.memory_space<vmem>>, vector<1x16xf32>,
      %swap3A_96 = arith.index_cast %scan3A_66 : i32 to index
      %swap3A_97 = arith.constant 96 : index
      %swap3A_98 = tpu.vector_load %arg8[%swap3A_96, %swap3A_97] {strides = array<i32>} : memref<80x128xf32, #tpu.memory_space<vmem>>, vector<1x16xf32>,
      %swap3A_99 = vector.shape_cast %swap3A_98 : vector<1x16xf32> to vector<16xf32>
      %swap3A_100 = vector.shape_cast %broadcast_in_dim3A_1 : vector<16xf32> to vector<1x16xf32>
      tpu.vector_store %arg8[%swap3A_96, %swap3A_97], %swap3A_100 {strides = array<i32>} : memref<80x128xf32, #tpu.memory_space<vmem>>, vector<1x16xf32>,
      %swap3A_101 = arith.index_cast %scan3A_66 : i32 to index
      %swap3A_102 = arith.constant 112 : index
      %swap3A_103 = tpu.vector_load %arg8[%swap3A_101, %swap3A_102] {strides = array<i32>} : memref<80x128xf32, #tpu.memory_space<vmem>>, vector<1x16xf32>,
      %swap3A_104 = vector.shape_cast %swap3A_103 : vector<1x16xf32> to vector<16xf32>
      %swap3A_105 = vector.shape_cast %broadcast_in_dim3A_1 : vector<16xf32> to vector<1x16xf32>
      tpu.vector_store %arg8[%swap3A_101, %swap3A_102], %swap3A_105 {strides = array<i32>} : memref<80x128xf32, #tpu.memory_space<vmem>>, vector<1x16xf32>,
    }
    %scan3A_6 = arith.constant 80 : i32
    %mul3A_7 = arith.constant 632 : i32
    %mul3A_8 = arith.muli %arg1, %mul3A_7 : i32
    %add3A_9 = arith.constant 0 : i32
    %add3A_10 = arith.addi %mul3A_8, %add3A_9 : i32
    "tpu.region"() ({
      %run_scoped3A_66 = tpu.sem_alloc : memref<!tpu.dma_semaphore, #tpu.memory_space<semaphore_mem>>
      %dma_start3A_67 = arith.constant 0 : i32
      %dma_start3A_68 = arith.constant 0 : i32
      %dma_start3A_69 = tpu.memref_slice %arg8[%dma_start3A_67, %dma_start3A_68] : memref<80x128xf32, #tpu.memory_space<vmem>> -> memref<64x128xf32, #tpu.memory_space<vmem>>
      %dma_start3A_70 = arith.constant 0 : i32
      %dma_start3A_71 = tpu.memref_slice %arg10[%add3A_10, %dma_start3A_70] : memref<10112x128xf32, #tpu.memory_space<vmem_shared>> -> memref<64x128xf32, #tpu.memory_space<vmem_shared>>
      %dma_start3A_72 = arith.constant 0 : i32
      %dma_start3A_73 = tpu.memref_slice %arg10[%add3A_10, %dma_start3A_72] : memref<10112x128xf32, #tpu.memory_space<vmem_shared>> -> memref<64x128xf32, #tpu.memory_space<vmem_shared>>
      %dma_start3A_74 = arith.constant 0 : i32
      %dma_start3A_75 = arith.constant 0 : i32
      %dma_start3A_76 = tpu.memref_slice %arg8[%dma_start3A_74, %dma_start3A_75] : memref<80x128xf32, #tpu.memory_space<vmem>> -> memref<64x128xf32, #tpu.memory_space<vmem>>
      tpu.enqueue_dma source(%dma_start3A_76 : memref<64x128xf32, #tpu.memory_space<vmem>>) target(%dma_start3A_73 : memref<64x128xf32, #tpu.memory_space<vmem_shared>>) target_semaphore(%run_scoped3A_66 : memref<!tpu.dma_semaphore, #tpu.memory_space<semaphore_mem>>)
      %dma_wait3A_77 = arith.constant 0 : i32
      %dma_wait3A_78 = arith.constant 0 : i32
      %dma_wait3A_79 = tpu.memref_slice %arg8[%dma_wait3A_77, %dma_wait3A_78] : memref<80x128xf32, #tpu.memory_space<vmem>> -> memref<64x128xf32, #tpu.memory_space<vmem>>
      %dma_wait3A_80 = arith.constant 0 : i32
      %dma_wait3A_81 = tpu.memref_slice %arg10[%add3A_10, %dma_wait3A_80] : memref<10112x128xf32, #tpu.memory_space<vmem_shared>> -> memref<64x128xf32, #tpu.memory_space<vmem_shared>>
      %dma_wait3A_82 = arith.constant 0 : i32
      %dma_wait3A_83 = tpu.memref_slice %arg10[%add3A_10, %dma_wait3A_82] : memref<10112x128xf32, #tpu.memory_space<vmem_shared>> -> memref<64x128xf32, #tpu.memory_space<vmem_shared>>
      %dma_wait3A_84 = arith.constant 0 : i32
      %dma_wait3A_85 = arith.constant 0 : i32
      %dma_wait3A_86 = tpu.memref_slice %arg8[%dma_wait3A_84, %dma_wait3A_85] : memref<80x128xf32, #tpu.memory_space<vmem>> -> memref<64x128xf32, #tpu.memory_space<vmem>>
      tpu.wait_dma2 semaphore(%run_scoped3A_66 : memref<!tpu.dma_semaphore, #tpu.memory_space<semaphore_mem>>) src(%dma_wait3A_86 : memref<64x128xf32, #tpu.memory_space<vmem>>) dst(%dma_wait3A_83 : memref<64x128xf32, #tpu.memory_space<vmem_shared>>)
      tpu.yield
    }) : () -> ()
    %mul3A_11 = arith.constant 632 : i32
    %mul3A_12 = arith.muli %arg1, %mul3A_11 : i32
    %add3A_13 = arith.constant 64 : i32
    %add3A_14 = arith.addi %mul3A_12, %add3A_13 : i32
    "tpu.region"() ({
      %run_scoped3A_66 = tpu.sem_alloc : memref<!tpu.dma_semaphore, #tpu.memory_space<semaphore_mem>>
      %dma_start3A_67 = arith.constant 0 : i32
      %dma_start3A_68 = arith.constant 0 : i32
      %dma_start3A_69 = tpu.memref_slice %arg8[%dma_start3A_67, %dma_start3A_68] : memref<80x128xf32, #tpu.memory_space<vmem>> -> memref<64x128xf32, #tpu.memory_space<vmem>>
      %dma_start3A_70 = arith.constant 0 : i32
      %dma_start3A_71 = tpu.memref_slice %arg10[%add3A_14, %dma_start3A_70] : memref<10112x128xf32, #tpu.memory_space<vmem_shared>> -> memref<64x128xf32, #tpu.memory_space<vmem_shared>>
      %dma_start3A_72 = arith.constant 0 : i32
      %dma_start3A_73 = tpu.memref_slice %arg10[%add3A_14, %dma_start3A_72] : memref<10112x128xf32, #tpu.memory_space<vmem_shared>> -> memref<64x128xf32, #tpu.memory_space<vmem_shared>>
      %dma_start3A_74 = arith.constant 0 : i32
      %dma_start3A_75 = arith.constant 0 : i32
      %dma_start3A_76 = tpu.memref_slice %arg8[%dma_start3A_74, %dma_start3A_75] : memref<80x128xf32, #tpu.memory_space<vmem>> -> memref<64x128xf32, #tpu.memory_space<vmem>>
      tpu.enqueue_dma source(%dma_start3A_76 : memref<64x128xf32, #tpu.memory_space<vmem>>) target(%dma_start3A_73 : memref<64x128xf32, #tpu.memory_space<vmem_shared>>) target_semaphore(%run_scoped3A_66 : memref<!tpu.dma_semaphore, #tpu.memory_space<semaphore_mem>>)
      %dma_wait3A_77 = arith.constant 0 : i32
      %dma_wait3A_78 = arith.constant 0 : i32
      %dma_wait3A_79 = tpu.memref_slice %arg8[%dma_wait3A_77, %dma_wait3A_78] : memref<80x128xf32, #tpu.memory_space<vmem>> -> memref<64x128xf32, #tpu.memory_space<vmem>>
      %dma_wait3A_80 = arith.constant 0 : i32
      %dma_wait3A_81 = tpu.memref_slice %arg10[%add3A_14, %dma_wait3A_80] : memref<10112x128xf32, #tpu.memory_space<vmem_shared>> -> memref<64x128xf32, #tpu.memory_space<vmem_shared>>
      %dma_wait3A_82 = arith.constant 0 : i32
      %dma_wait3A_83 = tpu.memref_slice %arg10[%add3A_14, %dma_wait3A_82] : memref<10112x128xf32, #tpu.memory_space<vmem_shared>> -> memref<64x128xf32, #tpu.memory_space<vmem_shared>>
      %dma_wait3A_84 = arith.constant 0 : i32
      %dma_wait3A_85 = arith.constant 0 : i32
      %dma_wait3A_86 = tpu.memref_slice %arg8[%dma_wait3A_84, %dma_wait3A_85] : memref<80x128xf32, #tpu.memory_space<vmem>> -> memref<64x128xf32, #tpu.memory_space<vmem>>
      tpu.wait_dma2 semaphore(%run_scoped3A_66 : memref<!tpu.dma_semaphore, #tpu.memory_space<semaphore_mem>>) src(%dma_wait3A_86 : memref<64x128xf32, #tpu.memory_space<vmem>>) dst(%dma_wait3A_83 : memref<64x128xf32, #tpu.memory_space<vmem_shared>>)
      tpu.yield
    }) : () -> ()
    %mul3A_15 = arith.constant 632 : i32
    %mul3A_16 = arith.muli %arg1, %mul3A_15 : i32
    %add3A_17 = arith.constant 128 : i32
    %add3A_18 = arith.addi %mul3A_16, %add3A_17 : i32
    "tpu.region"() ({
      %run_scoped3A_66 = tpu.sem_alloc : memref<!tpu.dma_semaphore, #tpu.memory_space<semaphore_mem>>
      %dma_start3A_67 = arith.constant 0 : i32
      %dma_start3A_68 = arith.constant 0 : i32
      %dma_start3A_69 = tpu.memref_slice %arg8[%dma_start3A_67, %dma_start3A_68] : memref<80x128xf32, #tpu.memory_space<vmem>> -> memref<64x128xf32, #tpu.memory_space<vmem>>
      %dma_start3A_70 = arith.constant 0 : i32
      %dma_start3A_71 = tpu.memref_slice %arg10[%add3A_18, %dma_start3A_70] : memref<10112x128xf32, #tpu.memory_space<vmem_shared>> -> memref<64x128xf32, #tpu.memory_space<vmem_shared>>
      %dma_start3A_72 = arith.constant 0 : i32
      %dma_start3A_73 = tpu.memref_slice %arg10[%add3A_18, %dma_start3A_72] : memref<10112x128xf32, #tpu.memory_space<vmem_shared>> -> memref<64x128xf32, #tpu.memory_space<vmem_shared>>
      %dma_start3A_74 = arith.constant 0 : i32
      %dma_start3A_75 = arith.constant 0 : i32
      %dma_start3A_76 = tpu.memref_slice %arg8[%dma_start3A_74, %dma_start3A_75] : memref<80x128xf32, #tpu.memory_space<vmem>> -> memref<64x128xf32, #tpu.memory_space<vmem>>
      tpu.enqueue_dma source(%dma_start3A_76 : memref<64x128xf32, #tpu.memory_space<vmem>>) target(%dma_start3A_73 : memref<64x128xf32, #tpu.memory_space<vmem_shared>>) target_semaphore(%run_scoped3A_66 : memref<!tpu.dma_semaphore, #tpu.memory_space<semaphore_mem>>)
      %dma_wait3A_77 = arith.constant 0 : i32
      %dma_wait3A_78 = arith.constant 0 : i32
      %dma_wait3A_79 = tpu.memref_slice %arg8[%dma_wait3A_77, %dma_wait3A_78] : memref<80x128xf32, #tpu.memory_space<vmem>> -> memref<64x128xf32, #tpu.memory_space<vmem>>
      %dma_wait3A_80 = arith.constant 0 : i32
      %dma_wait3A_81 = tpu.memref_slice %arg10[%add3A_18, %dma_wait3A_80] : memref<10112x128xf32, #tpu.memory_space<vmem_shared>> -> memref<64x128xf32, #tpu.memory_space<vmem_shared>>
      %dma_wait3A_82 = arith.constant 0 : i32
      %dma_wait3A_83 = tpu.memref_slice %arg10[%add3A_18, %dma_wait3A_82] : memref<10112x128xf32, #tpu.memory_space<vmem_shared>> -> memref<64x128xf32, #tpu.memory_space<vmem_shared>>
      %dma_wait3A_84 = arith.constant 0 : i32
      %dma_wait3A_85 = arith.constant 0 : i32
      %dma_wait3A_86 = tpu.memref_slice %arg8[%dma_wait3A_84, %dma_wait3A_85] : memref<80x128xf32, #tpu.memory_space<vmem>> -> memref<64x128xf32, #tpu.memory_space<vmem>>
      tpu.wait_dma2 semaphore(%run_scoped3A_66 : memref<!tpu.dma_semaphore, #tpu.memory_space<semaphore_mem>>) src(%dma_wait3A_86 : memref<64x128xf32, #tpu.memory_space<vmem>>) dst(%dma_wait3A_83 : memref<64x128xf32, #tpu.memory_space<vmem_shared>>)
      tpu.yield
    }) : () -> ()
    %mul3A_19 = arith.constant 632 : i32
    %mul3A_20 = arith.muli %arg1, %mul3A_19 : i32
    %add3A_21 = arith.constant 192 : i32
    %add3A_22 = arith.addi %mul3A_20, %add3A_21 : i32
    "tpu.region"() ({
      %run_scoped3A_66 = tpu.sem_alloc : memref<!tpu.dma_semaphore, #tpu.memory_space<semaphore_mem>>
      %dma_start3A_67 = arith.constant 0 : i32
      %dma_start3A_68 = arith.constant 0 : i32
      %dma_start3A_69 = tpu.memref_slice %arg8[%dma_start3A_67, %dma_start3A_68] : memref<80x128xf32, #tpu.memory_space<vmem>> -> memref<64x128xf32, #tpu.memory_space<vmem>>
      %dma_start3A_70 = arith.constant 0 : i32
      %dma_start3A_71 = tpu.memref_slice %arg10[%add3A_22, %dma_start3A_70] : memref<10112x128xf32, #tpu.memory_space<vmem_shared>> -> memref<64x128xf32, #tpu.memory_space<vmem_shared>>
      %dma_start3A_72 = arith.constant 0 : i32
      %dma_start3A_73 = tpu.memref_slice %arg10[%add3A_22, %dma_start3A_72] : memref<10112x128xf32, #tpu.memory_space<vmem_shared>> -> memref<64x128xf32, #tpu.memory_space<vmem_shared>>
      %dma_start3A_74 = arith.constant 0 : i32
      %dma_start3A_75 = arith.constant 0 : i32
      %dma_start3A_76 = tpu.memref_slice %arg8[%dma_start3A_74, %dma_start3A_75] : memref<80x128xf32, #tpu.memory_space<vmem>> -> memref<64x128xf32, #tpu.memory_space<vmem>>
      tpu.enqueue_dma source(%dma_start3A_76 : memref<64x128xf32, #tpu.memory_space<vmem>>) target(%dma_start3A_73 : memref<64x128xf32, #tpu.memory_space<vmem_shared>>) target_semaphore(%run_scoped3A_66 : memref<!tpu.dma_semaphore, #tpu.memory_space<semaphore_mem>>)
      %dma_wait3A_77 = arith.constant 0 : i32
      %dma_wait3A_78 = arith.constant 0 : i32
      %dma_wait3A_79 = tpu.memref_slice %arg8[%dma_wait3A_77, %dma_wait3A_78] : memref<80x128xf32, #tpu.memory_space<vmem>> -> memref<64x128xf32, #tpu.memory_space<vmem>>
      %dma_wait3A_80 = arith.constant 0 : i32
      %dma_wait3A_81 = tpu.memref_slice %arg10[%add3A_22, %dma_wait3A_80] : memref<10112x128xf32, #tpu.memory_space<vmem_shared>> -> memref<64x128xf32, #tpu.memory_space<vmem_shared>>
      %dma_wait3A_82 = arith.constant 0 : i32
      %dma_wait3A_83 = tpu.memref_slice %arg10[%add3A_22, %dma_wait3A_82] : memref<10112x128xf32, #tpu.memory_space<vmem_shared>> -> memref<64x128xf32, #tpu.memory_space<vmem_shared>>
      %dma_wait3A_84 = arith.constant 0 : i32
      %dma_wait3A_85 = arith.constant 0 : i32
      %dma_wait3A_86 = tpu.memref_slice %arg8[%dma_wait3A_84, %dma_wait3A_85] : memref<80x128xf32, #tpu.memory_space<vmem>> -> memref<64x128xf32, #tpu.memory_space<vmem>>
      tpu.wait_dma2 semaphore(%run_scoped3A_66 : memref<!tpu.dma_semaphore, #tpu.memory_space<semaphore_mem>>) src(%dma_wait3A_86 : memref<64x128xf32, #tpu.memory_space<vmem>>) dst(%dma_wait3A_83 : memref<64x128xf32, #tpu.memory_space<vmem_shared>>)
      tpu.yield
    }) : () -> ()
    %mul3A_23 = arith.constant 632 : i32
    %mul3A_24 = arith.muli %arg1, %mul3A_23 : i32
    %add3A_25 = arith.constant 256 : i32
    %add3A_26 = arith.addi %mul3A_24, %add3A_25 : i32
    "tpu.region"() ({
      %run_scoped3A_66 = tpu.sem_alloc : memref<!tpu.dma_semaphore, #tpu.memory_space<semaphore_mem>>
      %dma_start3A_67 = arith.constant 0 : i32
      %dma_start3A_68 = arith.constant 0 : i32
      %dma_start3A_69 = tpu.memref_slice %arg8[%dma_start3A_67, %dma_start3A_68] : memref<80x128xf32, #tpu.memory_space<vmem>> -> memref<64x128xf32, #tpu.memory_space<vmem>>
      %dma_start3A_70 = arith.constant 0 : i32
      %dma_start3A_71 = tpu.memref_slice %arg10[%add3A_26, %dma_start3A_70] : memref<10112x128xf32, #tpu.memory_space<vmem_shared>> -> memref<64x128xf32, #tpu.memory_space<vmem_shared>>
      %dma_start3A_72 = arith.constant 0 : i32
      %dma_start3A_73 = tpu.memref_slice %arg10[%add3A_26, %dma_start3A_72] : memref<10112x128xf32, #tpu.memory_space<vmem_shared>> -> memref<64x128xf32, #tpu.memory_space<vmem_shared>>
      %dma_start3A_74 = arith.constant 0 : i32
      %dma_start3A_75 = arith.constant 0 : i32
      %dma_start3A_76 = tpu.memref_slice %arg8[%dma_start3A_74, %dma_start3A_75] : memref<80x128xf32, #tpu.memory_space<vmem>> -> memref<64x128xf32, #tpu.memory_space<vmem>>
      tpu.enqueue_dma source(%dma_start3A_76 : memref<64x128xf32, #tpu.memory_space<vmem>>) target(%dma_start3A_73 : memref<64x128xf32, #tpu.memory_space<vmem_shared>>) target_semaphore(%run_scoped3A_66 : memref<!tpu.dma_semaphore, #tpu.memory_space<semaphore_mem>>)
      %dma_wait3A_77 = arith.constant 0 : i32
      %dma_wait3A_78 = arith.constant 0 : i32
      %dma_wait3A_79 = tpu.memref_slice %arg8[%dma_wait3A_77, %dma_wait3A_78] : memref<80x128xf32, #tpu.memory_space<vmem>> -> memref<64x128xf32, #tpu.memory_space<vmem>>
      %dma_wait3A_80 = arith.constant 0 : i32
      %dma_wait3A_81 = tpu.memref_slice %arg10[%add3A_26, %dma_wait3A_80] : memref<10112x128xf32, #tpu.memory_space<vmem_shared>> -> memref<64x128xf32, #tpu.memory_space<vmem_shared>>
      %dma_wait3A_82 = arith.constant 0 : i32
      %dma_wait3A_83 = tpu.memref_slice %arg10[%add3A_26, %dma_wait3A_82] : memref<10112x128xf32, #tpu.memory_space<vmem_shared>> -> memref<64x128xf32, #tpu.memory_space<vmem_shared>>
      %dma_wait3A_84 = arith.constant 0 : i32
      %dma_wait3A_85 = arith.constant 0 : i32
      %dma_wait3A_86 = tpu.memref_slice %arg8[%dma_wait3A_84, %dma_wait3A_85] : memref<80x128xf32, #tpu.memory_space<vmem>> -> memref<64x128xf32, #tpu.memory_space<vmem>>
      tpu.wait_dma2 semaphore(%run_scoped3A_66 : memref<!tpu.dma_semaphore, #tpu.memory_space<semaphore_mem>>) src(%dma_wait3A_86 : memref<64x128xf32, #tpu.memory_space<vmem>>) dst(%dma_wait3A_83 : memref<64x128xf32, #tpu.memory_space<vmem_shared>>)
      tpu.yield
    }) : () -> ()
    %mul3A_27 = arith.constant 632 : i32
    %mul3A_28 = arith.muli %arg1, %mul3A_27 : i32
    %add3A_29 = arith.constant 320 : i32
    %add3A_30 = arith.addi %mul3A_28, %add3A_29 : i32
    "tpu.region"() ({
      %run_scoped3A_66 = tpu.sem_alloc : memref<!tpu.dma_semaphore, #tpu.memory_space<semaphore_mem>>
      %dma_start3A_67 = arith.constant 0 : i32
      %dma_start3A_68 = arith.constant 0 : i32
      %dma_start3A_69 = tpu.memref_slice %arg8[%dma_start3A_67, %dma_start3A_68] : memref<80x128xf32, #tpu.memory_space<vmem>> -> memref<64x128xf32, #tpu.memory_space<vmem>>
      %dma_start3A_70 = arith.constant 0 : i32
      %dma_start3A_71 = tpu.memref_slice %arg10[%add3A_30, %dma_start3A_70] : memref<10112x128xf32, #tpu.memory_space<vmem_shared>> -> memref<64x128xf32, #tpu.memory_space<vmem_shared>>
      %dma_start3A_72 = arith.constant 0 : i32
      %dma_start3A_73 = tpu.memref_slice %arg10[%add3A_30, %dma_start3A_72] : memref<10112x128xf32, #tpu.memory_space<vmem_shared>> -> memref<64x128xf32, #tpu.memory_space<vmem_shared>>
      %dma_start3A_74 = arith.constant 0 : i32
      %dma_start3A_75 = arith.constant 0 : i32
      %dma_start3A_76 = tpu.memref_slice %arg8[%dma_start3A_74, %dma_start3A_75] : memref<80x128xf32, #tpu.memory_space<vmem>> -> memref<64x128xf32, #tpu.memory_space<vmem>>
      tpu.enqueue_dma source(%dma_start3A_76 : memref<64x128xf32, #tpu.memory_space<vmem>>) target(%dma_start3A_73 : memref<64x128xf32, #tpu.memory_space<vmem_shared>>) target_semaphore(%run_scoped3A_66 : memref<!tpu.dma_semaphore, #tpu.memory_space<semaphore_mem>>)
      %dma_wait3A_77 = arith.constant 0 : i32
      %dma_wait3A_78 = arith.constant 0 : i32
      %dma_wait3A_79 = tpu.memref_slice %arg8[%dma_wait3A_77, %dma_wait3A_78] : memref<80x128xf32, #tpu.memory_space<vmem>> -> memref<64x128xf32, #tpu.memory_space<vmem>>
      %dma_wait3A_80 = arith.constant 0 : i32
      %dma_wait3A_81 = tpu.memref_slice %arg10[%add3A_30, %dma_wait3A_80] : memref<10112x128xf32, #tpu.memory_space<vmem_shared>> -> memref<64x128xf32, #tpu.memory_space<vmem_shared>>
      %dma_wait3A_82 = arith.constant 0 : i32
      %dma_wait3A_83 = tpu.memref_slice %arg10[%add3A_30, %dma_wait3A_82] : memref<10112x128xf32, #tpu.memory_space<vmem_shared>> -> memref<64x128xf32, #tpu.memory_space<vmem_shared>>
      %dma_wait3A_84 = arith.constant 0 : i32
      %dma_wait3A_85 = arith.constant 0 : i32
      %dma_wait3A_86 = tpu.memref_slice %arg8[%dma_wait3A_84, %dma_wait3A_85] : memref<80x128xf32, #tpu.memory_space<vmem>> -> memref<64x128xf32, #tpu.memory_space<vmem>>
      tpu.wait_dma2 semaphore(%run_scoped3A_66 : memref<!tpu.dma_semaphore, #tpu.memory_space<semaphore_mem>>) src(%dma_wait3A_86 : memref<64x128xf32, #tpu.memory_space<vmem>>) dst(%dma_wait3A_83 : memref<64x128xf32, #tpu.memory_space<vmem_shared>>)
      tpu.yield
    }) : () -> ()
    %mul3A_31 = arith.constant 632 : i32
    %mul3A_32 = arith.muli %arg1, %mul3A_31 : i32
    %add3A_33 = arith.constant 384 : i32
    %add3A_34 = arith.addi %mul3A_32, %add3A_33 : i32
    "tpu.region"() ({
      %run_scoped3A_66 = tpu.sem_alloc : memref<!tpu.dma_semaphore, #tpu.memory_space<semaphore_mem>>
      %dma_start3A_67 = arith.constant 0 : i32
      %dma_start3A_68 = arith.constant 0 : i32
      %dma_start3A_69 = tpu.memref_slice %arg8[%dma_start3A_67, %dma_start3A_68] : memref<80x128xf32, #tpu.memory_space<vmem>> -> memref<64x128xf32, #tpu.memory_space<vmem>>
      %dma_start3A_70 = arith.constant 0 : i32
      %dma_start3A_71 = tpu.memref_slice %arg10[%add3A_34, %dma_start3A_70] : memref<10112x128xf32, #tpu.memory_space<vmem_shared>> -> memref<64x128xf32, #tpu.memory_space<vmem_shared>>
      %dma_start3A_72 = arith.constant 0 : i32
      %dma_start3A_73 = tpu.memref_slice %arg10[%add3A_34, %dma_start3A_72] : memref<10112x128xf32, #tpu.memory_space<vmem_shared>> -> memref<64x128xf32, #tpu.memory_space<vmem_shared>>
      %dma_start3A_74 = arith.constant 0 : i32
      %dma_start3A_75 = arith.constant 0 : i32
      %dma_start3A_76 = tpu.memref_slice %arg8[%dma_start3A_74, %dma_start3A_75] : memref<80x128xf32, #tpu.memory_space<vmem>> -> memref<64x128xf32, #tpu.memory_space<vmem>>
      tpu.enqueue_dma source(%dma_start3A_76 : memref<64x128xf32, #tpu.memory_space<vmem>>) target(%dma_start3A_73 : memref<64x128xf32, #tpu.memory_space<vmem_shared>>) target_semaphore(%run_scoped3A_66 : memref<!tpu.dma_semaphore, #tpu.memory_space<semaphore_mem>>)
      %dma_wait3A_77 = arith.constant 0 : i32
      %dma_wait3A_78 = arith.constant 0 : i32
      %dma_wait3A_79 = tpu.memref_slice %arg8[%dma_wait3A_77, %dma_wait3A_78] : memref<80x128xf32, #tpu.memory_space<vmem>> -> memref<64x128xf32, #tpu.memory_space<vmem>>
      %dma_wait3A_80 = arith.constant 0 : i32
      %dma_wait3A_81 = tpu.memref_slice %arg10[%add3A_34, %dma_wait3A_80] : memref<10112x128xf32, #tpu.memory_space<vmem_shared>> -> memref<64x128xf32, #tpu.memory_space<vmem_shared>>
      %dma_wait3A_82 = arith.constant 0 : i32
      %dma_wait3A_83 = tpu.memref_slice %arg10[%add3A_34, %dma_wait3A_82] : memref<10112x128xf32, #tpu.memory_space<vmem_shared>> -> memref<64x128xf32, #tpu.memory_space<vmem_shared>>
      %dma_wait3A_84 = arith.constant 0 : i32
      %dma_wait3A_85 = arith.constant 0 : i32
      %dma_wait3A_86 = tpu.memref_slice %arg8[%dma_wait3A_84, %dma_wait3A_85] : memref<80x128xf32, #tpu.memory_space<vmem>> -> memref<64x128xf32, #tpu.memory_space<vmem>>
      tpu.wait_dma2 semaphore(%run_scoped3A_66 : memref<!tpu.dma_semaphore, #tpu.memory_space<semaphore_mem>>) src(%dma_wait3A_86 : memref<64x128xf32, #tpu.memory_space<vmem>>) dst(%dma_wait3A_83 : memref<64x128xf32, #tpu.memory_space<vmem_shared>>)
      tpu.yield
    }) : () -> ()
    %mul3A_35 = arith.constant 632 : i32
    %mul3A_36 = arith.muli %arg1, %mul3A_35 : i32
    %add3A_37 = arith.constant 448 : i32
    %add3A_38 = arith.addi %mul3A_36, %add3A_37 : i32
    "tpu.region"() ({
      %run_scoped3A_66 = tpu.sem_alloc : memref<!tpu.dma_semaphore, #tpu.memory_space<semaphore_mem>>
      %dma_start3A_67 = arith.constant 0 : i32
      %dma_start3A_68 = arith.constant 0 : i32
      %dma_start3A_69 = tpu.memref_slice %arg8[%dma_start3A_67, %dma_start3A_68] : memref<80x128xf32, #tpu.memory_space<vmem>> -> memref<64x128xf32, #tpu.memory_space<vmem>>
      %dma_start3A_70 = arith.constant 0 : i32
      %dma_start3A_71 = tpu.memref_slice %arg10[%add3A_38, %dma_start3A_70] : memref<10112x128xf32, #tpu.memory_space<vmem_shared>> -> memref<64x128xf32, #tpu.memory_space<vmem_shared>>
      %dma_start3A_72 = arith.constant 0 : i32
      %dma_start3A_73 = tpu.memref_slice %arg10[%add3A_38, %dma_start3A_72] : memref<10112x128xf32, #tpu.memory_space<vmem_shared>> -> memref<64x128xf32, #tpu.memory_space<vmem_shared>>
      %dma_start3A_74 = arith.constant 0 : i32
      %dma_start3A_75 = arith.constant 0 : i32
      %dma_start3A_76 = tpu.memref_slice %arg8[%dma_start3A_74, %dma_start3A_75] : memref<80x128xf32, #tpu.memory_space<vmem>> -> memref<64x128xf32, #tpu.memory_space<vmem>>
      tpu.enqueue_dma source(%dma_start3A_76 : memref<64x128xf32, #tpu.memory_space<vmem>>) target(%dma_start3A_73 : memref<64x128xf32, #tpu.memory_space<vmem_shared>>) target_semaphore(%run_scoped3A_66 : memref<!tpu.dma_semaphore, #tpu.memory_space<semaphore_mem>>)
      %dma_wait3A_77 = arith.constant 0 : i32
      %dma_wait3A_78 = arith.constant 0 : i32
      %dma_wait3A_79 = tpu.memref_slice %arg8[%dma_wait3A_77, %dma_wait3A_78] : memref<80x128xf32, #tpu.memory_space<vmem>> -> memref<64x128xf32, #tpu.memory_space<vmem>>
      %dma_wait3A_80 = arith.constant 0 : i32
      %dma_wait3A_81 = tpu.memref_slice %arg10[%add3A_38, %dma_wait3A_80] : memref<10112x128xf32, #tpu.memory_space<vmem_shared>> -> memref<64x128xf32, #tpu.memory_space<vmem_shared>>
      %dma_wait3A_82 = arith.constant 0 : i32
      %dma_wait3A_83 = tpu.memref_slice %arg10[%add3A_38, %dma_wait3A_82] : memref<10112x128xf32, #tpu.memory_space<vmem_shared>> -> memref<64x128xf32, #tpu.memory_space<vmem_shared>>
      %dma_wait3A_84 = arith.constant 0 : i32
      %dma_wait3A_85 = arith.constant 0 : i32
      %dma_wait3A_86 = tpu.memref_slice %arg8[%dma_wait3A_84, %dma_wait3A_85] : memref<80x128xf32, #tpu.memory_space<vmem>> -> memref<64x128xf32, #tpu.memory_space<vmem>>
      tpu.wait_dma2 semaphore(%run_scoped3A_66 : memref<!tpu.dma_semaphore, #tpu.memory_space<semaphore_mem>>) src(%dma_wait3A_86 : memref<64x128xf32, #tpu.memory_space<vmem>>) dst(%dma_wait3A_83 : memref<64x128xf32, #tpu.memory_space<vmem_shared>>)
      tpu.yield
    }) : () -> ()
    %mul3A_39 = arith.constant 632 : i32
    %mul3A_40 = arith.muli %arg1, %mul3A_39 : i32
    %add3A_41 = arith.constant 512 : i32
    %add3A_42 = arith.addi %mul3A_40, %add3A_41 : i32
    "tpu.region"() ({
      %run_scoped3A_66 = tpu.sem_alloc : memref<!tpu.dma_semaphore, #tpu.memory_space<semaphore_mem>>
      %dma_start3A_67 = arith.constant 0 : i32
      %dma_start3A_68 = arith.constant 0 : i32
      %dma_start3A_69 = tpu.memref_slice %arg8[%dma_start3A_67, %dma_start3A_68] : memref<80x128xf32, #tpu.memory_space<vmem>> -> memref<64x128xf32, #tpu.memory_space<vmem>>
      %dma_start3A_70 = arith.constant 0 : i32
      %dma_start3A_71 = tpu.memref_slice %arg10[%add3A_42, %dma_start3A_70] : memref<10112x128xf32, #tpu.memory_space<vmem_shared>> -> memref<64x128xf32, #tpu.memory_space<vmem_shared>>
      %dma_start3A_72 = arith.constant 0 : i32
      %dma_start3A_73 = tpu.memref_slice %arg10[%add3A_42, %dma_start3A_72] : memref<10112x128xf32, #tpu.memory_space<vmem_shared>> -> memref<64x128xf32, #tpu.memory_space<vmem_shared>>
      %dma_start3A_74 = arith.constant 0 : i32
      %dma_start3A_75 = arith.constant 0 : i32
      %dma_start3A_76 = tpu.memref_slice %arg8[%dma_start3A_74, %dma_start3A_75] : memref<80x128xf32, #tpu.memory_space<vmem>> -> memref<64x128xf32, #tpu.memory_space<vmem>>
      tpu.enqueue_dma source(%dma_start3A_76 : memref<64x128xf32, #tpu.memory_space<vmem>>) target(%dma_start3A_73 : memref<64x128xf32, #tpu.memory_space<vmem_shared>>) target_semaphore(%run_scoped3A_66 : memref<!tpu.dma_semaphore, #tpu.memory_space<semaphore_mem>>)
      %dma_wait3A_77 = arith.constant 0 : i32
      %dma_wait3A_78 = arith.constant 0 : i32
      %dma_wait3A_79 = tpu.memref_slice %arg8[%dma_wait3A_77, %dma_wait3A_78] : memref<80x128xf32, #tpu.memory_space<vmem>> -> memref<64x128xf32, #tpu.memory_space<vmem>>
      %dma_wait3A_80 = arith.constant 0 : i32
      %dma_wait3A_81 = tpu.memref_slice %arg10[%add3A_42, %dma_wait3A_80] : memref<10112x128xf32, #tpu.memory_space<vmem_shared>> -> memref<64x128xf32, #tpu.memory_space<vmem_shared>>
      %dma_wait3A_82 = arith.constant 0 : i32
      %dma_wait3A_83 = tpu.memref_slice %arg10[%add3A_42, %dma_wait3A_82] : memref<10112x128xf32, #tpu.memory_space<vmem_shared>> -> memref<64x128xf32, #tpu.memory_space<vmem_shared>>
      %dma_wait3A_84 = arith.constant 0 : i32
      %dma_wait3A_85 = arith.constant 0 : i32
      %dma_wait3A_86 = tpu.memref_slice %arg8[%dma_wait3A_84, %dma_wait3A_85] : memref<80x128xf32, #tpu.memory_space<vmem>> -> memref<64x128xf32, #tpu.memory_space<vmem>>
      tpu.wait_dma2 semaphore(%run_scoped3A_66 : memref<!tpu.dma_semaphore, #tpu.memory_space<semaphore_mem>>) src(%dma_wait3A_86 : memref<64x128xf32, #tpu.memory_space<vmem>>) dst(%dma_wait3A_83 : memref<64x128xf32, #tpu.memory_space<vmem_shared>>)
      tpu.yield
    }) : () -> ()
    %mul3A_43 = arith.constant 632 : i32
    %mul3A_44 = arith.muli %arg1, %mul3A_43 : i32
    %add3A_45 = arith.constant 576 : i32
    %add3A_46 = arith.addi %mul3A_44, %add3A_45 : i32
    "tpu.region"() ({
      %run_scoped3A_66 = tpu.sem_alloc : memref<!tpu.dma_semaphore, #tpu.memory_space<semaphore_mem>>
      %dma_start3A_67 = arith.constant 0 : i32
      %dma_start3A_68 = arith.constant 0 : i32
      %dma_start3A_69 = tpu.memref_slice %arg8[%dma_start3A_67, %dma_start3A_68] : memref<80x128xf32, #tpu.memory_space<vmem>> -> memref<56x128xf32, #tpu.memory_space<vmem>>
      %dma_start3A_70 = arith.constant 0 : i32
      %dma_start3A_71 = tpu.memref_slice %arg10[%add3A_46, %dma_start3A_70] : memref<10112x128xf32, #tpu.memory_space<vmem_shared>> -> memref<56x128xf32, #tpu.memory_space<vmem_shared>>
      %dma_start3A_72 = arith.constant 0 : i32
      %dma_start3A_73 = tpu.memref_slice %arg10[%add3A_46, %dma_start3A_72] : memref<10112x128xf32, #tpu.memory_space<vmem_shared>> -> memref<56x128xf32, #tpu.memory_space<vmem_shared>>
      %dma_start3A_74 = arith.constant 0 : i32
      %dma_start3A_75 = arith.constant 0 : i32
      %dma_start3A_76 = tpu.memref_slice %arg8[%dma_start3A_74, %dma_start3A_75] : memref<80x128xf32, #tpu.memory_space<vmem>> -> memref<56x128xf32, #tpu.memory_space<vmem>>
      tpu.enqueue_dma source(%dma_start3A_76 : memref<56x128xf32, #tpu.memory_space<vmem>>) target(%dma_start3A_73 : memref<56x128xf32, #tpu.memory_space<vmem_shared>>) target_semaphore(%run_scoped3A_66 : memref<!tpu.dma_semaphore, #tpu.memory_space<semaphore_mem>>)
      %dma_wait3A_77 = arith.constant 0 : i32
      %dma_wait3A_78 = arith.constant 0 : i32
      %dma_wait3A_79 = tpu.memref_slice %arg8[%dma_wait3A_77, %dma_wait3A_78] : memref<80x128xf32, #tpu.memory_space<vmem>> -> memref<56x128xf32, #tpu.memory_space<vmem>>
      %dma_wait3A_80 = arith.constant 0 : i32
      %dma_wait3A_81 = tpu.memref_slice %arg10[%add3A_46, %dma_wait3A_80] : memref<10112x128xf32, #tpu.memory_space<vmem_shared>> -> memref<56x128xf32, #tpu.memory_space<vmem_shared>>
      %dma_wait3A_82 = arith.constant 0 : i32
      %dma_wait3A_83 = tpu.memref_slice %arg10[%add3A_46, %dma_wait3A_82] : memref<10112x128xf32, #tpu.memory_space<vmem_shared>> -> memref<56x128xf32, #tpu.memory_space<vmem_shared>>
      %dma_wait3A_84 = arith.constant 0 : i32
      %dma_wait3A_85 = arith.constant 0 : i32
      %dma_wait3A_86 = tpu.memref_slice %arg8[%dma_wait3A_84, %dma_wait3A_85] : memref<80x128xf32, #tpu.memory_space<vmem>> -> memref<56x128xf32, #tpu.memory_space<vmem>>
      tpu.wait_dma2 semaphore(%run_scoped3A_66 : memref<!tpu.dma_semaphore, #tpu.memory_space<semaphore_mem>>) src(%dma_wait3A_86 : memref<56x128xf32, #tpu.memory_space<vmem>>) dst(%dma_wait3A_83 : memref<56x128xf32, #tpu.memory_space<vmem_shared>>)
      tpu.yield
    }) : () -> ()
    %barrier3A = arith.constant 0 : index
    tpu.barrier barrier_id(%barrier3A)
    %dma_start3A = arith.constant 0 : i32
    %dma_start3A_47 = tpu.memref_slice %arg6[%dma_start3A] : memref<10000xi32, #tpu.memory_space<vmem>> -> memref<80xi32, #tpu.memory_space<vmem>>
    %dma_start3A_48 = arith.constant 0 : i32
    %dma_start3A_49 = arith.constant 0 : i32
    %dma_start3A_50 = tpu.memref_slice %arg2[%dma_start3A_48, %dma_start3A_49] : memref<10000x128xf32, #tpu.memory_space<hbm>> -> memref<10000x128xf32, #tpu.memory_space<hbm>>
    tpu.enqueue_indirect_dma source(%dma_start3A_50 : memref<10000x128xf32, #tpu.memory_space<hbm>>) target(%arg8 : memref<80x128xf32, #tpu.memory_space<vmem>>) offsets(%dma_start3A_47 : memref<80xi32, #tpu.memory_space<vmem>>) semaphore(%arg11 : memref<!tpu.dma_semaphore, #tpu.memory_space<semaphore_mem>>)
    %scan3A_51 = arith.constant 0 : i32
    %scan3A_52 = arith.constant 0 : i32
    %scan3A_53 = arith.constant 62 : i32
    %scan3A_54 = arith.addi %scan3A_52, %scan3A_53 : i32
    %scan3A_55 = arith.constant 1 : i32
    scf.for %scan3A_66 = %scan3A_52 to %scan3A_54 step %scan3A_55  : i32 {
      %mul3A_67 = arith.constant 2 : i32
      %mul3A_68 = arith.muli %mul3A_67, %scan3A_66 : i32
      %add3A_69 = arith.constant 1 : i32
      %add3A_70 = arith.addi %mul3A_68, %add3A_69 : i32
      %mul3A_71 = arith.constant 80 : i32
      %mul3A_72 = arith.muli %mul3A_68, %mul3A_71 : i32
      %dma_wait3A_73 = tpu.memref_slice %arg6[%mul3A_72] : memref<10000xi32, #tpu.memory_space<vmem>> -> memref<80xi32, #tpu.memory_space<vmem>>
      %dma_wait3A_74 = arith.constant 0 : i32
      %dma_wait3A_75 = arith.constant 0 : i32
      %dma_wait3A_76 = tpu.memref_slice %arg2[%dma_wait3A_74, %dma_wait3A_75] : memref<10000x128xf32, #tpu.memory_space<hbm>> -> memref<10000x128xf32, #tpu.memory_space<hbm>>
      tpu.wait_indirect_dma semaphore(%arg11 : memref<!tpu.dma_semaphore, #tpu.memory_space<semaphore_mem>>) src(%dma_wait3A_76 : memref<10000x128xf32, #tpu.memory_space<hbm>>) dst(%arg8 : memref<80x128xf32, #tpu.memory_space<vmem>>)
      %mul3A_77 = arith.constant 80 : i32
      %mul3A_78 = arith.muli %add3A_70, %mul3A_77 : i32
      %dma_start3A_79 = tpu.memref_slice %arg6[%mul3A_78] : memref<10000xi32, #tpu.memory_space<vmem>> -> memref<80xi32, #tpu.memory_space<vmem>>
      %dma_start3A_80 = arith.constant 0 : i32
      %dma_start3A_81 = arith.constant 0 : i32
      %dma_start3A_82 = tpu.memref_slice %arg2[%dma_start3A_80, %dma_start3A_81] : memref<10000x128xf32, #tpu.memory_space<hbm>> -> memref<10000x128xf32, #tpu.memory_space<hbm>>
      tpu.enqueue_indirect_dma source(%dma_start3A_82 : memref<10000x128xf32, #tpu.memory_space<hbm>>) target(%arg9 : memref<80x128xf32, #tpu.memory_space<vmem>>) offsets(%dma_start3A_79 : memref<80xi32, #tpu.memory_space<vmem>>) semaphore(%arg12 : memref<!tpu.dma_semaphore, #tpu.memory_space<semaphore_mem>>)
      "tpu.region"() ({
        %run_scoped3A_97 = tpu.sem_alloc : memref<!tpu.dma_semaphore, #tpu.memory_space<semaphore_mem>>
        %dma_start3A_98 = arith.constant 0 : i32
        %dma_start3A_99 = tpu.memref_slice %arg7[%mul3A_68, %dma_start3A_98] : memref<125x80xi32, #tpu.memory_space<vmem>> -> memref<1x80xi32, #tpu.memory_space<vmem>>
        %dma_start3A_100 = tpu.memref_squeeze %dma_start3A_99 : memref<1x80xi32, #tpu.memory_space<vmem>> -> memref<80xi32, #tpu.memory_space<vmem>>
        %dma_start3A_101 = arith.constant 0 : i32
        %dma_start3A_102 = arith.constant 0 : i32
        %dma_start3A_103 = tpu.memref_slice %arg10[%dma_start3A_101, %dma_start3A_102] : memref<10112x128xf32, #tpu.memory_space<vmem_shared>> -> memref<10112x128xf32, #tpu.memory_space<vmem_shared>>
        tpu.enqueue_indirect_dma source(%arg8 : memref<80x128xf32, #tpu.memory_space<vmem>>) target(%dma_start3A_103 : memref<10112x128xf32, #tpu.memory_space<vmem_shared>>) offsets(%dma_start3A_100 : memref<80xi32, #tpu.memory_space<vmem>>) semaphore(%run_scoped3A_97 : memref<!tpu.dma_semaphore, #tpu.memory_space<semaphore_mem>>) {add = true}
        %dma_wait3A_104 = arith.constant 0 : i32
        %dma_wait3A_105 = tpu.memref_slice %arg7[%mul3A_68, %dma_wait3A_104] : memref<125x80xi32, #tpu.memory_space<vmem>> -> memref<1x80xi32, #tpu.memory_space<vmem>>
        %dma_wait3A_106 = tpu.memref_squeeze %dma_wait3A_105 : memref<1x80xi32, #tpu.memory_space<vmem>> -> memref<80xi32, #tpu.memory_space<vmem>>
        %dma_wait3A_107 = arith.constant 0 : i32
        %dma_wait3A_108 = arith.constant 0 : i32
        %dma_wait3A_109 = tpu.memref_slice %arg10[%dma_wait3A_107, %dma_wait3A_108] : memref<10112x128xf32, #tpu.memory_space<vmem_shared>> -> memref<10112x128xf32, #tpu.memory_space<vmem_shared>>
        tpu.wait_indirect_dma semaphore(%run_scoped3A_97 : memref<!tpu.dma_semaphore, #tpu.memory_space<semaphore_mem>>) src(%arg8 : memref<80x128xf32, #tpu.memory_space<vmem>>) dst(%dma_wait3A_109 : memref<10112x128xf32, #tpu.memory_space<vmem_shared>>)
        tpu.yield
      }) : () -> ()
      %mul3A_83 = arith.constant 80 : i32
      %mul3A_84 = arith.muli %add3A_70, %mul3A_83 : i32
      %dma_wait3A_85 = tpu.memref_slice %arg6[%mul3A_84] : memref<10000xi32, #tpu.memory_space<vmem>> -> memref<80xi32, #tpu.memory_space<vmem>>
      %dma_wait3A_86 = arith.constant 0 : i32
      %dma_wait3A_87 = arith.constant 0 : i32
      %dma_wait3A_88 = tpu.memref_slice %arg2[%dma_wait3A_86, %dma_wait3A_87] : memref<10000x128xf32, #tpu.memory_space<hbm>> -> memref<10000x128xf32, #tpu.memory_space<hbm>>
      tpu.wait_indirect_dma semaphore(%arg12 : memref<!tpu.dma_semaphore, #tpu.memory_space<semaphore_mem>>) src(%dma_wait3A_88 : memref<10000x128xf32, #tpu.memory_space<hbm>>) dst(%arg9 : memref<80x128xf32, #tpu.memory_space<vmem>>)
      %add3A_89 = arith.constant 2 : i32
      %add3A_90 = arith.addi %mul3A_68, %add3A_89 : i32
      %mul3A_91 = arith.constant 80 : i32
      %mul3A_92 = arith.muli %add3A_90, %mul3A_91 : i32
      %dma_start3A_93 = tpu.memref_slice %arg6[%mul3A_92] : memref<10000xi32, #tpu.memory_space<vmem>> -> memref<80xi32, #tpu.memory_space<vmem>>
      %dma_start3A_94 = arith.constant 0 : i32
      %dma_start3A_95 = arith.constant 0 : i32
      %dma_start3A_96 = tpu.memref_slice %arg2[%dma_start3A_94, %dma_start3A_95] : memref<10000x128xf32, #tpu.memory_space<hbm>> -> memref<10000x128xf32, #tpu.memory_space<hbm>>
      tpu.enqueue_indirect_dma source(%dma_start3A_96 : memref<10000x128xf32, #tpu.memory_space<hbm>>) target(%arg8 : memref<80x128xf32, #tpu.memory_space<vmem>>) offsets(%dma_start3A_93 : memref<80xi32, #tpu.memory_space<vmem>>) semaphore(%arg11 : memref<!tpu.dma_semaphore, #tpu.memory_space<semaphore_mem>>)
      "tpu.region"() ({
        %run_scoped3A_97 = tpu.sem_alloc : memref<!tpu.dma_semaphore, #tpu.memory_space<semaphore_mem>>
        %dma_start3A_98 = arith.constant 0 : i32
        %dma_start3A_99 = tpu.memref_slice %arg7[%add3A_70, %dma_start3A_98] : memref<125x80xi32, #tpu.memory_space<vmem>> -> memref<1x80xi32, #tpu.memory_space<vmem>>
        %dma_start3A_100 = tpu.memref_squeeze %dma_start3A_99 : memref<1x80xi32, #tpu.memory_space<vmem>> -> memref<80xi32, #tpu.memory_space<vmem>>
        %dma_start3A_101 = arith.constant 0 : i32
        %dma_start3A_102 = arith.constant 0 : i32
        %dma_start3A_103 = tpu.memref_slice %arg10[%dma_start3A_101, %dma_start3A_102] : memref<10112x128xf32, #tpu.memory_space<vmem_shared>> -> memref<10112x128xf32, #tpu.memory_space<vmem_shared>>
        tpu.enqueue_indirect_dma source(%arg9 : memref<80x128xf32, #tpu.memory_space<vmem>>) target(%dma_start3A_103 : memref<10112x128xf32, #tpu.memory_space<vmem_shared>>) offsets(%dma_start3A_100 : memref<80xi32, #tpu.memory_space<vmem>>) semaphore(%run_scoped3A_97 : memref<!tpu.dma_semaphore, #tpu.memory_space<semaphore_mem>>) {add = true}
        %dma_wait3A_104 = arith.constant 0 : i32
        %dma_wait3A_105 = tpu.memref_slice %arg7[%add3A_70, %dma_wait3A_104] : memref<125x80xi32, #tpu.memory_space<vmem>> -> memref<1x80xi32, #tpu.memory_space<vmem>>
        %dma_wait3A_106 = tpu.memref_squeeze %dma_wait3A_105 : memref<1x80xi32, #tpu.memory_space<vmem>> -> memref<80xi32, #tpu.memory_space<vmem>>
        %dma_wait3A_107 = arith.constant 0 : i32
        %dma_wait3A_108 = arith.constant 0 : i32
        %dma_wait3A_109 = tpu.memref_slice %arg10[%dma_wait3A_107, %dma_wait3A_108] : memref<10112x128xf32, #tpu.memory_space<vmem_shared>> -> memref<10112x128xf32, #tpu.memory_space<vmem_shared>>
        tpu.wait_indirect_dma semaphore(%run_scoped3A_97 : memref<!tpu.dma_semaphore, #tpu.memory_space<semaphore_mem>>) src(%arg9 : memref<80x128xf32, #tpu.memory_space<vmem>>) dst(%dma_wait3A_109 : memref<10112x128xf32, #tpu.memory_space<vmem_shared>>)
        tpu.yield
      }) : () -> ()
    }
    %scan3A_56 = arith.constant 62 : i32
    %dma_wait3A = arith.constant 0 : i32
    %dma_wait3A_57 = tpu.memref_slice %arg6[%dma_wait3A] : memref<10000xi32, #tpu.memory_space<vmem>> -> memref<80xi32, #tpu.memory_space<vmem>>
    %dma_wait3A_58 = arith.constant 0 : i32
    %dma_wait3A_59 = arith.constant 0 : i32
    %dma_wait3A_60 = tpu.memref_slice %arg2[%dma_wait3A_58, %dma_wait3A_59] : memref<10000x128xf32, #tpu.memory_space<hbm>> -> memref<10000x128xf32, #tpu.memory_space<hbm>>
    tpu.wait_indirect_dma semaphore(%arg11 : memref<!tpu.dma_semaphore, #tpu.memory_space<semaphore_mem>>) src(%dma_wait3A_60 : memref<10000x128xf32, #tpu.memory_space<hbm>>) dst(%arg8 : memref<80x128xf32, #tpu.memory_space<vmem>>)
    %run_scoped3A = arith.constant 124 : i32
    "tpu.region"() ({
      %run_scoped3A_66 = tpu.sem_alloc : memref<!tpu.dma_semaphore, #tpu.memory_space<semaphore_mem>>
      %dma_start3A_67 = arith.constant 0 : i32
      %dma_start3A_68 = tpu.memref_slice %arg7[%run_scoped3A, %dma_start3A_67] : memref<125x80xi32, #tpu.memory_space<vmem>> -> memref<1x80xi32, #tpu.memory_space<vmem>>
      %dma_start3A_69 = tpu.memref_squeeze %dma_start3A_68 : memref<1x80xi32, #tpu.memory_space<vmem>> -> memref<80xi32, #tpu.memory_space<vmem>>
      %dma_start3A_70 = arith.constant 0 : i32
      %dma_start3A_71 = arith.constant 0 : i32
      %dma_start3A_72 = tpu.memref_slice %arg10[%dma_start3A_70, %dma_start3A_71] : memref<10112x128xf32, #tpu.memory_space<vmem_shared>> -> memref<10112x128xf32, #tpu.memory_space<vmem_shared>>
      tpu.enqueue_indirect_dma source(%arg8 : memref<80x128xf32, #tpu.memory_space<vmem>>) target(%dma_start3A_72 : memref<10112x128xf32, #tpu.memory_space<vmem_shared>>) offsets(%dma_start3A_69 : memref<80xi32, #tpu.memory_space<vmem>>) semaphore(%run_scoped3A_66 : memref<!tpu.dma_semaphore, #tpu.memory_space<semaphore_mem>>) {add = true}
      %dma_wait3A_73 = arith.constant 0 : i32
      %dma_wait3A_74 = tpu.memref_slice %arg7[%run_scoped3A, %dma_wait3A_73] : memref<125x80xi32, #tpu.memory_space<vmem>> -> memref<1x80xi32, #tpu.memory_space<vmem>>
      %dma_wait3A_75 = tpu.memref_squeeze %dma_wait3A_74 : memref<1x80xi32, #tpu.memory_space<vmem>> -> memref<80xi32, #tpu.memory_space<vmem>>
      %dma_wait3A_76 = arith.constant 0 : i32
      %dma_wait3A_77 = arith.constant 0 : i32
      %dma_wait3A_78 = tpu.memref_slice %arg10[%dma_wait3A_76, %dma_wait3A_77] : memref<10112x128xf32, #tpu.memory_space<vmem_shared>> -> memref<10112x128xf32, #tpu.memory_space<vmem_shared>>
      tpu.wait_indirect_dma semaphore(%run_scoped3A_66 : memref<!tpu.dma_semaphore, #tpu.memory_space<semaphore_mem>>) src(%arg8 : memref<80x128xf32, #tpu.memory_space<vmem>>) dst(%dma_wait3A_78 : memref<10112x128xf32, #tpu.memory_space<vmem_shared>>)
      tpu.yield
    }) : () -> ()
    %barrier3A_61 = arith.constant 0 : index
    tpu.barrier barrier_id(%barrier3A_61)
    %mul3A_62 = arith.constant 632 : i32
    %mul3A_63 = arith.muli %arg1, %mul3A_62 : i32
    %mul3A_64 = arith.constant 632 : i32
    %mul3A_65 = arith.muli %arg1, %mul3A_64 : i32
    "tpu.region"() ({
      %run_scoped3A_66 = tpu.sem_alloc : memref<!tpu.dma_semaphore, #tpu.memory_space<semaphore_mem>>
      %dma_start3A_67 = arith.constant 0 : i32
      %dma_start3A_68 = tpu.memref_slice %arg5[%arg0, %mul3A_65, %dma_start3A_67] : memref<2x10112x128xf32, #tpu.memory_space<hbm>> -> memref<1x632x128xf32, #tpu.memory_space<hbm>>
      %dma_start3A_69 = tpu.memref_squeeze %dma_start3A_68 : memref<1x632x128xf32, #tpu.memory_space<hbm>> -> memref<632x128xf32, #tpu.memory_space<hbm>>
      %dma_start3A_70 = arith.constant 0 : i32
      %dma_start3A_71 = tpu.memref_slice %arg10[%mul3A_63, %dma_start3A_70] : memref<10112x128xf32, #tpu.memory_space<vmem_shared>> -> memref<632x128xf32, #tpu.memory_space<vmem_shared>>
      tpu.enqueue_dma source(%dma_start3A_71 : memref<632x128xf32, #tpu.memory_space<vmem_shared>>) target(%dma_start3A_69 : memref<632x128xf32, #tpu.memory_space<hbm>>) target_semaphore(%run_scoped3A_66 : memref<!tpu.dma_semaphore, #tpu.memory_space<semaphore_mem>>)
      %dma_wait3A_72 = arith.constant 0 : i32
      %dma_wait3A_73 = tpu.memref_slice %arg5[%arg0, %mul3A_65, %dma_wait3A_72] : memref<2x10112x128xf32, #tpu.memory_space<hbm>> -> memref<1x632x128xf32, #tpu.memory_space<hbm>>
      %dma_wait3A_74 = tpu.memref_squeeze %dma_wait3A_73 : memref<1x632x128xf32, #tpu.memory_space<hbm>> -> memref<632x128xf32, #tpu.memory_space<hbm>>
      %dma_wait3A_75 = arith.constant 0 : i32
      %dma_wait3A_76 = tpu.memref_slice %arg10[%mul3A_63, %dma_wait3A_75] : memref<10112x128xf32, #tpu.memory_space<vmem_shared>> -> memref<632x128xf32, #tpu.memory_space<vmem_shared>>
      tpu.wait_dma2 semaphore(%run_scoped3A_66 : memref<!tpu.dma_semaphore, #tpu.memory_space<semaphore_mem>>) src(%dma_wait3A_76 : memref<632x128xf32, #tpu.memory_space<vmem_shared>>) dst(%dma_wait3A_74 : memref<632x128xf32, #tpu.memory_space<hbm>>)
      tpu.yield
    }) : () -> ()
    return
  }
}

module attributes {stable_mosaic.version = 14 : i64} {
  func.func @_tc_first_body(%arg0: memref<2x10112x16xf32, #tpu.memory_space<vmem>>, %arg1: memref<10000x128xf32, #tpu.memory_space<vmem>>, %arg2: memref<128x128xf32, #tpu.memory_space<vmem>>, %arg3: memref<10000x1xf32, #tpu.memory_space<vmem>>, %arg4: memref<10000x128xf32, #tpu.memory_space<vmem>>) attributes {dimension_semantics = [], scalar_prefetch = 0 : i64, scratch_operands = 0 : i64, tpu.core_type = #tpu.core_type<tc>} {
    %get3A = arith.constant 0 : index
    %get3A_0 = arith.constant 0 : index
    %get3A_1 = arith.constant 0 : index
    %get3A_2 = vector.load %arg0[%get3A, %get3A_0, %get3A_1] : memref<2x10112x16xf32, #tpu.memory_space<vmem>>, vector<1x10000x1xf32>
    %get3A_3 = vector.shape_cast %get3A_2 : vector<1x10000x1xf32> to vector<10000x1xf32>
    %get3A_4 = arith.constant 1 : index
    %get3A_5 = arith.constant 0 : index
    %get3A_6 = arith.constant 0 : index
    %get3A_7 = vector.load %arg0[%get3A_4, %get3A_5, %get3A_6] : memref<2x10112x16xf32, #tpu.memory_space<vmem>>, vector<1x10000x1xf32>
    %get3A_8 = vector.shape_cast %get3A_7 : vector<1x10000x1xf32> to vector<10000x1xf32>
    %add3A = arith.addf %get3A_3, %get3A_8 : vector<10000x1xf32>
    %add3A_9 = arith.constant 1.000000e+00 : f32
    %add3A_10 = vector.broadcast %add3A_9 : f32 to vector<10000x1xf32>
    %add3A_11 = arith.addf %add3A, %add3A_10 : vector<10000x1xf32>
    %rsqrt3A = math.rsqrt %add3A_11 : vector<10000x1xf32>
    %swap3A = arith.constant 0 : index
    %swap3A_12 = arith.constant 0 : index
    %swap3A_13 = vector.load %arg3[%swap3A, %swap3A_12] : memref<10000x1xf32, #tpu.memory_space<vmem>>, vector<10000x1xf32>
    tpu.vector_store %arg3[%swap3A, %swap3A_12], %rsqrt3A {strides = array<i32>} : memref<10000x1xf32, #tpu.memory_space<vmem>>, vector<10000x1xf32>,
    %get3A_14 = arith.constant 0 : index
    %get3A_15 = arith.constant 0 : index
    %get3A_16 = vector.load %arg1[%get3A_14, %get3A_15] : memref<10000x128xf32, #tpu.memory_space<vmem>>, vector<10000x128xf32>
    %mul3A = vector.broadcast %rsqrt3A : vector<10000x1xf32> to vector<10000x128xf32>
    %mul3A_17 = arith.mulf %get3A_16, %mul3A : vector<10000x128xf32>
    %get3A_18 = arith.constant 0 : index
    %get3A_19 = arith.constant 0 : index
    %get3A_20 = vector.load %arg2[%get3A_18, %get3A_19] : memref<128x128xf32, #tpu.memory_space<vmem>>, vector<128x128xf32>
    %dot_general3A = arith.constant dense<0.000000e+00> : vector<10000x128xf32>
    %dot_general3A_21 = tpu.matmul %mul3A_17, %get3A_20, %dot_general3A {dimension_numbers = #tpu.dot_dimension_numbers<[1], [0], [0], [1], [0, 0, 1, 1], [], []>, transpose_lhs_hint = false} : vector<10000x128xf32>, vector<128x128xf32>, vector<10000x128xf32> -> vector<10000x128xf32>
    %swap3A_22 = arith.constant 0 : index
    %swap3A_23 = arith.constant 0 : index
    %swap3A_24 = vector.load %arg4[%swap3A_22, %swap3A_23] : memref<10000x128xf32, #tpu.memory_space<vmem>>, vector<10000x128xf32>
    tpu.vector_store %arg4[%swap3A_22, %swap3A_23], %dot_general3A_21 {strides = array<i32>} : memref<10000x128xf32, #tpu.memory_space<vmem>>, vector<10000x128xf32>,
    return
  }
}

module attributes {stable_mosaic.version = 14 : i64} {
  func.func @_tc_mid_body(%arg0: memref<2x10112x128xf32, #tpu.memory_space<vmem>>, %arg1: memref<10000x128xf32, #tpu.memory_space<vmem>>, %arg2: memref<10000x1xf32, #tpu.memory_space<vmem>>, %arg3: memref<1x128xf32, #tpu.memory_space<vmem>>, %arg4: memref<128x128xf32, #tpu.memory_space<vmem>>, %arg5: memref<10000x128xf32, #tpu.memory_space<vmem>>) attributes {dimension_semantics = [], scalar_prefetch = 0 : i64, scratch_operands = 0 : i64, tpu.core_type = #tpu.core_type<tc>} {
    %get3A = arith.constant 0 : index
    %get3A_0 = arith.constant 0 : index
    %get3A_1 = vector.load %arg2[%get3A, %get3A_0] : memref<10000x1xf32, #tpu.memory_space<vmem>>, vector<10000x1xf32>
    %get3A_2 = arith.constant 0 : index
    %get3A_3 = arith.constant 0 : index
    %get3A_4 = arith.constant 0 : index
    %get3A_5 = vector.load %arg0[%get3A_2, %get3A_3, %get3A_4] : memref<2x10112x128xf32, #tpu.memory_space<vmem>>, vector<1x10000x128xf32>
    %get3A_6 = vector.shape_cast %get3A_5 : vector<1x10000x128xf32> to vector<10000x128xf32>
    %get3A_7 = arith.constant 1 : index
    %get3A_8 = arith.constant 0 : index
    %get3A_9 = arith.constant 0 : index
    %get3A_10 = vector.load %arg0[%get3A_7, %get3A_8, %get3A_9] : memref<2x10112x128xf32, #tpu.memory_space<vmem>>, vector<1x10000x128xf32>
    %get3A_11 = vector.shape_cast %get3A_10 : vector<1x10000x128xf32> to vector<10000x128xf32>
    %add3A = arith.addf %get3A_6, %get3A_11 : vector<10000x128xf32>
    %get3A_12 = arith.constant 0 : index
    %get3A_13 = arith.constant 0 : index
    %get3A_14 = vector.load %arg1[%get3A_12, %get3A_13] : memref<10000x128xf32, #tpu.memory_space<vmem>>, vector<10000x128xf32>
    %add3A_15 = arith.addf %add3A, %get3A_14 : vector<10000x128xf32>
    %mul3A = vector.broadcast %get3A_1 : vector<10000x1xf32> to vector<10000x128xf32>
    %mul3A_16 = arith.mulf %mul3A, %add3A_15 : vector<10000x128xf32>
    %get3A_17 = arith.constant 0 : index
    %get3A_18 = arith.constant 0 : index
    %get3A_19 = vector.load %arg3[%get3A_17, %get3A_18] : memref<1x128xf32, #tpu.memory_space<vmem>>, vector<1x128xf32>
    %add3A_20 = vector.broadcast %get3A_19 : vector<1x128xf32> to vector<10000x128xf32>
    %add3A_21 = arith.addf %mul3A_16, %add3A_20 : vector<10000x128xf32>
    %max3A = arith.constant 0.000000e+00 : f32
    %max3A_22 = vector.broadcast %max3A : f32 to vector<10000x128xf32>
    %max3A_23 = arith.maximumf %add3A_21, %max3A_22 : vector<10000x128xf32>
    %mul3A_24 = vector.broadcast %get3A_1 : vector<10000x1xf32> to vector<10000x128xf32>
    %mul3A_25 = arith.mulf %max3A_23, %mul3A_24 : vector<10000x128xf32>
    %get3A_26 = arith.constant 0 : index
    %get3A_27 = arith.constant 0 : index
    %get3A_28 = vector.load %arg4[%get3A_26, %get3A_27] : memref<128x128xf32, #tpu.memory_space<vmem>>, vector<128x128xf32>
    %dot_general3A = arith.constant dense<0.000000e+00> : vector<10000x128xf32>
    %dot_general3A_29 = tpu.matmul %mul3A_25, %get3A_28, %dot_general3A {dimension_numbers = #tpu.dot_dimension_numbers<[1], [0], [0], [1], [0, 0, 1, 1], [], []>, transpose_lhs_hint = false} : vector<10000x128xf32>, vector<128x128xf32>, vector<10000x128xf32> -> vector<10000x128xf32>
    %swap3A = arith.constant 0 : index
    %swap3A_30 = arith.constant 0 : index
    %swap3A_31 = vector.load %arg5[%swap3A, %swap3A_30] : memref<10000x128xf32, #tpu.memory_space<vmem>>, vector<10000x128xf32>
    tpu.vector_store %arg5[%swap3A, %swap3A_30], %dot_general3A_29 {strides = array<i32>} : memref<10000x128xf32, #tpu.memory_space<vmem>>, vector<10000x128xf32>,
    return
  }
}

module attributes {stable_mosaic.version = 14 : i64} {
  func.func @_tc_final_body(%arg0: memref<2x10112x128xf32, #tpu.memory_space<vmem>>, %arg1: memref<10000x128xf32, #tpu.memory_space<vmem>>, %arg2: memref<10000x1xf32, #tpu.memory_space<vmem>>, %arg3: memref<1x128xf32, #tpu.memory_space<vmem>>, %arg4: memref<128x128xf32, #tpu.memory_space<vmem>>, %arg5: memref<128x128xf32, #tpu.memory_space<vmem>>, %arg6: memref<1x128xf32, #tpu.memory_space<vmem>>, %arg7: memref<128x1xf32, #tpu.memory_space<vmem>>, %arg8: memref<1x1xf32, #tpu.memory_space<vmem>>, %arg9: memref<1x1xf32, #tpu.memory_space<vmem>>) attributes {dimension_semantics = [], scalar_prefetch = 0 : i64, scratch_operands = 0 : i64, tpu.core_type = #tpu.core_type<tc>} {
    %get3A = arith.constant 0 : index
    %get3A_0 = arith.constant 0 : index
    %get3A_1 = vector.load %arg2[%get3A, %get3A_0] : memref<10000x1xf32, #tpu.memory_space<vmem>>, vector<10000x1xf32>
    %get3A_2 = arith.constant 0 : index
    %get3A_3 = arith.constant 0 : index
    %get3A_4 = arith.constant 0 : index
    %get3A_5 = vector.load %arg0[%get3A_2, %get3A_3, %get3A_4] : memref<2x10112x128xf32, #tpu.memory_space<vmem>>, vector<1x10000x128xf32>
    %get3A_6 = vector.shape_cast %get3A_5 : vector<1x10000x128xf32> to vector<10000x128xf32>
    %get3A_7 = arith.constant 1 : index
    %get3A_8 = arith.constant 0 : index
    %get3A_9 = arith.constant 0 : index
    %get3A_10 = vector.load %arg0[%get3A_7, %get3A_8, %get3A_9] : memref<2x10112x128xf32, #tpu.memory_space<vmem>>, vector<1x10000x128xf32>
    %get3A_11 = vector.shape_cast %get3A_10 : vector<1x10000x128xf32> to vector<10000x128xf32>
    %add3A = arith.addf %get3A_6, %get3A_11 : vector<10000x128xf32>
    %get3A_12 = arith.constant 0 : index
    %get3A_13 = arith.constant 0 : index
    %get3A_14 = vector.load %arg1[%get3A_12, %get3A_13] : memref<10000x128xf32, #tpu.memory_space<vmem>>, vector<10000x128xf32>
    %add3A_15 = arith.addf %add3A, %get3A_14 : vector<10000x128xf32>
    %mul3A = vector.broadcast %get3A_1 : vector<10000x1xf32> to vector<10000x128xf32>
    %mul3A_16 = arith.mulf %mul3A, %add3A_15 : vector<10000x128xf32>
    %get3A_17 = arith.constant 0 : index
    %get3A_18 = arith.constant 0 : index
    %get3A_19 = vector.load %arg3[%get3A_17, %get3A_18] : memref<1x128xf32, #tpu.memory_space<vmem>>, vector<1x128xf32>
    %add3A_20 = vector.broadcast %get3A_19 : vector<1x128xf32> to vector<10000x128xf32>
    %add3A_21 = arith.addf %mul3A_16, %add3A_20 : vector<10000x128xf32>
    %max3A = arith.constant 0.000000e+00 : f32
    %max3A_22 = vector.broadcast %max3A : f32 to vector<10000x128xf32>
    %max3A_23 = arith.maximumf %add3A_21, %max3A_22 : vector<10000x128xf32>
    %reduce_sum3A = arith.constant dense<0.000000e+00> : vector<128xf32>
    %reduce_sum3A_24 = vector.multi_reduction <add>, %max3A_23, %reduce_sum3A [0] : vector<10000x128xf32> to vector<128xf32>
    %broadcast_in_dim3A = vector.shape_cast %reduce_sum3A_24 : vector<128xf32> to vector<1x128xf32>
    %div3A = arith.constant 1.000000e+04 : f32
    %div3A_25 = vector.broadcast %div3A : f32 to vector<1x128xf32>
    %div3A_26 = arith.divf %broadcast_in_dim3A, %div3A_25 : vector<1x128xf32>
    %reduce_max3A = arith.constant dense<0xFF800000> : vector<128xf32>
    %reduce_max3A_27 = vector.multi_reduction <maximumf>, %max3A_23, %reduce_max3A [0] : vector<10000x128xf32> to vector<128xf32>
    %broadcast_in_dim3A_28 = vector.shape_cast %reduce_max3A_27 : vector<128xf32> to vector<1x128xf32>
    %get3A_29 = arith.constant 0 : index
    %get3A_30 = arith.constant 0 : index
    %get3A_31 = vector.load %arg4[%get3A_29, %get3A_30] : memref<128x128xf32, #tpu.memory_space<vmem>>, vector<128x128xf32>
    %dot_general3A = arith.constant dense<0.000000e+00> : vector<1x128xf32>
    %dot_general3A_32 = tpu.matmul %div3A_26, %get3A_31, %dot_general3A {dimension_numbers = #tpu.dot_dimension_numbers<[1], [0], [0], [1], [0, 0, 1, 1], [], []>, transpose_lhs_hint = false} : vector<1x128xf32>, vector<128x128xf32>, vector<1x128xf32> -> vector<1x128xf32>
    %get3A_33 = arith.constant 0 : index
    %get3A_34 = arith.constant 0 : index
    %get3A_35 = vector.load %arg5[%get3A_33, %get3A_34] : memref<128x128xf32, #tpu.memory_space<vmem>>, vector<128x128xf32>
    %dot_general3A_36 = arith.constant dense<0.000000e+00> : vector<1x128xf32>
    %dot_general3A_37 = tpu.matmul %broadcast_in_dim3A_28, %get3A_35, %dot_general3A_36 {dimension_numbers = #tpu.dot_dimension_numbers<[1], [0], [0], [1], [0, 0, 1, 1], [], []>, transpose_lhs_hint = false} : vector<1x128xf32>, vector<128x128xf32>, vector<1x128xf32> -> vector<1x128xf32>
    %add3A_38 = arith.addf %dot_general3A_32, %dot_general3A_37 : vector<1x128xf32>
    %get3A_39 = arith.constant 0 : index
    %get3A_40 = arith.constant 0 : index
    %get3A_41 = vector.load %arg6[%get3A_39, %get3A_40] : memref<1x128xf32, #tpu.memory_space<vmem>>, vector<1x128xf32>
    %add3A_42 = arith.addf %add3A_38, %get3A_41 : vector<1x128xf32>
    %max3A_43 = arith.constant 0.000000e+00 : f32
    %max3A_44 = vector.broadcast %max3A_43 : f32 to vector<1x128xf32>
    %max3A_45 = arith.maximumf %add3A_42, %max3A_44 : vector<1x128xf32>
    %get3A_46 = arith.constant 0 : index
    %get3A_47 = arith.constant 0 : index
    %get3A_48 = vector.load %arg7[%get3A_46, %get3A_47] : memref<128x1xf32, #tpu.memory_space<vmem>>, vector<128x1xf32>
    %dot_general3A_49 = arith.constant dense<0.000000e+00> : vector<1x1xf32>
    %dot_general3A_50 = tpu.matmul %max3A_45, %get3A_48, %dot_general3A_49 {dimension_numbers = #tpu.dot_dimension_numbers<[1], [0], [0], [1], [0, 0, 1, 1], [], []>, transpose_lhs_hint = false} : vector<1x128xf32>, vector<128x1xf32>, vector<1x1xf32> -> vector<1x1xf32>
    %get3A_51 = arith.constant 0 : index
    %get3A_52 = arith.constant 0 : index
    %get3A_53 = vector.load %arg8[%get3A_51, %get3A_52] : memref<1x1xf32, #tpu.memory_space<vmem>>, vector<1x1xf32>
    %add3A_54 = arith.addf %dot_general3A_50, %get3A_53 : vector<1x1xf32>
    %swap3A = arith.constant 0 : index
    %swap3A_55 = arith.constant 0 : index
    %swap3A_56 = vector.load %arg9[%swap3A, %swap3A_55] : memref<1x1xf32, #tpu.memory_space<vmem>>, vector<1x1xf32>
    tpu.vector_store %arg9[%swap3A, %swap3A_55], %add3A_54 {strides = array<i32>} : memref<1x1xf32, #tpu.memory_space<vmem>>, vector<1x1xf32>,
    return
  }
}

</mosaic_0001>

<sc_bundles>
// kernel: kernel.10.cloned.1.call-start
scs
__scs_entry_jumppad:
0x0: {  	(pc) =	sbr.rel $0x88, $3  }
0x1: {  	(tag) =	ssettag $0x0;
	lr =	simm.s32 $0x1  }
0x2: {  	[smem:$0x3F95] =	sst lr;
	_ =	strace $0xD0000000  }
0x3: {  	_ = 	snop  }
0x4: {  	_ = 	snop  }
0x5: {  	_ = 	snop  }
0x6: {  	_ = 	snop  }
0x7: {  	_ = 	snop  }
__scs_overlays_trampoline_lowered:
0x8: {  	[smem:$0x3FA4] =	sst s0  }
0x9: {  	[smem:$0x3FA5] =	sst s1  }
0xa: {  	[smem:$0x3FA6] =	sst s2  }
0xb: {  	[smem:$0x3FA7] =	sst s3  }
0xc: {  	[smem:$0x3FA8] =	sst s4  }
0xd: {  	[smem:$0x3FA9] =	sst s5  }
0xe: {  	[smem:$0x3FAA] =	sst s6  }
0xf: {  	[smem:$0x3FAB] =	sst s7  }
0x10: {  	[smem:$0x3FAC] =	sst s8  }
0x11: {  	[smem:$0x3FAD] =	sst s9;
	s0 =	simm.s32 @!p0 $0x0  }
0x12: {  	s1 =	sld [smem:$0x3F93];
	s0 =	simm.s32 @p0 $0x1  }
0x13: {  	[smem:$0x3FAE] =	sst s0;
	s0 =	simm.s32 @!p1 $0x0  }
0x14: {  	s2 =	sld [smem:$0x3F92];
	s0 =	simm.s32 @p1 $0x1  }
0x15: {  	[smem:$0x3FAF] =	sst s0;
	s0 =	simm.s32 @!p2 $0x0  }
0x16: {  	s3 =	sld [smem:$0x3FDB];
	s0 =	simm.s32 @p2 $0x1  }
0x17: {  	s4 =	simm.s32 $0x1BF5;
	[smem:$0x3FB1] =	sst s0  }
0x18: {  	s0 =	sld [smem:$0x3F94];
	_ =	swait.ge [sflag:s4], $0x0  }
0x19: {  	s7 =	sld [smem:$0x3F95]  }
0x1a: {  	s8 =	sadd.s32 $0xFFFFE003, lr  }
0x1b: {  	s9 =	sadd.s32 $0xFFFFFEF7, lr;
	s5 =	simm.s32 $0xFFFFFFFF;
	p2 =	slt.u32 s8, $0xFFFFF086  }
0x1c: {  	p1 =	slt.u32 s9, $0xF7A;
	s5 =	simm.s32 @!p2 $0x0  }
0x1d: {  	s5 =	simm.s32 @p1 $0x1;
	p0 =	seq.s32 s7, s2  }
0x1e: {  	s7 =	smul.u32 @!p0 $0xF7A, s2;
	p2 =	seq.s32 @!p0 s5, $0x0  }
0x1f: {  	s9 =	smul.u32 $0xF7A, s1;
	s8 =	simm.s32 @!p0 $0x1BF5;
	p2 =	por !p2, p0  }
0x20: {  	[sflag:s8] =	ssyncset.s32 @!p0 $0xFFFFF086;
	s6 =	sadd.s32 @!p0 s3, s7;
	s7 =	simm.s32 @!p0 $0x108  }
0x21: {  	s3 =	sadd.s32 s3, s9;
	s6 =	sadd.s32 @!p0 $0x88, s6;
	s7 =	simm.s32 @p2 $0x1082  }
0x22: {  	[simem:s7], [sflag:s8] =	dma.local @!p0 [hbm:s6], $0xF7A  }
0x23: {  	s9 =	sor.u32 $0xD0000000, s2;
	s6 =	simm.s32 $0x108;
	_ =	swait.ge @!p0 [sflag:s8], $0x0  }
0x24: {  	s3 =	sadd.s32 $0x88, s3;
	s6 =	simm.s32 @!p1 $0x1082;
	[sflag:s4] =	ssyncset.s32 $0xFFFFF086  }
0x25: {  	[simem:s6], [sflag:s4] =	dma.local [hbm:s3], $0xF7A  }
0x26: {  	[smem:$0x3F95] =	sst s1;
	(tag) =	ssettag s2;
	_ =	strace s9  }
0x27: {  	s1 =	sld [smem:$0x3FA5]  }
0x28: {  	s2 =	sld [smem:$0x3FA6]  }
0x29: {  	s4 =	sld [smem:$0x3FA8]  }
0x2a: {  	p0 =	seq.s32 s5, $0x0;
	s5 =	sld [smem:$0x3FA9]  }
0x2b: {  	s6 =	sld [smem:$0x3FAA]  }
0x2c: {  	s7 =	sld [smem:$0x3FAB]  }
0x2d: {  	s3 =	simm.s32 $0x108;
	s8 =	sld [smem:$0x3FAC]  }
0x2e: {  	s3 =	simm.s32 @!p0 $0x1082;
	s9 =	sld [smem:$0x3FAD]  }
0x2f: {  	lr =	sadd.s32 s0, s3;
	s0 =	sld [smem:$0x3FA4]  }
0x30: {  	s3 =	sld [smem:$0x3FA7]  }
0x31: {  	[smem:$0x3FB0] =	sst s10  }
0x32: {  	s10 =	sld [smem:$0x3FAE];
	_ =	sdelay $0x3  }
0x33: {  	p0 =	seq.s32 s10, $0x1;
	s10 =	sld [smem:$0x3FB0];
	_ =	sdelay $0x3  }
0x34: {  	[smem:$0x3FB0] =	sst s10  }
0x35: {  	s10 =	sld [smem:$0x3FAF];
	_ =	sdelay $0x3  }
0x36: {  	p1 =	seq.s32 s10, $0x1;
	s10 =	sld [smem:$0x3FB0];
	_ =	sdelay $0x3  }
0x37: {  	[smem:$0x3FB0] =	sst s10  }
0x38: {  	s10 =	sld [smem:$0x3FB1]  }
0x39: {  	_ = 	snop;
	(pc) =	sbr.ind lr, $3  }
0x3a: {  	_ = 	snop  }
0x3b: {  	_ = 	snop  }
0x3c: {  	p2 =	seq.s32 s10, $0x1;
	s10 =	sld [smem:$0x3FB0]  }
0x3d: {  	_ =	shalt  }
0x3e: {  	_ =	shalt  }
0x3f: {  	_ =	shalt  }
0x40: {  	_ =	shalt  }
0x41: {  	_ =	shalt  }
0x42: {  	_ =	shalt  }
0x43: {  	_ =	shalt  }
0x44: {  	_ =	shalt  }
0x45: {  	_ =	shalt  }
0x46: {  	_ =	shalt  }
0x47: {  	_ =	shalt  }
0x48: {  	_ =	shalt  }
0x49: {  	_ =	shalt  }
0x4a: {  	_ =	shalt  }
0x4b: {  	_ =	shalt  }
0x4c: {  	_ =	shalt  }
0x4d: {  	_ =	shalt  }
0x4e: {  	_ =	shalt  }
0x4f: {  	_ =	shalt  }
0x50: {  	_ =	shalt  }
0x51: {  	_ =	shalt  }
0x52: {  	_ =	shalt  }
0x53: {  	_ =	shalt  }
0x54: {  	_ =	shalt  }
0x55: {  	_ =	shalt  }
0x56: {  	_ =	shalt  }
0x57: {  	_ =	shalt  }
0x58: {  	_ =	shalt  }
0x59: {  	_ =	shalt  }
0x5a: {  	_ =	shalt  }
0x5b: {  	_ =	shalt  }
0x5c: {  	_ =	shalt  }
0x5d: {  	_ =	shalt  }
0x5e: {  	_ =	shalt  }
0x5f: {  	_ =	shalt  }
0x60: {  	_ =	shalt  }
0x61: {  	_ =	shalt  }
0x62: {  	_ =	shalt  }
0x63: {  	_ =	shalt  }
0x64: {  	_ =	shalt  }
0x65: {  	_ =	shalt  }
0x66: {  	_ =	shalt  }
0x67: {  	_ =	shalt  }
0x68: {  	_ =	shalt  }
0x69: {  	_ =	shalt  }
0x6a: {  	_ =	shalt  }
0x6b: {  	_ =	shalt  }
0x6c: {  	_ =	shalt  }
0x6d: {  	_ =	shalt  }
0x6e: {  	_ =	shalt  }
0x6f: {  	_ =	shalt  }
0x70: {  	_ =	shalt  }
0x71: {  	_ =	shalt  }
0x72: {  	_ =	shalt  }
0x73: {  	_ =	shalt  }
0x74: {  	_ =	shalt  }
0x75: {  	_ =	shalt  }
0x76: {  	_ =	shalt  }
0x77: {  	_ =	shalt  }
0x78: {  	_ =	shalt  }
0x79: {  	_ =	shalt  }
0x7a: {  	_ =	shalt  }
0x7b: {  	_ =	shalt  }
0x7c: {  	_ =	shalt  }
0x7d: {  	_ =	shalt  }
0x7e: {  	_ =	shalt  }
0x7f: {  	_ =	shalt  }
0x80: {  	_ =	shalt  }
0x81: {  	_ =	shalt  }
0x82: {  	_ =	shalt  }
0x83: {  	_ =	shalt  }
0x84: {  	_ =	shalt  }
0x85: {  	_ =	shalt  }
0x86: {  	_ =	shalt  }
0x87: {  	_ =	shalt  }
.Lfunc_end0:
.L_simem_size_0:
called_computation_lowered:
.L_overlay_start_0:
0x88: {  	s2 =	sld [smem:$0x3FD9]  }
0x89: {  	s3 =	sld [smem:$0x3FFE];
	_ =	sdelay $0x1  }
0x8a: {  	s1 =	srdreg.scid  }
0x8b: {  	s0 =	sand.u32 $0x1, s1  }
0x8c: {  	s16 =	sshll.u32 s0, $0xA;
	s2 =	sadd.s32 s3, s2  }
0x8d: {  	s2 =	sadd.s32 s2, s16  }
0x8e: {  	[smem:$0x3FBC] =	sst s2  }
0x8f: {  	_ = 	snop  }
0x90: {  	(tm) =	ssettm $0x1  }
0x91: {  	s17 =	sld [smem:$0x3FFB];
	_ =	sdelay $0x3  }
0x92: {  	_ =	strace s17  }
0x93: {  	s2 =	sld [smem:$0x3FFC];
	_ =	sdelay $0x3  }
0x94: {  	_ =	strace s2  }
0x95: {  	s2 =	sld [smem:$0x3FFD];
	_ =	sdelay $0x3  }
0x96: {  	_ =	strace s2  }
0x97: {  	_ =	strace $0x8FFFFFFF  }
0x98: {  	s18 =	sld [smem:$0x3FDB];
	_ =	sdelay $0x1  }
0x99: {  	s19 =	simm.s32 $_scs_section_size  }
0x9a: {  	s4 =	simm.s32 $_size__tile_overlayer_lowered;
	s5 =	simm.s32 $_tile_overlayer_lowered  }
0x9b: {  	s22 =	simm.s32 $0x1BFF;
	s21 =	sshll.u32 s5, $0x1;
	s2 =	sadd.s32 s19, s18  }
0x9c: {  	s6 =	simm.s32 $0x0;
	s20 =	sshll.u32 s4, $0x1;
	s4 =	sadd.s32 s21, s2  }
0x9d: {  	[timem:s6], [sflag:s22] =	dma.local [hbm:s4], s20  }
0x9e: {  	_ =	swait.ge [sflag:s22], s20  }
0x9f: {  	s3 =	ssub.s32 $0x0, s20;
	[sflag:s22] =	ssyncset.done $0x0  }
0xa0: {  	[sflag:s22] =	ssyncadd.s32 s3;
	_ =	sdelay $0x1  }
0xa1: {  	s23 =	simm.s32 $0x1B8B  }
0xa2: {  	_ =	swait.ge [sflag:s23], $0x1  }
0xa3: {  	[sflag:s23] =	ssyncset.done $0x0  }
0xa4: {  	s25 =	simm.s32 $0x1B8E;
	s24 =	sld [smem:$0x3FFE];
	[sflag:s23] =	ssyncadd.s32 $0xFFFFFFFF  }
0xa5: {  	s26 =	simm.s32 $execute0_lowered;
	[smem:$0x3FD2] =	sst s25  }
0xa6: {  	s4 =	sshll.u32 s26, $0x1;
	_ =	strace $0x80000046;
	[dreg:$0x1] =	wrdreg $0xFFFFFFFF  }
0xa7: {  	s28 =	simm.s32 $_size_execute0_lowered;
	s2 =	sadd.s32 s2, s4;
	[dreg:$0x0] =	wrdreg $0x0  }
0xa8: {  	s4 =	sshll.u32 s28, $0x1;
	[dreg:$0x2] =	wrdreg s2  }
0xa9: {  	[dreg:$0x3] =	wrdreg s4  }
0xaa: {  	[dreg:$0x4] =	wrdreg $0xC0  }
0xab: {  	_ =	task [dreg:s6], $0x5FFFF  }
0xac: {  	[dreg:$0x1] =	wrdreg $0xFFFFFFFF  }
0xad: {  	[dreg:$0x0] =	wrdreg $0x60  }
0xae: {  	[dreg:$0x2] =	wrdreg s24  }
0xaf: {  	[dreg:$0x3] =	wrdreg $0x68000  }
0xb0: {  	[dreg:$0x4] =	wrdreg $0x9  }
0xb1: {  	_ =	task.clear_ibuf [dreg:s6], $0x5FFFF;
	_ =	strace $0x90000046  }
0xb2: {  	s29 =	simm.s32 $0x9;
	_ =	strace $0x80000048  }
0xb3: {  	_ =	swait.ge [sflag:s29], $0x1  }
0xb4: {  	[sflag:s29] =	ssyncadd.s32 $0xFFFFFFFF  }
0xb5: {  	_ =	strace $0x90000048  }
0xb6: {  	_ =	sfence  }
0xb7: {  	s30 =	sld [smem:$0x0];
	_ =	sdelay $0x2  }
0xb8: {  	s31 =	sshll.u32 s1, $0xD;
	s1 =	sshrl.u32 s1, $0x2  }
0xb9: {  	s3 =	sand.u32 $0x4000, s31;
	s1 =	sadd.s32 s1, s30  }
0xba: {  	s0 =	sor.u32 s3, s0;
	s1 =	sshll.u32 s1, $0x11  }
0xbb: {  	s0 =	sor.u32 s1, s0  }
0xbc: {  	s0 =	sadd.s32 $0x8F2B, s0  }
0xbd: {  	[sflag:s0] =	ssyncadd.remote.s32 $0x1  }
0xbe: {  	_ =	sfence.sel $0xFFFF  }
0xbf: {  	[dreg:$0x0] =	wrdreg $0xFFFFFFFF;
	(pc) =	sbr.abs _section_cstart, $3  }
0xc0: {  	[dreg:$0x1] =	wrdreg $0xFFFFFFFF  }
0xc1: {  	_ =	task.clear_ibuf [dreg:s6], $0x2FFFF;
	_ =	strace $0x9FFFFFFF  }
0xc2: {  	(tm) =	ssettm $0x7FFFFFFF  }
0xc3: {  	_ =	shalt  }
tec
execute0_lowered:
.L_overlay_start_1:
0x0: {  	(tag) =	ssettag $0x1  }
0x1: {  	s4 =	rddreg [dreg:$0x0];
	s0 =	srdreg.scid  }
0x2: {  	s2 =	rddreg [dreg:$0x1];
	s1 =	stileid.u32  }
0x3: {  	s3 =	simm.s32 $0x0;
	s17 =	simm.s32 $0x1;
	s18 =	simm.s32 $0x4000  }
0x4: {  	s19 =	simm.s32 $0x50;
	s5 =	sand.u32 $0x1, s0;
	s0 =	rddreg [dreg:$0x2]  }
0x5: {  	s22 =	simm.s32 $0x0;
	s7 =	smul.u32 $0x13C00, s1;
	[smem:$0x7FF] =	sst s3  }
0x6: {  	s8 =	sshll.u32 s1, $0xB;
	s28 =	smul.u32 $0x4F000, s1;
	s20 =	sshll.u32 s1, $0x6  }
0x7: {  	s6 =	smul.u32 $0x13C000, s5;
	_ =	strace $0x80000047;
	s26 =	sadd.s32 s8, s4  }
0x8: {  	s29 =	ssub.s32 $0x2, s5;
	s5 =	sshll.u32 s5, $0xF;
	s20 =	sor.u32 $0x1C01, s20  }
0x9: {  	s30 =	sshrl.u32 s29, $0x1;
	s5 =	sadd.s32 s5, s26;
	s6 =	sadd.s32 s7, s6  }
0xa: {  	s31 =	sshrl.u32 s28, $0x2;
	s16 =	ssub.s32 s29, s30;
	s6 =	sshrl.u32 s6, $0x3  }
0xb: {  	s15 =	sadd.s32 s6, s4;
	s4 =	sadd.s32 $0x3A00, s5;
	s5 =	sadd.s32 s31, s2  }
0xc: {  	s16 =	smax.u32 s16, $0x1;
	s6 =	sadd.s32 $0x2000, s5;
	s7 =	sadd.s32 $0x4000, s5  }
0xd: {  	s8 =	sadd.s32 $0x6000, s5;
	s9 =	sadd.s32 $0x8000, s5;
	s10 =	sadd.s32 $0xA000, s5  }
0xe: {  	v0 =	vimm.f32 $0.0e+00;
	vm0 =	vcmask $0x300;
	s11 =	sadd.s32 $0xC000, s5;
	s12 =	sadd.s32 $0xE000, s5;
	s13 =	sadd.s32 $0x10000, s5  }
0xf: {  	v1 =	vsel vm0, $0x3F800000, v0;
	s14 =	sadd.s32 $0x12000, s5;
	s15 =	sadd.s32 $0x13A00, s15;
	s21 =	sshrl.u32 s5, $0x3  }
.LBB2_1:
0x10: {  	[tilespmem:s3], [sflag:$0x1] =	stream.linear.gather [hbm4b:s4+s3], $0x3E80, $0x38;
	[tilespmem:$0x8F80] =	vst v63  }
0x11: {  	_ =	swait.ge [sflag:s17], $0x3E80  }
0x12: {  	[sflag:s17] =	ssyncset.done $0x0  }
0x13: {  	s23 =	simm.s32 $0x200;
	s24 =	simm.s32 $0x0;
	[sflag:s17] =	ssyncadd.s32 $0xFFFFC180  }
.LBB2_2:
0x14: {  	p0 =	sne.s32 s23, $0x9E00;
	[tilespmem:s24+$0x4000] =	vst v0;
	s24 =	smov.u32 s23;
	s23 =	sadd.s32 $0x200, s23  }
.Ltmp0:
0x15: {  	(pc) =	sbr.rel @p0 .LBB2_2-.Ltmp0, $2  }
0x16: {  	_ =	sdelay $0x2  }
0x17: {  	s24 =	sshra.s32 s24, $0x2  }
0x18: {  	[tilespmem:s24+$0x4000] =	vst v0  }
0x19: {  	[spmem:s5] =	stream.linear.scatter [tilespmem:s18], [sflag:$0x1], $0x2000, $0x38;
	[tilespmem:$0x8F80] =	vst v63  }
0x1a: {  	_ =	swait.ge [sflag:s17], $0x2000  }
0x1b: {  	[sflag:s17] =	ssyncset.done $0x0  }
0x1c: {  	[sflag:s17] =	ssyncadd.s32 $0xFFFFE000  }
0x1d: {  	[spmem:s6] =	stream.linear.scatter [tilespmem:s18], [sflag:$0x1], $0x2000, $0x38;
	[tilespmem:$0x8F80] =	vst v63  }
0x1e: {  	_ =	swait.ge [sflag:s17], $0x2000  }
0x1f: {  	[sflag:s17] =	ssyncset.done $0x0  }
0x20: {  	[sflag:s17] =	ssyncadd.s32 $0xFFFFE000  }
0x21: {  	[spmem:s7] =	stream.linear.scatter [tilespmem:s18], [sflag:$0x1], $0x2000, $0x38;
	[tilespmem:$0x8F80] =	vst v63  }
0x22: {  	_ =	swait.ge [sflag:s17], $0x2000  }
0x23: {  	[sflag:s17] =	ssyncset.done $0x0  }
0x24: {  	[sflag:s17] =	ssyncadd.s32 $0xFFFFE000  }
0x25: {  	[spmem:s8] =	stream.linear.scatter [tilespmem:s18], [sflag:$0x1], $0x2000, $0x38;
	[tilespmem:$0x8F80] =	vst v63  }
0x26: {  	_ =	swait.ge [sflag:s17], $0x2000  }
0x27: {  	[sflag:s17] =	ssyncset.done $0x0  }
0x28: {  	[sflag:s17] =	ssyncadd.s32 $0xFFFFE000  }
0x29: {  	[spmem:s9] =	stream.linear.scatter [tilespmem:s18], [sflag:$0x1], $0x2000, $0x38;
	[tilespmem:$0x8F80] =	vst v63  }
0x2a: {  	_ =	swait.ge [sflag:s17], $0x2000  }
0x2b: {  	[sflag:s17] =	ssyncset.done $0x0  }
0x2c: {  	[sflag:s17] =	ssyncadd.s32 $0xFFFFE000  }
0x2d: {  	[spmem:s10] =	stream.linear.scatter [tilespmem:s18], [sflag:$0x1], $0x2000, $0x38;
	[tilespmem:$0x8F80] =	vst v63  }
0x2e: {  	_ =	swait.ge [sflag:s17], $0x2000  }
0x2f: {  	[sflag:s17] =	ssyncset.done $0x0  }
0x30: {  	[sflag:s17] =	ssyncadd.s32 $0xFFFFE000  }
0x31: {  	[spmem:s11] =	stream.linear.scatter [tilespmem:s18], [sflag:$0x1], $0x2000, $0x38;
	[tilespmem:$0x8F80] =	vst v63  }
0x32: {  	_ =	swait.ge [sflag:s17], $0x2000  }
0x33: {  	[sflag:s17] =	ssyncset.done $0x0  }
0x34: {  	[sflag:s17] =	ssyncadd.s32 $0xFFFFE000  }
0x35: {  	[spmem:s12] =	stream.linear.scatter [tilespmem:s18], [sflag:$0x1], $0x2000, $0x38;
	[tilespmem:$0x8F80] =	vst v63  }
0x36: {  	_ =	swait.ge [sflag:s17], $0x2000  }
0x37: {  	[sflag:s17] =	ssyncset.done $0x0  }
0x38: {  	[sflag:s17] =	ssyncadd.s32 $0xFFFFE000  }
0x39: {  	[spmem:s13] =	stream.linear.scatter [tilespmem:s18], [sflag:$0x1], $0x2000, $0x38;
	[tilespmem:$0x8F80] =	vst v63  }
0x3a: {  	_ =	swait.ge [sflag:s17], $0x2000  }
0x3b: {  	[sflag:s17] =	ssyncset.done $0x0  }
0x3c: {  	[sflag:s17] =	ssyncadd.s32 $0xFFFFE000  }
0x3d: {  	[spmem:s14] =	stream.linear.scatter [tilespmem:s18], [sflag:$0x1], $0x1C00, $0x38;
	[tilespmem:$0x8F80] =	vst v63  }
0x3e: {  	_ =	swait.ge [sflag:s17], $0x1C00  }
0x3f: {  	[sflag:s17] =	ssyncset.done $0x0  }
0x40: {  	s23 =	simm.s32 $0x200;
	s24 =	simm.s32 $0x0;
	[sflag:s17] =	ssyncadd.s32 $0xFFFFE400  }
.LBB2_4:
0x41: {  	p0 =	sne.s32 s23, $0x9E00;
	[tilespmem:s24+$0x4000] =	vst v1;
	s24 =	smov.u32 s23;
	s23 =	sadd.s32 $0x200, s23  }
.Ltmp1:
0x42: {  	(pc) =	sbr.rel @p0 .LBB2_4-.Ltmp1, $2  }
0x43: {  	_ =	sdelay $0x2  }
0x44: {  	s24 =	sshra.s32 s24, $0x2  }
0x45: {  	[tilespmem:s24+$0x4000] =	vst v1  }
0x46: {  	s23 =	simm.s32 $0x0;
	[bflag:$0x0] =	sbarrier.arrive $0xFFFF  }
0x47: {  	[spmem:s2] =	stream.indirect.scatter.add.f32 [tilespmem:s18], [sflag:$0x1], $0x10, s23, s19, $0xb8;
	[tilespmem:$0x8F80] =	vst v63  }
0x48: {  	_ =	swait.ge [sflag:s17], $0x500  }
0x49: {  	s23 =	simm.s32 $0x200;
	[sflag:s17] =	ssyncset.done $0x0  }
.LBB2_6:
0x4a: {  	s24 =	sshra.s32 s23, $0x2;
	[sflag:s17] =	ssyncadd.s32 $0xFFFFFB00;
	p0 =	sne.s32 s23, $0xF800  }
0x4b: {  	[spmem:s2] =	stream.indirect.scatter.add.f32 [tilespmem:s18], [sflag:$0x1], $0x10, s24, s19, $0xb8;
	[tilespmem:$0x8F80] =	vst v63  }
.Ltmp2:
0x4c: {  	_ = 	snop;
	(pc) =	sbr.rel @p0 .LBB2_6-.Ltmp2, $4  }
0x4d: {  	_ = 	snop  }
0x4e: {  	s23 =	sadd.s32 $0x200, s23  }
0x4f: {  	_ =	swait.ge [sflag:s17], $0x500  }
0x50: {  	[sflag:s17] =	ssyncset.done $0x0  }
0x51: {  	s22 =	sadd.s32 $0x1, s22  }
0x52: {  	[sflag:s17] =	ssyncadd.s32 $0xFFFFFB00;
	p0 =	sne.s32 s22, s16  }
.Ltmp3:
0x53: {  	[bflag:$0x0] =	sbarrier.arrive $0xFFFF;
	(pc) =	sbr.rel @p0 .LBB2_1-.Ltmp3, $4  }
0x54: {  	[hbm:s15], [sflag:s20] =	dma.local [spmem:s21], $0x2780  }
0x55: {  	_ =	swait.ge [sflag:s17], $0x2780  }
0x56: {  	[sflag:s17] =	ssyncset.done $0x0  }
0x57: {  	[sflag:s17] =	ssyncadd.s32 $0xFFFFD880  }
0x58: {  	_ =	sfence.sel $0x180000  }
0x59: {  	[bflag:$0x0] =	sbarrier.arrive $0xFFFF  }
0x5a: {  	p0 =	sne.s32 s1, $0x0;
	_ =	strace $0x90000047  }
0x5b: {  	s0 =	sadd.s32 @!p0 $0x100000, s0;
	[bflag:$0x2] =	sbarrier.arrive $0xFFFF  }
0x5c: {  	[sflag:s0] =	ssyncadd.tile.s32 @!p0 $0x1;
	_ =	shalt  }
.Lfunc_end2:
_tile_overlayer_lowered:
.L_overlay_start_2:
0x5d: {  	(tag) =	ssettag $0x2  }
0x5e: {  	s0 =	rddreg [dreg:$0x0];
	s2 =	stileid.u32  }
0x5f: {  	s1 =	rddreg [dreg:$0x1];
	p0 =	sne.s32 s2, $0x0  }
0x60: {  	s3 =	rddreg [dreg:$0x2];
	[bflag:$0x3] =	sbarrier.arrive $0xFFFF;
	s2 =	simm.s32 @!p0 $0x1C01  }
0x61: {  	[timem:s3], [sflag:s2] =	dma.local @!p0 [hbm:s0], s1  }
0x62: {  	s0 =	simm.s32 @!p0 $0x1  }
0x63: {  	_ =	swait.ge @!p0 [sflag:s0], s1  }
0x64: {  	s1 =	ssub.s32 @!p0 $0x0, s1;
	[sflag:s0] =	ssyncset.done @!p0 $0x0  }
0x65: {  	[sflag:s0] =	ssyncadd.s32 @!p0 s1  }
0x66: {  	[bflag:$0x3] =	sbarrier.arrive $0xFFFF  }
0x67: {  	_ =	shalt  }

// kernel: kernel.13.cloned.1.call-start
scs
__scs_entry_jumppad:
0x0: {  	(pc) =	sbr.rel $0x88, $3  }
0x1: {  	(tag) =	ssettag $0x0;
	lr =	simm.s32 $0x1  }
0x2: {  	[smem:$0x3F95] =	sst lr;
	_ =	strace $0xD0000000  }
0x3: {  	_ = 	snop  }
0x4: {  	_ = 	snop  }
0x5: {  	_ = 	snop  }
0x6: {  	_ = 	snop  }
0x7: {  	_ = 	snop  }
__scs_overlays_trampoline_lowered:
0x8: {  	[smem:$0x3FA4] =	sst s0  }
0x9: {  	[smem:$0x3FA5] =	sst s1  }
0xa: {  	[smem:$0x3FA6] =	sst s2  }
0xb: {  	[smem:$0x3FA7] =	sst s3  }
0xc: {  	[smem:$0x3FA8] =	sst s4  }
0xd: {  	[smem:$0x3FA9] =	sst s5  }
0xe: {  	[smem:$0x3FAA] =	sst s6  }
0xf: {  	[smem:$0x3FAB] =	sst s7  }
0x10: {  	[smem:$0x3FAC] =	sst s8  }
0x11: {  	[smem:$0x3FAD] =	sst s9;
	s0 =	simm.s32 @!p0 $0x0  }
0x12: {  	s1 =	sld [smem:$0x3F93];
	s0 =	simm.s32 @p0 $0x1  }
0x13: {  	[smem:$0x3FAE] =	sst s0;
	s0 =	simm.s32 @!p1 $0x0  }
0x14: {  	s2 =	sld [smem:$0x3F92];
	s0 =	simm.s32 @p1 $0x1  }
0x15: {  	[smem:$0x3FAF] =	sst s0;
	s0 =	simm.s32 @!p2 $0x0  }
0x16: {  	s3 =	sld [smem:$0x3FDB];
	s0 =	simm.s32 @p2 $0x1  }
0x17: {  	s4 =	simm.s32 $0x1BF5;
	[smem:$0x3FB1] =	sst s0  }
0x18: {  	s0 =	sld [smem:$0x3F94];
	_ =	swait.ge [sflag:s4], $0x0  }
0x19: {  	s7 =	sld [smem:$0x3F95]  }
0x1a: {  	s8 =	sadd.s32 $0xFFFFE003, lr  }
0x1b: {  	s9 =	sadd.s32 $0xFFFFFEF7, lr;
	s5 =	simm.s32 $0xFFFFFFFF;
	p2 =	slt.u32 s8, $0xFFFFF086  }
0x1c: {  	p1 =	slt.u32 s9, $0xF7A;
	s5 =	simm.s32 @!p2 $0x0  }
0x1d: {  	s5 =	simm.s32 @p1 $0x1;
	p0 =	seq.s32 s7, s2  }
0x1e: {  	s7 =	smul.u32 @!p0 $0xF7A, s2;
	p2 =	seq.s32 @!p0 s5, $0x0  }
0x1f: {  	s9 =	smul.u32 $0xF7A, s1;
	s8 =	simm.s32 @!p0 $0x1BF5;
	p2 =	por !p2, p0  }
0x20: {  	[sflag:s8] =	ssyncset.s32 @!p0 $0xFFFFF086;
	s6 =	sadd.s32 @!p0 s3, s7;
	s7 =	simm.s32 @!p0 $0x108  }
0x21: {  	s3 =	sadd.s32 s3, s9;
	s6 =	sadd.s32 @!p0 $0x88, s6;
	s7 =	simm.s32 @p2 $0x1082  }
0x22: {  	[simem:s7], [sflag:s8] =	dma.local @!p0 [hbm:s6], $0xF7A  }
0x23: {  	s9 =	sor.u32 $0xD0000000, s2;
	s6 =	simm.s32 $0x108;
	_ =	swait.ge @!p0 [sflag:s8], $0x0  }
0x24: {  	s3 =	sadd.s32 $0x88, s3;
	s6 =	simm.s32 @!p1 $0x1082;
	[sflag:s4] =	ssyncset.s32 $0xFFFFF086  }
0x25: {  	[simem:s6], [sflag:s4] =	dma.local [hbm:s3], $0xF7A  }
0x26: {  	[smem:$0x3F95] =	sst s1;
	(tag) =	ssettag s2;
	_ =	strace s9  }
0x27: {  	s1 =	sld [smem:$0x3FA5]  }
0x28: {  	s2 =	sld [smem:$0x3FA6]  }
0x29: {  	s4 =	sld [smem:$0x3FA8]  }
0x2a: {  	p0 =	seq.s32 s5, $0x0;
	s5 =	sld [smem:$0x3FA9]  }
0x2b: {  	s6 =	sld [smem:$0x3FAA]  }
0x2c: {  	s7 =	sld [smem:$0x3FAB]  }
0x2d: {  	s3 =	simm.s32 $0x108;
	s8 =	sld [smem:$0x3FAC]  }
0x2e: {  	s3 =	simm.s32 @!p0 $0x1082;
	s9 =	sld [smem:$0x3FAD]  }
0x2f: {  	lr =	sadd.s32 s0, s3;
	s0 =	sld [smem:$0x3FA4]  }
0x30: {  	s3 =	sld [smem:$0x3FA7]  }
0x31: {  	[smem:$0x3FB0] =	sst s10  }
0x32: {  	s10 =	sld [smem:$0x3FAE];
	_ =	sdelay $0x3  }
0x33: {  	p0 =	seq.s32 s10, $0x1;
	s10 =	sld [smem:$0x3FB0];
	_ =	sdelay $0x3  }
0x34: {  	[smem:$0x3FB0] =	sst s10  }
0x35: {  	s10 =	sld [smem:$0x3FAF];
	_ =	sdelay $0x3  }
0x36: {  	p1 =	seq.s32 s10, $0x1;
	s10 =	sld [smem:$0x3FB0];
	_ =	sdelay $0x3  }
0x37: {  	[smem:$0x3FB0] =	sst s10  }
0x38: {  	s10 =	sld [smem:$0x3FB1]  }
0x39: {  	_ = 	snop;
	(pc) =	sbr.ind lr, $3  }
0x3a: {  	_ = 	snop  }
0x3b: {  	_ = 	snop  }
0x3c: {  	p2 =	seq.s32 s10, $0x1;
	s10 =	sld [smem:$0x3FB0]  }
0x3d: {  	_ =	shalt  }
0x3e: {  	_ =	shalt  }
0x3f: {  	_ =	shalt  }
0x40: {  	_ =	shalt  }
0x41: {  	_ =	shalt  }
0x42: {  	_ =	shalt  }
0x43: {  	_ =	shalt  }
0x44: {  	_ =	shalt  }
0x45: {  	_ =	shalt  }
0x46: {  	_ =	shalt  }
0x47: {  	_ =	shalt  }
0x48: {  	_ =	shalt  }
0x49: {  	_ =	shalt  }
0x4a: {  	_ =	shalt  }
0x4b: {  	_ =	shalt  }
0x4c: {  	_ =	shalt  }
0x4d: {  	_ =	shalt  }
0x4e: {  	_ =	shalt  }
0x4f: {  	_ =	shalt  }
0x50: {  	_ =	shalt  }
0x51: {  	_ =	shalt  }
0x52: {  	_ =	shalt  }
0x53: {  	_ =	shalt  }
0x54: {  	_ =	shalt  }
0x55: {  	_ =	shalt  }
0x56: {  	_ =	shalt  }
0x57: {  	_ =	shalt  }
0x58: {  	_ =	shalt  }
0x59: {  	_ =	shalt  }
0x5a: {  	_ =	shalt  }
0x5b: {  	_ =	shalt  }
0x5c: {  	_ =	shalt  }
0x5d: {  	_ =	shalt  }
0x5e: {  	_ =	shalt  }
0x5f: {  	_ =	shalt  }
0x60: {  	_ =	shalt  }
0x61: {  	_ =	shalt  }
0x62: {  	_ =	shalt  }
0x63: {  	_ =	shalt  }
0x64: {  	_ =	shalt  }
0x65: {  	_ =	shalt  }
0x66: {  	_ =	shalt  }
0x67: {  	_ =	shalt  }
0x68: {  	_ =	shalt  }
0x69: {  	_ =	shalt  }
0x6a: {  	_ =	shalt  }
0x6b: {  	_ =	shalt  }
0x6c: {  	_ =	shalt  }
0x6d: {  	_ =	shalt  }
0x6e: {  	_ =	shalt  }
0x6f: {  	_ =	shalt  }
0x70: {  	_ =	shalt  }
0x71: {  	_ =	shalt  }
0x72: {  	_ =	shalt  }
0x73: {  	_ =	shalt  }
0x74: {  	_ =	shalt  }
0x75: {  	_ =	shalt  }
0x76: {  	_ =	shalt  }
0x77: {  	_ =	shalt  }
0x78: {  	_ =	shalt  }
0x79: {  	_ =	shalt  }
0x7a: {  	_ =	shalt  }
0x7b: {  	_ =	shalt  }
0x7c: {  	_ =	shalt  }
0x7d: {  	_ =	shalt  }
0x7e: {  	_ =	shalt  }
0x7f: {  	_ =	shalt  }
0x80: {  	_ =	shalt  }
0x81: {  	_ =	shalt  }
0x82: {  	_ =	shalt  }
0x83: {  	_ =	shalt  }
0x84: {  	_ =	shalt  }
0x85: {  	_ =	shalt  }
0x86: {  	_ =	shalt  }
0x87: {  	_ =	shalt  }
.Lfunc_end0:
.L_simem_size_0:
called_computation.1_lowered:
.L_overlay_start_0:
0x88: {  	s2 =	sld [smem:$0x3FD9]  }
0x89: {  	s3 =	sld [smem:$0x3FFE];
	_ =	sdelay $0x1  }
0x8a: {  	s1 =	srdreg.scid  }
0x8b: {  	s0 =	sand.u32 $0x1, s1  }
0x8c: {  	s16 =	sshll.u32 s0, $0xA;
	s2 =	sadd.s32 s3, s2  }
0x8d: {  	s2 =	sadd.s32 s2, s16  }
0x8e: {  	[smem:$0x3FBC] =	sst s2  }
0x8f: {  	_ = 	snop  }
0x90: {  	(tm) =	ssettm $0x1  }
0x91: {  	s17 =	sld [smem:$0x3FFB];
	_ =	sdelay $0x3  }
0x92: {  	_ =	strace s17  }
0x93: {  	s2 =	sld [smem:$0x3FFC];
	_ =	sdelay $0x3  }
0x94: {  	_ =	strace s2  }
0x95: {  	s2 =	sld [smem:$0x3FFD];
	_ =	sdelay $0x3  }
0x96: {  	_ =	strace s2  }
0x97: {  	_ =	strace $0x8FFFFFFF  }
0x98: {  	s18 =	sld [smem:$0x3FDB];
	_ =	sdelay $0x1  }
0x99: {  	s19 =	simm.s32 $_scs_section_size  }
0x9a: {  	s4 =	simm.s32 $_size__tile_overlayer_lowered;
	s5 =	simm.s32 $_tile_overlayer_lowered  }
0x9b: {  	s22 =	simm.s32 $0x1BFF;
	s21 =	sshll.u32 s5, $0x1;
	s2 =	sadd.s32 s19, s18  }
0x9c: {  	s6 =	simm.s32 $0x0;
	s20 =	sshll.u32 s4, $0x1;
	s4 =	sadd.s32 s21, s2  }
0x9d: {  	[timem:s6], [sflag:s22] =	dma.local [hbm:s4], s20  }
0x9e: {  	_ =	swait.ge [sflag:s22], s20  }
0x9f: {  	s3 =	ssub.s32 $0x0, s20;
	[sflag:s22] =	ssyncset.done $0x0  }
0xa0: {  	[sflag:s22] =	ssyncadd.s32 s3;
	_ =	sdelay $0x1  }
0xa1: {  	s23 =	simm.s32 $0x1B8B  }
0xa2: {  	_ =	swait.ge [sflag:s23], $0x1  }
0xa3: {  	[sflag:s23] =	ssyncset.done $0x0  }
0xa4: {  	s25 =	simm.s32 $0x1B8E;
	s24 =	sld [smem:$0x3FFE];
	[sflag:s23] =	ssyncadd.s32 $0xFFFFFFFF  }
0xa5: {  	s26 =	simm.s32 $execute0_lowered;
	[smem:$0x3FD2] =	sst s25  }
0xa6: {  	s4 =	sshll.u32 s26, $0x1;
	_ =	strace $0x80000049;
	[dreg:$0x1] =	wrdreg $0xFFFFFFFF  }
0xa7: {  	s28 =	simm.s32 $_size_execute0_lowered;
	s2 =	sadd.s32 s2, s4;
	[dreg:$0x0] =	wrdreg $0x0  }
0xa8: {  	s4 =	sshll.u32 s28, $0x1;
	[dreg:$0x2] =	wrdreg s2  }
0xa9: {  	[dreg:$0x3] =	wrdreg s4  }
0xaa: {  	[dreg:$0x4] =	wrdreg $0xC0  }
0xab: {  	_ =	task [dreg:s6], $0x5FFFF  }
0xac: {  	[dreg:$0x1] =	wrdreg $0xFFFFFFFF  }
0xad: {  	[dreg:$0x0] =	wrdreg $0x60  }
0xae: {  	[dreg:$0x2] =	wrdreg s24  }
0xaf: {  	[dreg:$0x3] =	wrdreg $0xB7800  }
0xb0: {  	[dreg:$0x4] =	wrdreg $0x9  }
0xb1: {  	_ =	task.clear_ibuf [dreg:s6], $0x5FFFF;
	_ =	strace $0x90000049  }
0xb2: {  	s29 =	simm.s32 $0x9;
	_ =	strace $0x8000004B  }
0xb3: {  	_ =	swait.ge [sflag:s29], $0x1  }
0xb4: {  	[sflag:s29] =	ssyncadd.s32 $0xFFFFFFFF  }
0xb5: {  	_ =	strace $0x9000004B  }
0xb6: {  	_ =	sfence  }
0xb7: {  	s30 =	sld [smem:$0x0];
	_ =	sdelay $0x2  }
0xb8: {  	s31 =	sshll.u32 s1, $0xD;
	s1 =	sshrl.u32 s1, $0x2  }
0xb9: {  	s3 =	sand.u32 $0x4000, s31;
	s1 =	sadd.s32 s1, s30  }
0xba: {  	s0 =	sor.u32 s3, s0;
	s1 =	sshll.u32 s1, $0x11  }
0xbb: {  	s0 =	sor.u32 s1, s0  }
0xbc: {  	s0 =	sadd.s32 $0x8F2B, s0  }
0xbd: {  	[sflag:s0] =	ssyncadd.remote.s32 $0x1  }
0xbe: {  	_ =	sfence.sel $0xFFFF  }
0xbf: {  	[dreg:$0x0] =	wrdreg $0xFFFFFFFF;
	(pc) =	sbr.abs _section_cstart, $3  }
0xc0: {  	[dreg:$0x1] =	wrdreg $0xFFFFFFFF  }
0xc1: {  	_ =	task.clear_ibuf [dreg:s6], $0x2FFFF;
	_ =	strace $0x9FFFFFFF  }
0xc2: {  	(tm) =	ssettm $0x7FFFFFFF  }
0xc3: {  	_ =	shalt  }
tec
execute0_lowered:
.L_overlay_start_1:
0x0: {  	(tag) =	ssettag $0x1  }
0x1: {  	s0 =	srdreg.scid  }
0x2: {  	s5 =	rddreg [dreg:$0x0];
	s24 =	stileid.u32  }
0x3: {  	s2 =	rddreg [dreg:$0x1];
	s20 =	simm.s32 $0x400;
	s21 =	simm.s32 $0x3  }
0x4: {  	s22 =	simm.s32 $0x2780;
	s23 =	simm.s32 $0x6780;
	s28 =	simm.s32 $0x2  }
0x5: {  	s29 =	simm.s32 $0x6580;
	s30 =	simm.s32 $0x0;
	s9 =	smul.u32 $0x13C00, s24  }
0x6: {  	s1 =	sand.u32 $0x1, s0;
	s7 =	sshll.u32 s24, $0x7;
	s10 =	smul.u32 $0x4F000, s24  }
0x7: {  	s3 =	sshll.u32 s1, $0x4;
	s7 =	sand.u32 $0x380, s7;
	s8 =	smul.u32 $0x13C000, s1  }
0x8: {  	s1 =	ssub.s32 $0x2, s1;
	s6 =	sor.u32 s24, s3;
	s3 =	simm.s32 $0x0  }
0x9: {  	s26 =	sshrl.u32 s1, $0x1;
	s31 =	sshrl.u32 s10, $0x2;
	s24 =	simm.s32 $0x50  }
0xa: {  	s4 =	sshrl.u32 s6, $0x3;
	[smem:$0x7FF] =	sst s3;
	s6 =	sshll.u32 s6, $0xB  }
0xb: {  	s25 =	sadd.s32 s9, s8;
	s1 =	ssub.s32 s1, s26;
	s4 =	smul.u32 $0x13C00, s4  }
0xc: {  	s26 =	simm.s32 $0x8F80;
	_ =	strace $0x8000004A;
	s11 =	sadd.s32 s6, s5  }
0xd: {  	s6 =	sshrl.u32 s25, $0x3;
	s18 =	smax.u32 s1, $0x1;
	s7 =	sor.u32 s7, s4  }
0xe: {  	s25 =	simm.s32 $0x1;
	s17 =	sadd.s32 s6, s5;
	s7 =	sshrl.u32 s7, $0x3  }
0xf: {  	s4 =	sadd.s32 $0x13A00, s5;
	s17 =	sadd.s32 $0x6C800, s17;
	s7 =	sadd.s32 s7, s5  }
0x10: {  	s5 =	sadd.s32 s31, s2;
	s6 =	sadd.s32 $0x62A00, s7;
	s7 =	sadd.s32 $0x3A00, s11  }
0x11: {  	s8 =	sadd.s32 $0x2000, s5;
	s9 =	sadd.s32 $0x4000, s5;
	s10 =	sadd.s32 $0x6000, s5  }
0x12: {  	s11 =	sadd.s32 $0x8000, s5;
	s12 =	sadd.s32 $0xA000, s5;
	s13 =	sadd.s32 $0xC000, s5  }
0x13: {  	v0 =	vimm.f32 $0.0e+00;
	s14 =	sadd.s32 $0xE000, s5;
	s15 =	sadd.s32 $0x10000, s5;
	s16 =	sadd.s32 $0x12000, s5  }
.LBB2_1:
0x14: {  	s0 =	simm.s32 $0x80  }
0x15: {  	[tilespmem:s3], [sflag:$0x3] =	stream.strided.gather [hbm4b:s6+s0], $0x2780, s20, s0, $0x38;
	[tilespmem:$0x1F380] =	vst v63  }
0x16: {  	_ =	swait.ge [sflag:s21], $0x2780  }
0x17: {  	[sflag:s21] =	ssyncset.done $0x0  }
0x18: {  	[sflag:s21] =	ssyncadd.s32 $0xFFFFD880  }
0x19: {  	[tilespmem:s22], [sflag:$0x3] =	stream.linear.gather [hbm4b:s7+s3], $0x3E80, $0x38;
	[tilespmem:$0x1F380] =	vst v63  }
0x1a: {  	_ =	swait.ge [sflag:s21], $0x3E80  }
0x1b: {  	[sflag:s21] =	ssyncset.done $0x0  }
0x1c: {  	s1 =	simm.s32 $0x0;
	s31 =	simm.s32 $0x200;
	[sflag:s21] =	ssyncadd.s32 $0xFFFFC180  }
.LBB2_2:
0x1d: {  	p0 =	sne.s32 s31, $0x9E00;
	[tilespmem:s1+$0x67F0] =	vst v0  }
0x1e: {  	[tilespmem:s1+$0x6780] =	vst v0  }
0x1f: {  	[tilespmem:s1+$0x6790] =	vst v0  }
.Ltmp0:
0x20: {  	[tilespmem:s1+$0x67A0] =	vst v0;
	(pc) =	sbr.rel @p0 .LBB2_2-.Ltmp0, $4  }
0x21: {  	[tilespmem:s1+$0x67B0] =	vst v0  }
0x22: {  	[tilespmem:s1+$0x67C0] =	vst v0  }
0x23: {  	[tilespmem:s1+$0x67D0] =	vst v0  }
0x24: {  	[tilespmem:s1+$0x67E0] =	vst v0;
	s1 =	sshra.s32 s31, $0x2;
	s31 =	sadd.s32 $0x200, s31  }
0x25: {  	[tilespmem:s1+$0x67F0] =	vst v0  }
0x26: {  	[tilespmem:s1+$0x6780] =	vst v0  }
0x27: {  	[tilespmem:s1+$0x6790] =	vst v0  }
0x28: {  	[tilespmem:s1+$0x67A0] =	vst v0  }
0x29: {  	[tilespmem:s1+$0x67B0] =	vst v0  }
0x2a: {  	[tilespmem:s1+$0x67C0] =	vst v0  }
0x2b: {  	[tilespmem:s1+$0x67D0] =	vst v0  }
0x2c: {  	[tilespmem:s1+$0x67E0] =	vst v0  }
0x2d: {  	[spmem:s5] =	stream.linear.scatter [tilespmem:s23], [sflag:$0x3], $0x2000, $0x38;
	[tilespmem:$0x1F380] =	vst v63  }
0x2e: {  	_ =	swait.ge [sflag:s21], $0x2000  }
0x2f: {  	[sflag:s21] =	ssyncset.done $0x0  }
0x30: {  	[sflag:s21] =	ssyncadd.s32 $0xFFFFE000  }
0x31: {  	[spmem:s8] =	stream.linear.scatter [tilespmem:s23], [sflag:$0x3], $0x2000, $0x38;
	[tilespmem:$0x1F380] =	vst v63  }
0x32: {  	_ =	swait.ge [sflag:s21], $0x2000  }
0x33: {  	[sflag:s21] =	ssyncset.done $0x0  }
0x34: {  	[sflag:s21] =	ssyncadd.s32 $0xFFFFE000  }
0x35: {  	[spmem:s9] =	stream.linear.scatter [tilespmem:s23], [sflag:$0x3], $0x2000, $0x38;
	[tilespmem:$0x1F380] =	vst v63  }
0x36: {  	_ =	swait.ge [sflag:s21], $0x2000  }
0x37: {  	[sflag:s21] =	ssyncset.done $0x0  }
0x38: {  	[sflag:s21] =	ssyncadd.s32 $0xFFFFE000  }
0x39: {  	[spmem:s10] =	stream.linear.scatter [tilespmem:s23], [sflag:$0x3], $0x2000, $0x38;
	[tilespmem:$0x1F380] =	vst v63  }
0x3a: {  	_ =	swait.ge [sflag:s21], $0x2000  }
0x3b: {  	[sflag:s21] =	ssyncset.done $0x0  }
0x3c: {  	[sflag:s21] =	ssyncadd.s32 $0xFFFFE000  }
0x3d: {  	[spmem:s11] =	stream.linear.scatter [tilespmem:s23], [sflag:$0x3], $0x2000, $0x38;
	[tilespmem:$0x1F380] =	vst v63  }
0x3e: {  	_ =	swait.ge [sflag:s21], $0x2000  }
0x3f: {  	[sflag:s21] =	ssyncset.done $0x0  }
0x40: {  	[sflag:s21] =	ssyncadd.s32 $0xFFFFE000  }
0x41: {  	[spmem:s12] =	stream.linear.scatter [tilespmem:s23], [sflag:$0x3], $0x2000, $0x38;
	[tilespmem:$0x1F380] =	vst v63  }
0x42: {  	_ =	swait.ge [sflag:s21], $0x2000  }
0x43: {  	[sflag:s21] =	ssyncset.done $0x0  }
0x44: {  	[sflag:s21] =	ssyncadd.s32 $0xFFFFE000  }
0x45: {  	[spmem:s13] =	stream.linear.scatter [tilespmem:s23], [sflag:$0x3], $0x2000, $0x38;
	[tilespmem:$0x1F380] =	vst v63  }
0x46: {  	_ =	swait.ge [sflag:s21], $0x2000  }
0x47: {  	[sflag:s21] =	ssyncset.done $0x0  }
0x48: {  	[sflag:s21] =	ssyncadd.s32 $0xFFFFE000  }
0x49: {  	[spmem:s14] =	stream.linear.scatter [tilespmem:s23], [sflag:$0x3], $0x2000, $0x38;
	[tilespmem:$0x1F380] =	vst v63  }
0x4a: {  	_ =	swait.ge [sflag:s21], $0x2000  }
0x4b: {  	[sflag:s21] =	ssyncset.done $0x0  }
0x4c: {  	[sflag:s21] =	ssyncadd.s32 $0xFFFFE000  }
0x4d: {  	[spmem:s15] =	stream.linear.scatter [tilespmem:s23], [sflag:$0x3], $0x2000, $0x38;
	[tilespmem:$0x1F380] =	vst v63  }
0x4e: {  	_ =	swait.ge [sflag:s21], $0x2000  }
0x4f: {  	[sflag:s21] =	ssyncset.done $0x0  }
0x50: {  	[sflag:s21] =	ssyncadd.s32 $0xFFFFE000  }
0x51: {  	[spmem:s16] =	stream.linear.scatter [tilespmem:s23], [sflag:$0x3], $0x1C00, $0x38;
	[tilespmem:$0x1F380] =	vst v63  }
0x52: {  	_ =	swait.ge [sflag:s21], $0x1C00  }
0x53: {  	[sflag:s21] =	ssyncset.done $0x0  }
0x54: {  	[sflag:s21] =	ssyncadd.s32 $0xFFFFE400  }
0x55: {  	s0 =	simm.s32 $0x0;
	[bflag:$0x0] =	sbarrier.arrive $0xFFFF  }
0x56: {  	[tilespmem:s23], [sflag:$0x1] =	stream.indirect.gather [hbm4b:s4+s24], $0x80, s0, s24, $0xb8;
	[tilespmem:$0x1F380] =	vst v63  }
0x57: {  	_ =	swait.ge [sflag:s25], $0x2800  }
0x58: {  	[sflag:s25] =	ssyncset.done $0x0  }
0x59: {  	s19 =	simm.s32 $0x50;
	[sflag:s25] =	ssyncadd.s32 $0xFFFFD800  }
0x5a: {  	[tilespmem:s26], [sflag:$0x2] =	stream.indirect.gather [hbm4b:s4+s24], $0x80, s19, s24, $0xb8;
	[tilespmem:$0x1F380] =	vst v63  }
0x5b: {  	s0 =	simm.s32 $0x2780  }
0x5c: {  	[spmem:s2] =	stream.indirect.scatter.add.f32 [tilespmem:s23], [sflag:$0x3], $0x80, s0, s24, $0xb8;
	[tilespmem:$0x1F380] =	vst v63  }
0x5d: {  	_ =	swait.ge [sflag:s21], $0x2800  }
0x5e: {  	[sflag:s21] =	ssyncset.done $0x0  }
0x5f: {  	[sflag:s21] =	ssyncadd.s32 $0xFFFFD800  }
0x60: {  	_ =	swait.ge [sflag:s28], $0x2800  }
0x61: {  	[sflag:s28] =	ssyncset.done $0x0  }
0x62: {  	s31 =	simm.s32 $0xA0;
	[sflag:s28] =	ssyncadd.s32 $0xFFFFD800  }
0x63: {  	[tilespmem:s23], [sflag:$0x1] =	stream.indirect.gather [hbm4b:s4+s24], $0x80, s31, s24, $0xb8;
	[tilespmem:$0x1F380] =	vst v63  }
0x64: {  	s19 =	simm.s32 $0x2800  }
0x65: {  	[spmem:s2] =	stream.indirect.scatter.add.f32 [tilespmem:s26], [sflag:$0x3], $0x80, s19, s24, $0xb8;
	[tilespmem:$0x1F380] =	vst v63  }
0x66: {  	_ =	swait.ge [sflag:s21], $0x2800  }
0x67: {  	s1 =	simm.s32 $0x400;
	[sflag:s21] =	ssyncset.done $0x0  }
.LBB2_4:
0x68: {  	p0 =	sne.s32 s1, $0xF400;
	[sflag:s21] =	ssyncadd.s32 $0xFFFFD800;
	s31 =	sadd.s32 $0xA0, s31  }
0x69: {  	s0 =	smov.u32 s1;
	s1 =	sadd.s32 $0x400, s1  }
0x6a: {  	_ =	swait.ge [sflag:s25], $0x2800  }
0x6b: {  	[sflag:s25] =	ssyncset.done $0x0  }
0x6c: {  	s19 =	sadd.s32 $0xFFFFFFB0, s31;
	s0 =	sshra.s32 s0, $0x2;
	[sflag:s25] =	ssyncadd.s32 $0xFFFFD800  }
0x6d: {  	[tilespmem:s26], [sflag:$0x2] =	stream.indirect.gather [hbm4b:s4+s24], $0x80, s19, s24, $0xb8;
	[tilespmem:$0x1F380] =	vst v63  }
0x6e: {  	s19 =	sadd.s32 $0x2780, s0  }
0x6f: {  	[spmem:s2] =	stream.indirect.scatter.add.f32 [tilespmem:s23], [sflag:$0x3], $0x80, s19, s24, $0xb8;
	[tilespmem:$0x1F380] =	vst v63  }
0x70: {  	_ =	swait.ge [sflag:s21], $0x2800  }
0x71: {  	[sflag:s21] =	ssyncset.done $0x0  }
0x72: {  	[sflag:s21] =	ssyncadd.s32 $0xFFFFD800  }
0x73: {  	_ =	swait.ge [sflag:s28], $0x2800  }
0x74: {  	[sflag:s28] =	ssyncset.done $0x0  }
0x75: {  	[sflag:s28] =	ssyncadd.s32 $0xFFFFD800  }
0x76: {  	[tilespmem:s23], [sflag:$0x1] =	stream.indirect.gather [hbm4b:s4+s24], $0x80, s31, s24, $0xb8;
	[tilespmem:$0x1F380] =	vst v63  }
.Ltmp1:
0x77: {  	_ = 	snop;
	(pc) =	sbr.rel @p0 .LBB2_4-.Ltmp1, $4  }
0x78: {  	s0 =	sadd.s32 $0x2800, s0  }
0x79: {  	[spmem:s2] =	stream.indirect.scatter.add.f32 [tilespmem:s26], [sflag:$0x3], $0x80, s0, s24, $0xb8;
	[tilespmem:$0x1F380] =	vst v63  }
0x7a: {  	_ =	swait.ge [sflag:s21], $0x2800  }
0x7b: {  	[sflag:s21] =	ssyncset.done $0x0  }
0x7c: {  	[sflag:s21] =	ssyncadd.s32 $0xFFFFD800  }
0x7d: {  	_ =	swait.ge [sflag:s25], $0x2800  }
0x7e: {  	[sflag:s25] =	ssyncset.done $0x0  }
0x7f: {  	[sflag:s25] =	ssyncadd.s32 $0xFFFFD800  }
0x80: {  	[spmem:s2] =	stream.indirect.scatter.add.f32 [tilespmem:s23], [sflag:$0x3], $0x80, s29, s24, $0xb8;
	[tilespmem:$0x1F380] =	vst v63  }
0x81: {  	s0 =	stileid.u32;
	_ =	swait.ge [sflag:s21], $0x2800  }
0x82: {  	s1 =	sshrl.u32 s5, $0x3;
	s30 =	sadd.s32 $0x1, s30;
	[sflag:s21] =	ssyncset.done $0x0  }
0x83: {  	s0 =	sshll.u32 s0, $0x6;
	p0 =	sne.s32 s30, s18;
	[sflag:s21] =	ssyncadd.s32 $0xFFFFD800  }
.Ltmp2:
0x84: {  	s0 =	sor.u32 $0x1C03, s0;
	[bflag:$0x0] =	sbarrier.arrive $0xFFFF;
	(pc) =	sbr.rel @p0 .LBB2_1-.Ltmp2, $4  }
0x85: {  	[hbm:s17], [sflag:s0] =	dma.local [spmem:s1], $0x2780  }
0x86: {  	_ =	swait.ge [sflag:s21], $0x2780  }
0x87: {  	[sflag:s21] =	ssyncset.done $0x0  }
0x88: {  	[sflag:s21] =	ssyncadd.s32 $0xFFFFD880  }
0x89: {  	_ =	sfence.sel $0x180000  }
0x8a: {  	[bflag:$0x0] =	sbarrier.arrive $0xFFFF  }
0x8b: {  	_ =	strace $0x9000004A  }
0x8c: {  	s0 =	stileid.u32;
	[bflag:$0x2] =	sbarrier.arrive $0xFFFF  }
0x8d: {  	p0 =	sne.s32 s0, $0x0;
	s0 =	rddreg [dreg:$0x2]  }
0x8e: {  	s0 =	sadd.s32 @!p0 $0x100000, s0  }
0x8f: {  	[sflag:s0] =	ssyncadd.tile.s32 @!p0 $0x1;
	_ =	shalt  }
.Lfunc_end2:
_tile_overlayer_lowered:
.L_overlay_start_2:
0x90: {  	(tag) =	ssettag $0x2  }
0x91: {  	s0 =	rddreg [dreg:$0x0];
	s2 =	stileid.u32  }
0x92: {  	s1 =	rddreg [dreg:$0x1];
	p0 =	sne.s32 s2, $0x0  }
0x93: {  	s3 =	rddreg [dreg:$0x2];
	[bflag:$0x3] =	sbarrier.arrive $0xFFFF;
	s2 =	simm.s32 @!p0 $0x1C03  }
0x94: {  	[timem:s3], [sflag:s2] =	dma.local @!p0 [hbm:s0], s1  }
0x95: {  	s0 =	simm.s32 @!p0 $0x3  }
0x96: {  	_ =	swait.ge @!p0 [sflag:s0], s1  }
0x97: {  	s1 =	ssub.s32 @!p0 $0x0, s1;
	[sflag:s0] =	ssyncset.done @!p0 $0x0  }
0x98: {  	[sflag:s0] =	ssyncadd.s32 @!p0 s1  }
0x99: {  	[bflag:$0x3] =	sbarrier.arrive $0xFFFF  }
0x9a: {  	_ =	shalt  }

// kernel: kernel.16.cloned.1.call-start
scs
__scs_entry_jumppad:
0x0: {  	(pc) =	sbr.rel $0x88, $3  }
0x1: {  	(tag) =	ssettag $0x0;
	lr =	simm.s32 $0x1  }
0x2: {  	[smem:$0x3F95] =	sst lr;
	_ =	strace $0xD0000000  }
0x3: {  	_ = 	snop  }
0x4: {  	_ = 	snop  }
0x5: {  	_ = 	snop  }
0x6: {  	_ = 	snop  }
0x7: {  	_ = 	snop  }
__scs_overlays_trampoline_lowered:
0x8: {  	[smem:$0x3FA4] =	sst s0  }
0x9: {  	[smem:$0x3FA5] =	sst s1  }
0xa: {  	[smem:$0x3FA6] =	sst s2  }
0xb: {  	[smem:$0x3FA7] =	sst s3  }
0xc: {  	[smem:$0x3FA8] =	sst s4  }
0xd: {  	[smem:$0x3FA9] =	sst s5  }
0xe: {  	[smem:$0x3FAA] =	sst s6  }
0xf: {  	[smem:$0x3FAB] =	sst s7  }
0x10: {  	[smem:$0x3FAC] =	sst s8  }
0x11: {  	[smem:$0x3FAD] =	sst s9;
	s0 =	simm.s32 @!p0 $0x0  }
0x12: {  	s1 =	sld [smem:$0x3F93];
	s0 =	simm.s32 @p0 $0x1  }
0x13: {  	[smem:$0x3FAE] =	sst s0;
	s0 =	simm.s32 @!p1 $0x0  }
0x14: {  	s2 =	sld [smem:$0x3F92];
	s0 =	simm.s32 @p1 $0x1  }
0x15: {  	[smem:$0x3FAF] =	sst s0;
	s0 =	simm.s32 @!p2 $0x0  }
0x16: {  	s3 =	sld [smem:$0x3FDB];
	s0 =	simm.s32 @p2 $0x1  }
0x17: {  	s4 =	simm.s32 $0x1BF5;
	[smem:$0x3FB1] =	sst s0  }
0x18: {  	s0 =	sld [smem:$0x3F94];
	_ =	swait.ge [sflag:s4], $0x0  }
0x19: {  	s7 =	sld [smem:$0x3F95]  }
0x1a: {  	s8 =	sadd.s32 $0xFFFFE003, lr  }
0x1b: {  	s9 =	sadd.s32 $0xFFFFFEF7, lr;
	s5 =	simm.s32 $0xFFFFFFFF;
	p2 =	slt.u32 s8, $0xFFFFF086  }
0x1c: {  	p1 =	slt.u32 s9, $0xF7A;
	s5 =	simm.s32 @!p2 $0x0  }
0x1d: {  	s5 =	simm.s32 @p1 $0x1;
	p0 =	seq.s32 s7, s2  }
0x1e: {  	s7 =	smul.u32 @!p0 $0xF7A, s2;
	p2 =	seq.s32 @!p0 s5, $0x0  }
0x1f: {  	s9 =	smul.u32 $0xF7A, s1;
	s8 =	simm.s32 @!p0 $0x1BF5;
	p2 =	por !p2, p0  }
0x20: {  	[sflag:s8] =	ssyncset.s32 @!p0 $0xFFFFF086;
	s6 =	sadd.s32 @!p0 s3, s7;
	s7 =	simm.s32 @!p0 $0x108  }
0x21: {  	s3 =	sadd.s32 s3, s9;
	s6 =	sadd.s32 @!p0 $0x88, s6;
	s7 =	simm.s32 @p2 $0x1082  }
0x22: {  	[simem:s7], [sflag:s8] =	dma.local @!p0 [hbm:s6], $0xF7A  }
0x23: {  	s9 =	sor.u32 $0xD0000000, s2;
	s6 =	simm.s32 $0x108;
	_ =	swait.ge @!p0 [sflag:s8], $0x0  }
0x24: {  	s3 =	sadd.s32 $0x88, s3;
	s6 =	simm.s32 @!p1 $0x1082;
	[sflag:s4] =	ssyncset.s32 $0xFFFFF086  }
0x25: {  	[simem:s6], [sflag:s4] =	dma.local [hbm:s3], $0xF7A  }
0x26: {  	[smem:$0x3F95] =	sst s1;
	(tag) =	ssettag s2;
	_ =	strace s9  }
0x27: {  	s1 =	sld [smem:$0x3FA5]  }
0x28: {  	s2 =	sld [smem:$0x3FA6]  }
0x29: {  	s4 =	sld [smem:$0x3FA8]  }
0x2a: {  	p0 =	seq.s32 s5, $0x0;
	s5 =	sld [smem:$0x3FA9]  }
0x2b: {  	s6 =	sld [smem:$0x3FAA]  }
0x2c: {  	s7 =	sld [smem:$0x3FAB]  }
0x2d: {  	s3 =	simm.s32 $0x108;
	s8 =	sld [smem:$0x3FAC]  }
0x2e: {  	s3 =	simm.s32 @!p0 $0x1082;
	s9 =	sld [smem:$0x3FAD]  }
0x2f: {  	lr =	sadd.s32 s0, s3;
	s0 =	sld [smem:$0x3FA4]  }
0x30: {  	s3 =	sld [smem:$0x3FA7]  }
0x31: {  	[smem:$0x3FB0] =	sst s10  }
0x32: {  	s10 =	sld [smem:$0x3FAE];
	_ =	sdelay $0x3  }
0x33: {  	p0 =	seq.s32 s10, $0x1;
	s10 =	sld [smem:$0x3FB0];
	_ =	sdelay $0x3  }
0x34: {  	[smem:$0x3FB0] =	sst s10  }
0x35: {  	s10 =	sld [smem:$0x3FAF];
	_ =	sdelay $0x3  }
0x36: {  	p1 =	seq.s32 s10, $0x1;
	s10 =	sld [smem:$0x3FB0];
	_ =	sdelay $0x3  }
0x37: {  	[smem:$0x3FB0] =	sst s10  }
0x38: {  	s10 =	sld [smem:$0x3FB1]  }
0x39: {  	_ = 	snop;
	(pc) =	sbr.ind lr, $3  }
0x3a: {  	_ = 	snop  }
0x3b: {  	_ = 	snop  }
0x3c: {  	p2 =	seq.s32 s10, $0x1;
	s10 =	sld [smem:$0x3FB0]  }
0x3d: {  	_ =	shalt  }
0x3e: {  	_ =	shalt  }
0x3f: {  	_ =	shalt  }
0x40: {  	_ =	shalt  }
0x41: {  	_ =	shalt  }
0x42: {  	_ =	shalt  }
0x43: {  	_ =	shalt  }
0x44: {  	_ =	shalt  }
0x45: {  	_ =	shalt  }
0x46: {  	_ =	shalt  }
0x47: {  	_ =	shalt  }
0x48: {  	_ =	shalt  }
0x49: {  	_ =	shalt  }
0x4a: {  	_ =	shalt  }
0x4b: {  	_ =	shalt  }
0x4c: {  	_ =	shalt  }
0x4d: {  	_ =	shalt  }
0x4e: {  	_ =	shalt  }
0x4f: {  	_ =	shalt  }
0x50: {  	_ =	shalt  }
0x51: {  	_ =	shalt  }
0x52: {  	_ =	shalt  }
0x53: {  	_ =	shalt  }
0x54: {  	_ =	shalt  }
0x55: {  	_ =	shalt  }
0x56: {  	_ =	shalt  }
0x57: {  	_ =	shalt  }
0x58: {  	_ =	shalt  }
0x59: {  	_ =	shalt  }
0x5a: {  	_ =	shalt  }
0x5b: {  	_ =	shalt  }
0x5c: {  	_ =	shalt  }
0x5d: {  	_ =	shalt  }
0x5e: {  	_ =	shalt  }
0x5f: {  	_ =	shalt  }
0x60: {  	_ =	shalt  }
0x61: {  	_ =	shalt  }
0x62: {  	_ =	shalt  }
0x63: {  	_ =	shalt  }
0x64: {  	_ =	shalt  }
0x65: {  	_ =	shalt  }
0x66: {  	_ =	shalt  }
0x67: {  	_ =	shalt  }
0x68: {  	_ =	shalt  }
0x69: {  	_ =	shalt  }
0x6a: {  	_ =	shalt  }
0x6b: {  	_ =	shalt  }
0x6c: {  	_ =	shalt  }
0x6d: {  	_ =	shalt  }
0x6e: {  	_ =	shalt  }
0x6f: {  	_ =	shalt  }
0x70: {  	_ =	shalt  }
0x71: {  	_ =	shalt  }
0x72: {  	_ =	shalt  }
0x73: {  	_ =	shalt  }
0x74: {  	_ =	shalt  }
0x75: {  	_ =	shalt  }
0x76: {  	_ =	shalt  }
0x77: {  	_ =	shalt  }
0x78: {  	_ =	shalt  }
0x79: {  	_ =	shalt  }
0x7a: {  	_ =	shalt  }
0x7b: {  	_ =	shalt  }
0x7c: {  	_ =	shalt  }
0x7d: {  	_ =	shalt  }
0x7e: {  	_ =	shalt  }
0x7f: {  	_ =	shalt  }
0x80: {  	_ =	shalt  }
0x81: {  	_ =	shalt  }
0x82: {  	_ =	shalt  }
0x83: {  	_ =	shalt  }
0x84: {  	_ =	shalt  }
0x85: {  	_ =	shalt  }
0x86: {  	_ =	shalt  }
0x87: {  	_ =	shalt  }
.Lfunc_end0:
.L_simem_size_0:
called_computation.2_lowered:
.L_overlay_start_0:
0x88: {  	s2 =	sld [smem:$0x3FD9]  }
0x89: {  	s3 =	sld [smem:$0x3FFE];
	_ =	sdelay $0x1  }
0x8a: {  	s1 =	srdreg.scid  }
0x8b: {  	s0 =	sand.u32 $0x1, s1  }
0x8c: {  	s16 =	sshll.u32 s0, $0xA;
	s2 =	sadd.s32 s3, s2  }
0x8d: {  	s2 =	sadd.s32 s2, s16  }
0x8e: {  	[smem:$0x3FBC] =	sst s2  }
0x8f: {  	_ = 	snop  }
0x90: {  	(tm) =	ssettm $0x1  }
0x91: {  	s17 =	sld [smem:$0x3FFB];
	_ =	sdelay $0x3  }
0x92: {  	_ =	strace s17  }
0x93: {  	s2 =	sld [smem:$0x3FFC];
	_ =	sdelay $0x3  }
0x94: {  	_ =	strace s2  }
0x95: {  	s2 =	sld [smem:$0x3FFD];
	_ =	sdelay $0x3  }
0x96: {  	_ =	strace s2  }
0x97: {  	_ =	strace $0x8FFFFFFF  }
0x98: {  	s18 =	sld [smem:$0x3FDB];
	_ =	sdelay $0x1  }
0x99: {  	s19 =	simm.s32 $_scs_section_size  }
0x9a: {  	s4 =	simm.s32 $_size__tile_overlayer_lowered;
	s5 =	simm.s32 $_tile_overlayer_lowered  }
0x9b: {  	s22 =	simm.s32 $0x1BFF;
	s21 =	sshll.u32 s5, $0x1;
	s2 =	sadd.s32 s19, s18  }
0x9c: {  	s6 =	simm.s32 $0x0;
	s20 =	sshll.u32 s4, $0x1;
	s4 =	sadd.s32 s21, s2  }
0x9d: {  	[timem:s6], [sflag:s22] =	dma.local [hbm:s4], s20  }
0x9e: {  	_ =	swait.ge [sflag:s22], s20  }
0x9f: {  	s3 =	ssub.s32 $0x0, s20;
	[sflag:s22] =	ssyncset.done $0x0  }
0xa0: {  	[sflag:s22] =	ssyncadd.s32 s3;
	_ =	sdelay $0x1  }
0xa1: {  	s23 =	simm.s32 $0x1B8B  }
0xa2: {  	_ =	swait.ge [sflag:s23], $0x1  }
0xa3: {  	[sflag:s23] =	ssyncset.done $0x0  }
0xa4: {  	s25 =	simm.s32 $0x1B8E;
	s24 =	sld [smem:$0x3FFE];
	[sflag:s23] =	ssyncadd.s32 $0xFFFFFFFF  }
0xa5: {  	s26 =	simm.s32 $execute0_lowered;
	[smem:$0x3FD2] =	sst s25  }
0xa6: {  	s4 =	sshll.u32 s26, $0x1;
	_ =	strace $0x8000004C;
	[dreg:$0x1] =	wrdreg $0xFFFFFFFF  }
0xa7: {  	s28 =	simm.s32 $_size_execute0_lowered;
	s2 =	sadd.s32 s2, s4;
	[dreg:$0x0] =	wrdreg $0x0  }
0xa8: {  	s4 =	sshll.u32 s28, $0x1;
	[dreg:$0x2] =	wrdreg s2  }
0xa9: {  	[dreg:$0x3] =	wrdreg s4  }
0xaa: {  	[dreg:$0x4] =	wrdreg $0xC0  }
0xab: {  	_ =	task [dreg:s6], $0x5FFFF  }
0xac: {  	[dreg:$0x1] =	wrdreg $0xFFFFFFFF  }
0xad: {  	[dreg:$0x0] =	wrdreg $0x60  }
0xae: {  	[dreg:$0x2] =	wrdreg s24  }
0xaf: {  	[dreg:$0x3] =	wrdreg $0xB7800  }
0xb0: {  	[dreg:$0x4] =	wrdreg $0x9  }
0xb1: {  	_ =	task.clear_ibuf [dreg:s6], $0x5FFFF;
	_ =	strace $0x9000004C  }
0xb2: {  	s29 =	simm.s32 $0x9;
	_ =	strace $0x8000004E  }
0xb3: {  	_ =	swait.ge [sflag:s29], $0x1  }
0xb4: {  	[sflag:s29] =	ssyncadd.s32 $0xFFFFFFFF  }
0xb5: {  	_ =	strace $0x9000004E  }
0xb6: {  	_ =	sfence  }
0xb7: {  	s30 =	sld [smem:$0x0];
	_ =	sdelay $0x2  }
0xb8: {  	s31 =	sshll.u32 s1, $0xD;
	s1 =	sshrl.u32 s1, $0x2  }
0xb9: {  	s3 =	sand.u32 $0x4000, s31;
	s1 =	sadd.s32 s1, s30  }
0xba: {  	s0 =	sor.u32 s3, s0;
	s1 =	sshll.u32 s1, $0x11  }
0xbb: {  	s0 =	sor.u32 s1, s0  }
0xbc: {  	s0 =	sadd.s32 $0x8F2B, s0  }
0xbd: {  	[sflag:s0] =	ssyncadd.remote.s32 $0x1  }
0xbe: {  	_ =	sfence.sel $0xFFFF  }
0xbf: {  	[dreg:$0x0] =	wrdreg $0xFFFFFFFF;
	(pc) =	sbr.abs _section_cstart, $3  }
0xc0: {  	[dreg:$0x1] =	wrdreg $0xFFFFFFFF  }
0xc1: {  	_ =	task.clear_ibuf [dreg:s6], $0x2FFFF;
	_ =	strace $0x9FFFFFFF  }
0xc2: {  	(tm) =	ssettm $0x7FFFFFFF  }
0xc3: {  	_ =	shalt  }
tec
execute0_lowered:
.L_overlay_start_1:
0x0: {  	(tag) =	ssettag $0x1  }
0x1: {  	s0 =	srdreg.scid  }
0x2: {  	s5 =	rddreg [dreg:$0x0];
	s24 =	stileid.u32  }
0x3: {  	s2 =	rddreg [dreg:$0x1];
	s20 =	simm.s32 $0x400;
	s21 =	simm.s32 $0x3  }
0x4: {  	s22 =	simm.s32 $0x2780;
	s23 =	simm.s32 $0x6780;
	s28 =	simm.s32 $0x2  }
0x5: {  	s29 =	simm.s32 $0x6580;
	s30 =	simm.s32 $0x0;
	s9 =	smul.u32 $0x13C00, s24  }
0x6: {  	s1 =	sand.u32 $0x1, s0;
	s7 =	sshll.u32 s24, $0x7;
	s10 =	smul.u32 $0x4F000, s24  }
0x7: {  	s3 =	sshll.u32 s1, $0x4;
	s7 =	sand.u32 $0x380, s7;
	s8 =	smul.u32 $0x13C000, s1  }
0x8: {  	s1 =	ssub.s32 $0x2, s1;
	s6 =	sor.u32 s24, s3;
	s3 =	simm.s32 $0x0  }
0x9: {  	s26 =	sshrl.u32 s1, $0x1;
	s31 =	sshrl.u32 s10, $0x2;
	s24 =	simm.s32 $0x50  }
0xa: {  	s4 =	sshrl.u32 s6, $0x3;
	[smem:$0x7FF] =	sst s3;
	s6 =	sshll.u32 s6, $0xB  }
0xb: {  	s25 =	sadd.s32 s9, s8;
	s1 =	ssub.s32 s1, s26;
	s4 =	smul.u32 $0x13C00, s4  }
0xc: {  	s26 =	simm.s32 $0x8F80;
	_ =	strace $0x8000004D;
	s11 =	sadd.s32 s6, s5  }
0xd: {  	s6 =	sshrl.u32 s25, $0x3;
	s18 =	smax.u32 s1, $0x1;
	s7 =	sor.u32 s7, s4  }
0xe: {  	s25 =	simm.s32 $0x1;
	s17 =	sadd.s32 s6, s5;
	s7 =	sshrl.u32 s7, $0x3  }
0xf: {  	s4 =	sadd.s32 $0x13A00, s5;
	s17 =	sadd.s32 $0x6C800, s17;
	s7 =	sadd.s32 s7, s5  }
0x10: {  	s5 =	sadd.s32 s31, s2;
	s6 =	sadd.s32 $0x62A00, s7;
	s7 =	sadd.s32 $0x3A00, s11  }
0x11: {  	s8 =	sadd.s32 $0x2000, s5;
	s9 =	sadd.s32 $0x4000, s5;
	s10 =	sadd.s32 $0x6000, s5  }
0x12: {  	s11 =	sadd.s32 $0x8000, s5;
	s12 =	sadd.s32 $0xA000, s5;
	s13 =	sadd.s32 $0xC000, s5  }
0x13: {  	v0 =	vimm.f32 $0.0e+00;
	s14 =	sadd.s32 $0xE000, s5;
	s15 =	sadd.s32 $0x10000, s5;
	s16 =	sadd.s32 $0x12000, s5  }
.LBB2_1:
0x14: {  	s0 =	simm.s32 $0x80  }
0x15: {  	[tilespmem:s3], [sflag:$0x3] =	stream.strided.gather [hbm4b:s6+s0], $0x2780, s20, s0, $0x38;
	[tilespmem:$0x1F380] =	vst v63  }
0x16: {  	_ =	swait.ge [sflag:s21], $0x2780  }
0x17: {  	[sflag:s21] =	ssyncset.done $0x0  }
0x18: {  	[sflag:s21] =	ssyncadd.s32 $0xFFFFD880  }
0x19: {  	[tilespmem:s22], [sflag:$0x3] =	stream.linear.gather [hbm4b:s7+s3], $0x3E80, $0x38;
	[tilespmem:$0x1F380] =	vst v63  }
0x1a: {  	_ =	swait.ge [sflag:s21], $0x3E80  }
0x1b: {  	[sflag:s21] =	ssyncset.done $0x0  }
0x1c: {  	s1 =	simm.s32 $0x0;
	s31 =	simm.s32 $0x200;
	[sflag:s21] =	ssyncadd.s32 $0xFFFFC180  }
.LBB2_2:
0x1d: {  	p0 =	sne.s32 s31, $0x9E00;
	[tilespmem:s1+$0x67F0] =	vst v0  }
0x1e: {  	[tilespmem:s1+$0x6780] =	vst v0  }
0x1f: {  	[tilespmem:s1+$0x6790] =	vst v0  }
.Ltmp0:
0x20: {  	[tilespmem:s1+$0x67A0] =	vst v0;
	(pc) =	sbr.rel @p0 .LBB2_2-.Ltmp0, $4  }
0x21: {  	[tilespmem:s1+$0x67B0] =	vst v0  }
0x22: {  	[tilespmem:s1+$0x67C0] =	vst v0  }
0x23: {  	[tilespmem:s1+$0x67D0] =	vst v0  }
0x24: {  	[tilespmem:s1+$0x67E0] =	vst v0;
	s1 =	sshra.s32 s31, $0x2;
	s31 =	sadd.s32 $0x200, s31  }
0x25: {  	[tilespmem:s1+$0x67F0] =	vst v0  }
0x26: {  	[tilespmem:s1+$0x6780] =	vst v0  }
0x27: {  	[tilespmem:s1+$0x6790] =	vst v0  }
0x28: {  	[tilespmem:s1+$0x67A0] =	vst v0  }
0x29: {  	[tilespmem:s1+$0x67B0] =	vst v0  }
0x2a: {  	[tilespmem:s1+$0x67C0] =	vst v0  }
0x2b: {  	[tilespmem:s1+$0x67D0] =	vst v0  }
0x2c: {  	[tilespmem:s1+$0x67E0] =	vst v0  }
0x2d: {  	[spmem:s5] =	stream.linear.scatter [tilespmem:s23], [sflag:$0x3], $0x2000, $0x38;
	[tilespmem:$0x1F380] =	vst v63  }
0x2e: {  	_ =	swait.ge [sflag:s21], $0x2000  }
0x2f: {  	[sflag:s21] =	ssyncset.done $0x0  }
0x30: {  	[sflag:s21] =	ssyncadd.s32 $0xFFFFE000  }
0x31: {  	[spmem:s8] =	stream.linear.scatter [tilespmem:s23], [sflag:$0x3], $0x2000, $0x38;
	[tilespmem:$0x1F380] =	vst v63  }
0x32: {  	_ =	swait.ge [sflag:s21], $0x2000  }
0x33: {  	[sflag:s21] =	ssyncset.done $0x0  }
0x34: {  	[sflag:s21] =	ssyncadd.s32 $0xFFFFE000  }
0x35: {  	[spmem:s9] =	stream.linear.scatter [tilespmem:s23], [sflag:$0x3], $0x2000, $0x38;
	[tilespmem:$0x1F380] =	vst v63  }
0x36: {  	_ =	swait.ge [sflag:s21], $0x2000  }
0x37: {  	[sflag:s21] =	ssyncset.done $0x0  }
0x38: {  	[sflag:s21] =	ssyncadd.s32 $0xFFFFE000  }
0x39: {  	[spmem:s10] =	stream.linear.scatter [tilespmem:s23], [sflag:$0x3], $0x2000, $0x38;
	[tilespmem:$0x1F380] =	vst v63  }
0x3a: {  	_ =	swait.ge [sflag:s21], $0x2000  }
0x3b: {  	[sflag:s21] =	ssyncset.done $0x0  }
0x3c: {  	[sflag:s21] =	ssyncadd.s32 $0xFFFFE000  }
0x3d: {  	[spmem:s11] =	stream.linear.scatter [tilespmem:s23], [sflag:$0x3], $0x2000, $0x38;
	[tilespmem:$0x1F380] =	vst v63  }
0x3e: {  	_ =	swait.ge [sflag:s21], $0x2000  }
0x3f: {  	[sflag:s21] =	ssyncset.done $0x0  }
0x40: {  	[sflag:s21] =	ssyncadd.s32 $0xFFFFE000  }
0x41: {  	[spmem:s12] =	stream.linear.scatter [tilespmem:s23], [sflag:$0x3], $0x2000, $0x38;
	[tilespmem:$0x1F380] =	vst v63  }
0x42: {  	_ =	swait.ge [sflag:s21], $0x2000  }
0x43: {  	[sflag:s21] =	ssyncset.done $0x0  }
0x44: {  	[sflag:s21] =	ssyncadd.s32 $0xFFFFE000  }
0x45: {  	[spmem:s13] =	stream.linear.scatter [tilespmem:s23], [sflag:$0x3], $0x2000, $0x38;
	[tilespmem:$0x1F380] =	vst v63  }
0x46: {  	_ =	swait.ge [sflag:s21], $0x2000  }
0x47: {  	[sflag:s21] =	ssyncset.done $0x0  }
0x48: {  	[sflag:s21] =	ssyncadd.s32 $0xFFFFE000  }
0x49: {  	[spmem:s14] =	stream.linear.scatter [tilespmem:s23], [sflag:$0x3], $0x2000, $0x38;
	[tilespmem:$0x1F380] =	vst v63  }
0x4a: {  	_ =	swait.ge [sflag:s21], $0x2000  }
0x4b: {  	[sflag:s21] =	ssyncset.done $0x0  }
0x4c: {  	[sflag:s21] =	ssyncadd.s32 $0xFFFFE000  }
0x4d: {  	[spmem:s15] =	stream.linear.scatter [tilespmem:s23], [sflag:$0x3], $0x2000, $0x38;
	[tilespmem:$0x1F380] =	vst v63  }
0x4e: {  	_ =	swait.ge [sflag:s21], $0x2000  }
0x4f: {  	[sflag:s21] =	ssyncset.done $0x0  }
0x50: {  	[sflag:s21] =	ssyncadd.s32 $0xFFFFE000  }
0x51: {  	[spmem:s16] =	stream.linear.scatter [tilespmem:s23], [sflag:$0x3], $0x1C00, $0x38;
	[tilespmem:$0x1F380] =	vst v63  }
0x52: {  	_ =	swait.ge [sflag:s21], $0x1C00  }
0x53: {  	[sflag:s21] =	ssyncset.done $0x0  }
0x54: {  	[sflag:s21] =	ssyncadd.s32 $0xFFFFE400  }
0x55: {  	s0 =	simm.s32 $0x0;
	[bflag:$0x0] =	sbarrier.arrive $0xFFFF  }
0x56: {  	[tilespmem:s23], [sflag:$0x1] =	stream.indirect.gather [hbm4b:s4+s24], $0x80, s0, s24, $0xb8;
	[tilespmem:$0x1F380] =	vst v63  }
0x57: {  	_ =	swait.ge [sflag:s25], $0x2800  }
0x58: {  	[sflag:s25] =	ssyncset.done $0x0  }
0x59: {  	s19 =	simm.s32 $0x50;
	[sflag:s25] =	ssyncadd.s32 $0xFFFFD800  }
0x5a: {  	[tilespmem:s26], [sflag:$0x2] =	stream.indirect.gather [hbm4b:s4+s24], $0x80, s19, s24, $0xb8;
	[tilespmem:$0x1F380] =	vst v63  }
0x5b: {  	s0 =	simm.s32 $0x2780  }
0x5c: {  	[spmem:s2] =	stream.indirect.scatter.add.f32 [tilespmem:s23], [sflag:$0x3], $0x80, s0, s24, $0xb8;
	[tilespmem:$0x1F380] =	vst v63  }
0x5d: {  	_ =	swait.ge [sflag:s21], $0x2800  }
0x5e: {  	[sflag:s21] =	ssyncset.done $0x0  }
0x5f: {  	[sflag:s21] =	ssyncadd.s32 $0xFFFFD800  }
0x60: {  	_ =	swait.ge [sflag:s28], $0x2800  }
0x61: {  	[sflag:s28] =	ssyncset.done $0x0  }
0x62: {  	s31 =	simm.s32 $0xA0;
	[sflag:s28] =	ssyncadd.s32 $0xFFFFD800  }
0x63: {  	[tilespmem:s23], [sflag:$0x1] =	stream.indirect.gather [hbm4b:s4+s24], $0x80, s31, s24, $0xb8;
	[tilespmem:$0x1F380] =	vst v63  }
0x64: {  	s19 =	simm.s32 $0x2800  }
0x65: {  	[spmem:s2] =	stream.indirect.scatter.add.f32 [tilespmem:s26], [sflag:$0x3], $0x80, s19, s24, $0xb8;
	[tilespmem:$0x1F380] =	vst v63  }
0x66: {  	_ =	swait.ge [sflag:s21], $0x2800  }
0x67: {  	s1 =	simm.s32 $0x400;
	[sflag:s21] =	ssyncset.done $0x0  }
.LBB2_4:
0x68: {  	p0 =	sne.s32 s1, $0xF400;
	[sflag:s21] =	ssyncadd.s32 $0xFFFFD800;
	s31 =	sadd.s32 $0xA0, s31  }
0x69: {  	s0 =	smov.u32 s1;
	s1 =	sadd.s32 $0x400, s1  }
0x6a: {  	_ =	swait.ge [sflag:s25], $0x2800  }
0x6b: {  	[sflag:s25] =	ssyncset.done $0x0  }
0x6c: {  	s19 =	sadd.s32 $0xFFFFFFB0, s31;
	s0 =	sshra.s32 s0, $0x2;
	[sflag:s25] =	ssyncadd.s32 $0xFFFFD800  }
0x6d: {  	[tilespmem:s26], [sflag:$0x2] =	stream.indirect.gather [hbm4b:s4+s24], $0x80, s19, s24, $0xb8;
	[tilespmem:$0x1F380] =	vst v63  }
0x6e: {  	s19 =	sadd.s32 $0x2780, s0  }
0x6f: {  	[spmem:s2] =	stream.indirect.scatter.add.f32 [tilespmem:s23], [sflag:$0x3], $0x80, s19, s24, $0xb8;
	[tilespmem:$0x1F380] =	vst v63  }
0x70: {  	_ =	swait.ge [sflag:s21], $0x2800  }
0x71: {  	[sflag:s21] =	ssyncset.done $0x0  }
0x72: {  	[sflag:s21] =	ssyncadd.s32 $0xFFFFD800  }
0x73: {  	_ =	swait.ge [sflag:s28], $0x2800  }
0x74: {  	[sflag:s28] =	ssyncset.done $0x0  }
0x75: {  	[sflag:s28] =	ssyncadd.s32 $0xFFFFD800  }
0x76: {  	[tilespmem:s23], [sflag:$0x1] =	stream.indirect.gather [hbm4b:s4+s24], $0x80, s31, s24, $0xb8;
	[tilespmem:$0x1F380] =	vst v63  }
.Ltmp1:
0x77: {  	_ = 	snop;
	(pc) =	sbr.rel @p0 .LBB2_4-.Ltmp1, $4  }
0x78: {  	s0 =	sadd.s32 $0x2800, s0  }
0x79: {  	[spmem:s2] =	stream.indirect.scatter.add.f32 [tilespmem:s26], [sflag:$0x3], $0x80, s0, s24, $0xb8;
	[tilespmem:$0x1F380] =	vst v63  }
0x7a: {  	_ =	swait.ge [sflag:s21], $0x2800  }
0x7b: {  	[sflag:s21] =	ssyncset.done $0x0  }
0x7c: {  	[sflag:s21] =	ssyncadd.s32 $0xFFFFD800  }
0x7d: {  	_ =	swait.ge [sflag:s25], $0x2800  }
0x7e: {  	[sflag:s25] =	ssyncset.done $0x0  }
0x7f: {  	[sflag:s25] =	ssyncadd.s32 $0xFFFFD800  }
0x80: {  	[spmem:s2] =	stream.indirect.scatter.add.f32 [tilespmem:s23], [sflag:$0x3], $0x80, s29, s24, $0xb8;
	[tilespmem:$0x1F380] =	vst v63  }
0x81: {  	s0 =	stileid.u32;
	_ =	swait.ge [sflag:s21], $0x2800  }
0x82: {  	s1 =	sshrl.u32 s5, $0x3;
	s30 =	sadd.s32 $0x1, s30;
	[sflag:s21] =	ssyncset.done $0x0  }
0x83: {  	s0 =	sshll.u32 s0, $0x6;
	p0 =	sne.s32 s30, s18;
	[sflag:s21] =	ssyncadd.s32 $0xFFFFD800  }
.Ltmp2:
0x84: {  	s0 =	sor.u32 $0x1C03, s0;
	[bflag:$0x0] =	sbarrier.arrive $0xFFFF;
	(pc) =	sbr.rel @p0 .LBB2_1-.Ltmp2, $4  }
0x85: {  	[hbm:s17], [sflag:s0] =	dma.local [spmem:s1], $0x2780  }
0x86: {  	_ =	swait.ge [sflag:s21], $0x2780  }
0x87: {  	[sflag:s21] =	ssyncset.done $0x0  }
0x88: {  	[sflag:s21] =	ssyncadd.s32 $0xFFFFD880  }
0x89: {  	_ =	sfence.sel $0x180000  }
0x8a: {  	[bflag:$0x0] =	sbarrier.arrive $0xFFFF  }
0x8b: {  	_ =	strace $0x9000004D  }
0x8c: {  	s0 =	stileid.u32;
	[bflag:$0x2] =	sbarrier.arrive $0xFFFF  }
0x8d: {  	p0 =	sne.s32 s0, $0x0;
	s0 =	rddreg [dreg:$0x2]  }
0x8e: {  	s0 =	sadd.s32 @!p0 $0x100000, s0  }
0x8f: {  	[sflag:s0] =	ssyncadd.tile.s32 @!p0 $0x1;
	_ =	shalt  }
.Lfunc_end2:
_tile_overlayer_lowered:
.L_overlay_start_2:
0x90: {  	(tag) =	ssettag $0x2  }
0x91: {  	s0 =	rddreg [dreg:$0x0];
	s2 =	stileid.u32  }
0x92: {  	s1 =	rddreg [dreg:$0x1];
	p0 =	sne.s32 s2, $0x0  }
0x93: {  	s3 =	rddreg [dreg:$0x2];
	[bflag:$0x3] =	sbarrier.arrive $0xFFFF;
	s2 =	simm.s32 @!p0 $0x1C03  }
0x94: {  	[timem:s3], [sflag:s2] =	dma.local @!p0 [hbm:s0], s1  }
0x95: {  	s0 =	simm.s32 @!p0 $0x3  }
0x96: {  	_ =	swait.ge @!p0 [sflag:s0], s1  }
0x97: {  	s1 =	ssub.s32 @!p0 $0x0, s1;
	[sflag:s0] =	ssyncset.done @!p0 $0x0  }
0x98: {  	[sflag:s0] =	ssyncadd.s32 @!p0 s1  }
0x99: {  	[bflag:$0x3] =	sbarrier.arrive $0xFFFF  }
0x9a: {  	_ =	shalt  }

// kernel: kernel.19.cloned.1.call-start
scs
__scs_entry_jumppad:
0x0: {  	(pc) =	sbr.rel $0x88, $3  }
0x1: {  	(tag) =	ssettag $0x0;
	lr =	simm.s32 $0x1  }
0x2: {  	[smem:$0x3F95] =	sst lr;
	_ =	strace $0xD0000000  }
0x3: {  	_ = 	snop  }
0x4: {  	_ = 	snop  }
0x5: {  	_ = 	snop  }
0x6: {  	_ = 	snop  }
0x7: {  	_ = 	snop  }
__scs_overlays_trampoline_lowered:
0x8: {  	[smem:$0x3FA4] =	sst s0  }
0x9: {  	[smem:$0x3FA5] =	sst s1  }
0xa: {  	[smem:$0x3FA6] =	sst s2  }
0xb: {  	[smem:$0x3FA7] =	sst s3  }
0xc: {  	[smem:$0x3FA8] =	sst s4  }
0xd: {  	[smem:$0x3FA9] =	sst s5  }
0xe: {  	[smem:$0x3FAA] =	sst s6  }
0xf: {  	[smem:$0x3FAB] =	sst s7  }
0x10: {  	[smem:$0x3FAC] =	sst s8  }
0x11: {  	[smem:$0x3FAD] =	sst s9;
	s0 =	simm.s32 @!p0 $0x0  }
0x12: {  	s1 =	sld [smem:$0x3F93];
	s0 =	simm.s32 @p0 $0x1  }
0x13: {  	[smem:$0x3FAE] =	sst s0;
	s0 =	simm.s32 @!p1 $0x0  }
0x14: {  	s2 =	sld [smem:$0x3F92];
	s0 =	simm.s32 @p1 $0x1  }
0x15: {  	[smem:$0x3FAF] =	sst s0;
	s0 =	simm.s32 @!p2 $0x0  }
0x16: {  	s3 =	sld [smem:$0x3FDB];
	s0 =	simm.s32 @p2 $0x1  }
0x17: {  	s4 =	simm.s32 $0x1BF5;
	[smem:$0x3FB1] =	sst s0  }
0x18: {  	s0 =	sld [smem:$0x3F94];
	_ =	swait.ge [sflag:s4], $0x0  }
0x19: {  	s7 =	sld [smem:$0x3F95]  }
0x1a: {  	s8 =	sadd.s32 $0xFFFFE003, lr  }
0x1b: {  	s9 =	sadd.s32 $0xFFFFFEF7, lr;
	s5 =	simm.s32 $0xFFFFFFFF;
	p2 =	slt.u32 s8, $0xFFFFF086  }
0x1c: {  	p1 =	slt.u32 s9, $0xF7A;
	s5 =	simm.s32 @!p2 $0x0  }
0x1d: {  	s5 =	simm.s32 @p1 $0x1;
	p0 =	seq.s32 s7, s2  }
0x1e: {  	s7 =	smul.u32 @!p0 $0xF7A, s2;
	p2 =	seq.s32 @!p0 s5, $0x0  }
0x1f: {  	s9 =	smul.u32 $0xF7A, s1;
	s8 =	simm.s32 @!p0 $0x1BF5;
	p2 =	por !p2, p0  }
0x20: {  	[sflag:s8] =	ssyncset.s32 @!p0 $0xFFFFF086;
	s6 =	sadd.s32 @!p0 s3, s7;
	s7 =	simm.s32 @!p0 $0x108  }
0x21: {  	s3 =	sadd.s32 s3, s9;
	s6 =	sadd.s32 @!p0 $0x88, s6;
	s7 =	simm.s32 @p2 $0x1082  }
0x22: {  	[simem:s7], [sflag:s8] =	dma.local @!p0 [hbm:s6], $0xF7A  }
0x23: {  	s9 =	sor.u32 $0xD0000000, s2;
	s6 =	simm.s32 $0x108;
	_ =	swait.ge @!p0 [sflag:s8], $0x0  }
0x24: {  	s3 =	sadd.s32 $0x88, s3;
	s6 =	simm.s32 @!p1 $0x1082;
	[sflag:s4] =	ssyncset.s32 $0xFFFFF086  }
0x25: {  	[simem:s6], [sflag:s4] =	dma.local [hbm:s3], $0xF7A  }
0x26: {  	[smem:$0x3F95] =	sst s1;
	(tag) =	ssettag s2;
	_ =	strace s9  }
0x27: {  	s1 =	sld [smem:$0x3FA5]  }
0x28: {  	s2 =	sld [smem:$0x3FA6]  }
0x29: {  	s4 =	sld [smem:$0x3FA8]  }
0x2a: {  	p0 =	seq.s32 s5, $0x0;
	s5 =	sld [smem:$0x3FA9]  }
0x2b: {  	s6 =	sld [smem:$0x3FAA]  }
0x2c: {  	s7 =	sld [smem:$0x3FAB]  }
0x2d: {  	s3 =	simm.s32 $0x108;
	s8 =	sld [smem:$0x3FAC]  }
0x2e: {  	s3 =	simm.s32 @!p0 $0x1082;
	s9 =	sld [smem:$0x3FAD]  }
0x2f: {  	lr =	sadd.s32 s0, s3;
	s0 =	sld [smem:$0x3FA4]  }
0x30: {  	s3 =	sld [smem:$0x3FA7]  }
0x31: {  	[smem:$0x3FB0] =	sst s10  }
0x32: {  	s10 =	sld [smem:$0x3FAE];
	_ =	sdelay $0x3  }
0x33: {  	p0 =	seq.s32 s10, $0x1;
	s10 =	sld [smem:$0x3FB0];
	_ =	sdelay $0x3  }
0x34: {  	[smem:$0x3FB0] =	sst s10  }
0x35: {  	s10 =	sld [smem:$0x3FAF];
	_ =	sdelay $0x3  }
0x36: {  	p1 =	seq.s32 s10, $0x1;
	s10 =	sld [smem:$0x3FB0];
	_ =	sdelay $0x3  }
0x37: {  	[smem:$0x3FB0] =	sst s10  }
0x38: {  	s10 =	sld [smem:$0x3FB1]  }
0x39: {  	_ = 	snop;
	(pc) =	sbr.ind lr, $3  }
0x3a: {  	_ = 	snop  }
0x3b: {  	_ = 	snop  }
0x3c: {  	p2 =	seq.s32 s10, $0x1;
	s10 =	sld [smem:$0x3FB0]  }
0x3d: {  	_ =	shalt  }
0x3e: {  	_ =	shalt  }
0x3f: {  	_ =	shalt  }
0x40: {  	_ =	shalt  }
0x41: {  	_ =	shalt  }
0x42: {  	_ =	shalt  }
0x43: {  	_ =	shalt  }
0x44: {  	_ =	shalt  }
0x45: {  	_ =	shalt  }
0x46: {  	_ =	shalt  }
0x47: {  	_ =	shalt  }
0x48: {  	_ =	shalt  }
0x49: {  	_ =	shalt  }
0x4a: {  	_ =	shalt  }
0x4b: {  	_ =	shalt  }
0x4c: {  	_ =	shalt  }
0x4d: {  	_ =	shalt  }
0x4e: {  	_ =	shalt  }
0x4f: {  	_ =	shalt  }
0x50: {  	_ =	shalt  }
0x51: {  	_ =	shalt  }
0x52: {  	_ =	shalt  }
0x53: {  	_ =	shalt  }
0x54: {  	_ =	shalt  }
0x55: {  	_ =	shalt  }
0x56: {  	_ =	shalt  }
0x57: {  	_ =	shalt  }
0x58: {  	_ =	shalt  }
0x59: {  	_ =	shalt  }
0x5a: {  	_ =	shalt  }
0x5b: {  	_ =	shalt  }
0x5c: {  	_ =	shalt  }
0x5d: {  	_ =	shalt  }
0x5e: {  	_ =	shalt  }
0x5f: {  	_ =	shalt  }
0x60: {  	_ =	shalt  }
0x61: {  	_ =	shalt  }
0x62: {  	_ =	shalt  }
0x63: {  	_ =	shalt  }
0x64: {  	_ =	shalt  }
0x65: {  	_ =	shalt  }
0x66: {  	_ =	shalt  }
0x67: {  	_ =	shalt  }
0x68: {  	_ =	shalt  }
0x69: {  	_ =	shalt  }
0x6a: {  	_ =	shalt  }
0x6b: {  	_ =	shalt  }
0x6c: {  	_ =	shalt  }
0x6d: {  	_ =	shalt  }
0x6e: {  	_ =	shalt  }
0x6f: {  	_ =	shalt  }
0x70: {  	_ =	shalt  }
0x71: {  	_ =	shalt  }
0x72: {  	_ =	shalt  }
0x73: {  	_ =	shalt  }
0x74: {  	_ =	shalt  }
0x75: {  	_ =	shalt  }
0x76: {  	_ =	shalt  }
0x77: {  	_ =	shalt  }
0x78: {  	_ =	shalt  }
0x79: {  	_ =	shalt  }
0x7a: {  	_ =	shalt  }
0x7b: {  	_ =	shalt  }
0x7c: {  	_ =	shalt  }
0x7d: {  	_ =	shalt  }
0x7e: {  	_ =	shalt  }
0x7f: {  	_ =	shalt  }
0x80: {  	_ =	shalt  }
0x81: {  	_ =	shalt  }
0x82: {  	_ =	shalt  }
0x83: {  	_ =	shalt  }
0x84: {  	_ =	shalt  }
0x85: {  	_ =	shalt  }
0x86: {  	_ =	shalt  }
0x87: {  	_ =	shalt  }
.Lfunc_end0:
.L_simem_size_0:
called_computation.3_lowered:
.L_overlay_start_0:
0x88: {  	s2 =	sld [smem:$0x3FD9]  }
0x89: {  	s3 =	sld [smem:$0x3FFE];
	_ =	sdelay $0x1  }
0x8a: {  	s1 =	srdreg.scid  }
0x8b: {  	s0 =	sand.u32 $0x1, s1  }
0x8c: {  	s16 =	sshll.u32 s0, $0xA;
	s2 =	sadd.s32 s3, s2  }
0x8d: {  	s2 =	sadd.s32 s2, s16  }
0x8e: {  	[smem:$0x3FBC] =	sst s2  }
0x8f: {  	_ = 	snop  }
0x90: {  	(tm) =	ssettm $0x1  }
0x91: {  	s17 =	sld [smem:$0x3FFB];
	_ =	sdelay $0x3  }
0x92: {  	_ =	strace s17  }
0x93: {  	s2 =	sld [smem:$0x3FFC];
	_ =	sdelay $0x3  }
0x94: {  	_ =	strace s2  }
0x95: {  	s2 =	sld [smem:$0x3FFD];
	_ =	sdelay $0x3  }
0x96: {  	_ =	strace s2  }
0x97: {  	_ =	strace $0x8FFFFFFF  }
0x98: {  	s18 =	sld [smem:$0x3FDB];
	_ =	sdelay $0x1  }
0x99: {  	s19 =	simm.s32 $_scs_section_size  }
0x9a: {  	s4 =	simm.s32 $_size__tile_overlayer_lowered;
	s5 =	simm.s32 $_tile_overlayer_lowered  }
0x9b: {  	s22 =	simm.s32 $0x1BFF;
	s21 =	sshll.u32 s5, $0x1;
	s2 =	sadd.s32 s19, s18  }
0x9c: {  	s6 =	simm.s32 $0x0;
	s20 =	sshll.u32 s4, $0x1;
	s4 =	sadd.s32 s21, s2  }
0x9d: {  	[timem:s6], [sflag:s22] =	dma.local [hbm:s4], s20  }
0x9e: {  	_ =	swait.ge [sflag:s22], s20  }
0x9f: {  	s3 =	ssub.s32 $0x0, s20;
	[sflag:s22] =	ssyncset.done $0x0  }
0xa0: {  	[sflag:s22] =	ssyncadd.s32 s3;
	_ =	sdelay $0x1  }
0xa1: {  	s23 =	simm.s32 $0x1B8B  }
0xa2: {  	_ =	swait.ge [sflag:s23], $0x1  }
0xa3: {  	[sflag:s23] =	ssyncset.done $0x0  }
0xa4: {  	s25 =	simm.s32 $0x1B8E;
	s24 =	sld [smem:$0x3FFE];
	[sflag:s23] =	ssyncadd.s32 $0xFFFFFFFF  }
0xa5: {  	s26 =	simm.s32 $execute0_lowered;
	[smem:$0x3FD2] =	sst s25  }
0xa6: {  	s4 =	sshll.u32 s26, $0x1;
	_ =	strace $0x8000004F;
	[dreg:$0x1] =	wrdreg $0xFFFFFFFF  }
0xa7: {  	s28 =	simm.s32 $_size_execute0_lowered;
	s2 =	sadd.s32 s2, s4;
	[dreg:$0x0] =	wrdreg $0x0  }
0xa8: {  	s4 =	sshll.u32 s28, $0x1;
	[dreg:$0x2] =	wrdreg s2  }
0xa9: {  	[dreg:$0x3] =	wrdreg s4  }
0xaa: {  	[dreg:$0x4] =	wrdreg $0xC0  }
0xab: {  	_ =	task [dreg:s6], $0x5FFFF  }
0xac: {  	[dreg:$0x1] =	wrdreg $0xFFFFFFFF  }
0xad: {  	[dreg:$0x0] =	wrdreg $0x60  }
0xae: {  	[dreg:$0x2] =	wrdreg s24  }
0xaf: {  	[dreg:$0x3] =	wrdreg $0xB7800  }
0xb0: {  	[dreg:$0x4] =	wrdreg $0x9  }
0xb1: {  	_ =	task.clear_ibuf [dreg:s6], $0x5FFFF;
	_ =	strace $0x9000004F  }
0xb2: {  	s29 =	simm.s32 $0x9;
	_ =	strace $0x80000051  }
0xb3: {  	_ =	swait.ge [sflag:s29], $0x1  }
0xb4: {  	[sflag:s29] =	ssyncadd.s32 $0xFFFFFFFF  }
0xb5: {  	_ =	strace $0x90000051  }
0xb6: {  	_ =	sfence  }
0xb7: {  	s30 =	sld [smem:$0x0];
	_ =	sdelay $0x2  }
0xb8: {  	s31 =	sshll.u32 s1, $0xD;
	s1 =	sshrl.u32 s1, $0x2  }
0xb9: {  	s3 =	sand.u32 $0x4000, s31;
	s1 =	sadd.s32 s1, s30  }
0xba: {  	s0 =	sor.u32 s3, s0;
	s1 =	sshll.u32 s1, $0x11  }
0xbb: {  	s0 =	sor.u32 s1, s0  }
0xbc: {  	s0 =	sadd.s32 $0x8F2B, s0  }
0xbd: {  	[sflag:s0] =	ssyncadd.remote.s32 $0x1  }
0xbe: {  	_ =	sfence.sel $0xFFFF  }
0xbf: {  	[dreg:$0x0] =	wrdreg $0xFFFFFFFF;
	(pc) =	sbr.abs _section_cstart, $3  }
0xc0: {  	[dreg:$0x1] =	wrdreg $0xFFFFFFFF  }
0xc1: {  	_ =	task.clear_ibuf [dreg:s6], $0x2FFFF;
	_ =	strace $0x9FFFFFFF  }
0xc2: {  	(tm) =	ssettm $0x7FFFFFFF  }
0xc3: {  	_ =	shalt  }
tec
execute0_lowered:
.L_overlay_start_1:
0x0: {  	(tag) =	ssettag $0x1  }
0x1: {  	s0 =	srdreg.scid  }
0x2: {  	s5 =	rddreg [dreg:$0x0];
	s24 =	stileid.u32  }
0x3: {  	s2 =	rddreg [dreg:$0x1];
	s20 =	simm.s32 $0x400;
	s21 =	simm.s32 $0x3  }
0x4: {  	s22 =	simm.s32 $0x2780;
	s23 =	simm.s32 $0x6780;
	s28 =	simm.s32 $0x2  }
0x5: {  	s29 =	simm.s32 $0x6580;
	s30 =	simm.s32 $0x0;
	s9 =	smul.u32 $0x13C00, s24  }
0x6: {  	s1 =	sand.u32 $0x1, s0;
	s7 =	sshll.u32 s24, $0x7;
	s10 =	smul.u32 $0x4F000, s24  }
0x7: {  	s3 =	sshll.u32 s1, $0x4;
	s7 =	sand.u32 $0x380, s7;
	s8 =	smul.u32 $0x13C000, s1  }
0x8: {  	s1 =	ssub.s32 $0x2, s1;
	s6 =	sor.u32 s24, s3;
	s3 =	simm.s32 $0x0  }
0x9: {  	s26 =	sshrl.u32 s1, $0x1;
	s31 =	sshrl.u32 s10, $0x2;
	s24 =	simm.s32 $0x50  }
0xa: {  	s4 =	sshrl.u32 s6, $0x3;
	[smem:$0x7FF] =	sst s3;
	s6 =	sshll.u32 s6, $0xB  }
0xb: {  	s25 =	sadd.s32 s9, s8;
	s1 =	ssub.s32 s1, s26;
	s4 =	smul.u32 $0x13C00, s4  }
0xc: {  	s26 =	simm.s32 $0x8F80;
	_ =	strace $0x80000050;
	s11 =	sadd.s32 s6, s5  }
0xd: {  	s6 =	sshrl.u32 s25, $0x3;
	s18 =	smax.u32 s1, $0x1;
	s7 =	sor.u32 s7, s4  }
0xe: {  	s25 =	simm.s32 $0x1;
	s17 =	sadd.s32 s6, s5;
	s7 =	sshrl.u32 s7, $0x3  }
0xf: {  	s4 =	sadd.s32 $0x13A00, s5;
	s17 =	sadd.s32 $0x6C800, s17;
	s7 =	sadd.s32 s7, s5  }
0x10: {  	s5 =	sadd.s32 s31, s2;
	s6 =	sadd.s32 $0x62A00, s7;
	s7 =	sadd.s32 $0x3A00, s11  }
0x11: {  	s8 =	sadd.s32 $0x2000, s5;
	s9 =	sadd.s32 $0x4000, s5;
	s10 =	sadd.s32 $0x6000, s5  }
0x12: {  	s11 =	sadd.s32 $0x8000, s5;
	s12 =	sadd.s32 $0xA000, s5;
	s13 =	sadd.s32 $0xC000, s5  }
0x13: {  	v0 =	vimm.f32 $0.0e+00;
	s14 =	sadd.s32 $0xE000, s5;
	s15 =	sadd.s32 $0x10000, s5;
	s16 =	sadd.s32 $0x12000, s5  }
.LBB2_1:
0x14: {  	s0 =	simm.s32 $0x80  }
0x15: {  	[tilespmem:s3], [sflag:$0x3] =	stream.strided.gather [hbm4b:s6+s0], $0x2780, s20, s0, $0x38;
	[tilespmem:$0x1F380] =	vst v63  }
0x16: {  	_ =	swait.ge [sflag:s21], $0x2780  }
0x17: {  	[sflag:s21] =	ssyncset.done $0x0  }
0x18: {  	[sflag:s21] =	ssyncadd.s32 $0xFFFFD880  }
0x19: {  	[tilespmem:s22], [sflag:$0x3] =	stream.linear.gather [hbm4b:s7+s3], $0x3E80, $0x38;
	[tilespmem:$0x1F380] =	vst v63  }
0x1a: {  	_ =	swait.ge [sflag:s21], $0x3E80  }
0x1b: {  	[sflag:s21] =	ssyncset.done $0x0  }
0x1c: {  	s1 =	simm.s32 $0x0;
	s31 =	simm.s32 $0x200;
	[sflag:s21] =	ssyncadd.s32 $0xFFFFC180  }
.LBB2_2:
0x1d: {  	p0 =	sne.s32 s31, $0x9E00;
	[tilespmem:s1+$0x67F0] =	vst v0  }
0x1e: {  	[tilespmem:s1+$0x6780] =	vst v0  }
0x1f: {  	[tilespmem:s1+$0x6790] =	vst v0  }
.Ltmp0:
0x20: {  	[tilespmem:s1+$0x67A0] =	vst v0;
	(pc) =	sbr.rel @p0 .LBB2_2-.Ltmp0, $4  }
0x21: {  	[tilespmem:s1+$0x67B0] =	vst v0  }
0x22: {  	[tilespmem:s1+$0x67C0] =	vst v0  }
0x23: {  	[tilespmem:s1+$0x67D0] =	vst v0  }
0x24: {  	[tilespmem:s1+$0x67E0] =	vst v0;
	s1 =	sshra.s32 s31, $0x2;
	s31 =	sadd.s32 $0x200, s31  }
0x25: {  	[tilespmem:s1+$0x67F0] =	vst v0  }
0x26: {  	[tilespmem:s1+$0x6780] =	vst v0  }
0x27: {  	[tilespmem:s1+$0x6790] =	vst v0  }
0x28: {  	[tilespmem:s1+$0x67A0] =	vst v0  }
0x29: {  	[tilespmem:s1+$0x67B0] =	vst v0  }
0x2a: {  	[tilespmem:s1+$0x67C0] =	vst v0  }
0x2b: {  	[tilespmem:s1+$0x67D0] =	vst v0  }
0x2c: {  	[tilespmem:s1+$0x67E0] =	vst v0  }
0x2d: {  	[spmem:s5] =	stream.linear.scatter [tilespmem:s23], [sflag:$0x3], $0x2000, $0x38;
	[tilespmem:$0x1F380] =	vst v63  }
0x2e: {  	_ =	swait.ge [sflag:s21], $0x2000  }
0x2f: {  	[sflag:s21] =	ssyncset.done $0x0  }
0x30: {  	[sflag:s21] =	ssyncadd.s32 $0xFFFFE000  }
0x31: {  	[spmem:s8] =	stream.linear.scatter [tilespmem:s23], [sflag:$0x3], $0x2000, $0x38;
	[tilespmem:$0x1F380] =	vst v63  }
0x32: {  	_ =	swait.ge [sflag:s21], $0x2000  }
0x33: {  	[sflag:s21] =	ssyncset.done $0x0  }
0x34: {  	[sflag:s21] =	ssyncadd.s32 $0xFFFFE000  }
0x35: {  	[spmem:s9] =	stream.linear.scatter [tilespmem:s23], [sflag:$0x3], $0x2000, $0x38;
	[tilespmem:$0x1F380] =	vst v63  }
0x36: {  	_ =	swait.ge [sflag:s21], $0x2000  }
0x37: {  	[sflag:s21] =	ssyncset.done $0x0  }
0x38: {  	[sflag:s21] =	ssyncadd.s32 $0xFFFFE000  }
0x39: {  	[spmem:s10] =	stream.linear.scatter [tilespmem:s23], [sflag:$0x3], $0x2000, $0x38;
	[tilespmem:$0x1F380] =	vst v63  }
0x3a: {  	_ =	swait.ge [sflag:s21], $0x2000  }
0x3b: {  	[sflag:s21] =	ssyncset.done $0x0  }
0x3c: {  	[sflag:s21] =	ssyncadd.s32 $0xFFFFE000  }
0x3d: {  	[spmem:s11] =	stream.linear.scatter [tilespmem:s23], [sflag:$0x3], $0x2000, $0x38;
	[tilespmem:$0x1F380] =	vst v63  }
0x3e: {  	_ =	swait.ge [sflag:s21], $0x2000  }
0x3f: {  	[sflag:s21] =	ssyncset.done $0x0  }
0x40: {  	[sflag:s21] =	ssyncadd.s32 $0xFFFFE000  }
0x41: {  	[spmem:s12] =	stream.linear.scatter [tilespmem:s23], [sflag:$0x3], $0x2000, $0x38;
	[tilespmem:$0x1F380] =	vst v63  }
0x42: {  	_ =	swait.ge [sflag:s21], $0x2000  }
0x43: {  	[sflag:s21] =	ssyncset.done $0x0  }
0x44: {  	[sflag:s21] =	ssyncadd.s32 $0xFFFFE000  }
0x45: {  	[spmem:s13] =	stream.linear.scatter [tilespmem:s23], [sflag:$0x3], $0x2000, $0x38;
	[tilespmem:$0x1F380] =	vst v63  }
0x46: {  	_ =	swait.ge [sflag:s21], $0x2000  }
0x47: {  	[sflag:s21] =	ssyncset.done $0x0  }
0x48: {  	[sflag:s21] =	ssyncadd.s32 $0xFFFFE000  }
0x49: {  	[spmem:s14] =	stream.linear.scatter [tilespmem:s23], [sflag:$0x3], $0x2000, $0x38;
	[tilespmem:$0x1F380] =	vst v63  }
0x4a: {  	_ =	swait.ge [sflag:s21], $0x2000  }
0x4b: {  	[sflag:s21] =	ssyncset.done $0x0  }
0x4c: {  	[sflag:s21] =	ssyncadd.s32 $0xFFFFE000  }
0x4d: {  	[spmem:s15] =	stream.linear.scatter [tilespmem:s23], [sflag:$0x3], $0x2000, $0x38;
	[tilespmem:$0x1F380] =	vst v63  }
0x4e: {  	_ =	swait.ge [sflag:s21], $0x2000  }
0x4f: {  	[sflag:s21] =	ssyncset.done $0x0  }
0x50: {  	[sflag:s21] =	ssyncadd.s32 $0xFFFFE000  }
0x51: {  	[spmem:s16] =	stream.linear.scatter [tilespmem:s23], [sflag:$0x3], $0x1C00, $0x38;
	[tilespmem:$0x1F380] =	vst v63  }
0x52: {  	_ =	swait.ge [sflag:s21], $0x1C00  }
0x53: {  	[sflag:s21] =	ssyncset.done $0x0  }
0x54: {  	[sflag:s21] =	ssyncadd.s32 $0xFFFFE400  }
0x55: {  	s0 =	simm.s32 $0x0;
	[bflag:$0x0] =	sbarrier.arrive $0xFFFF  }
0x56: {  	[tilespmem:s23], [sflag:$0x1] =	stream.indirect.gather [hbm4b:s4+s24], $0x80, s0, s24, $0xb8;
	[tilespmem:$0x1F380] =	vst v63  }
0x57: {  	_ =	swait.ge [sflag:s25], $0x2800  }
0x58: {  	[sflag:s25] =	ssyncset.done $0x0  }
0x59: {  	s19 =	simm.s32 $0x50;
	[sflag:s25] =	ssyncadd.s32 $0xFFFFD800  }
0x5a: {  	[tilespmem:s26], [sflag:$0x2] =	stream.indirect.gather [hbm4b:s4+s24], $0x80, s19, s24, $0xb8;
	[tilespmem:$0x1F380] =	vst v63  }
0x5b: {  	s0 =	simm.s32 $0x2780  }
0x5c: {  	[spmem:s2] =	stream.indirect.scatter.add.f32 [tilespmem:s23], [sflag:$0x3], $0x80, s0, s24, $0xb8;
	[tilespmem:$0x1F380] =	vst v63  }
0x5d: {  	_ =	swait.ge [sflag:s21], $0x2800  }
0x5e: {  	[sflag:s21] =	ssyncset.done $0x0  }
0x5f: {  	[sflag:s21] =	ssyncadd.s32 $0xFFFFD800  }
0x60: {  	_ =	swait.ge [sflag:s28], $0x2800  }
0x61: {  	[sflag:s28] =	ssyncset.done $0x0  }
0x62: {  	s31 =	simm.s32 $0xA0;
	[sflag:s28] =	ssyncadd.s32 $0xFFFFD800  }
0x63: {  	[tilespmem:s23], [sflag:$0x1] =	stream.indirect.gather [hbm4b:s4+s24], $0x80, s31, s24, $0xb8;
	[tilespmem:$0x1F380] =	vst v63  }
0x64: {  	s19 =	simm.s32 $0x2800  }
0x65: {  	[spmem:s2] =	stream.indirect.scatter.add.f32 [tilespmem:s26], [sflag:$0x3], $0x80, s19, s24, $0xb8;
	[tilespmem:$0x1F380] =	vst v63  }
0x66: {  	_ =	swait.ge [sflag:s21], $0x2800  }
0x67: {  	s1 =	simm.s32 $0x400;
	[sflag:s21] =	ssyncset.done $0x0  }
.LBB2_4:
0x68: {  	p0 =	sne.s32 s1, $0xF400;
	[sflag:s21] =	ssyncadd.s32 $0xFFFFD800;
	s31 =	sadd.s32 $0xA0, s31  }
0x69: {  	s0 =	smov.u32 s1;
	s1 =	sadd.s32 $0x400, s1  }
0x6a: {  	_ =	swait.ge [sflag:s25], $0x2800  }
0x6b: {  	[sflag:s25] =	ssyncset.done $0x0  }
0x6c: {  	s19 =	sadd.s32 $0xFFFFFFB0, s31;
	s0 =	sshra.s32 s0, $0x2;
	[sflag:s25] =	ssyncadd.s32 $0xFFFFD800  }
0x6d: {  	[tilespmem:s26], [sflag:$0x2] =	stream.indirect.gather [hbm4b:s4+s24], $0x80, s19, s24, $0xb8;
	[tilespmem:$0x1F380] =	vst v63  }
0x6e: {  	s19 =	sadd.s32 $0x2780, s0  }
0x6f: {  	[spmem:s2] =	stream.indirect.scatter.add.f32 [tilespmem:s23], [sflag:$0x3], $0x80, s19, s24, $0xb8;
	[tilespmem:$0x1F380] =	vst v63  }
0x70: {  	_ =	swait.ge [sflag:s21], $0x2800  }
0x71: {  	[sflag:s21] =	ssyncset.done $0x0  }
0x72: {  	[sflag:s21] =	ssyncadd.s32 $0xFFFFD800  }
0x73: {  	_ =	swait.ge [sflag:s28], $0x2800  }
0x74: {  	[sflag:s28] =	ssyncset.done $0x0  }
0x75: {  	[sflag:s28] =	ssyncadd.s32 $0xFFFFD800  }
0x76: {  	[tilespmem:s23], [sflag:$0x1] =	stream.indirect.gather [hbm4b:s4+s24], $0x80, s31, s24, $0xb8;
	[tilespmem:$0x1F380] =	vst v63  }
.Ltmp1:
0x77: {  	_ = 	snop;
	(pc) =	sbr.rel @p0 .LBB2_4-.Ltmp1, $4  }
0x78: {  	s0 =	sadd.s32 $0x2800, s0  }
0x79: {  	[spmem:s2] =	stream.indirect.scatter.add.f32 [tilespmem:s26], [sflag:$0x3], $0x80, s0, s24, $0xb8;
	[tilespmem:$0x1F380] =	vst v63  }
0x7a: {  	_ =	swait.ge [sflag:s21], $0x2800  }
0x7b: {  	[sflag:s21] =	ssyncset.done $0x0  }
0x7c: {  	[sflag:s21] =	ssyncadd.s32 $0xFFFFD800  }
0x7d: {  	_ =	swait.ge [sflag:s25], $0x2800  }
0x7e: {  	[sflag:s25] =	ssyncset.done $0x0  }
0x7f: {  	[sflag:s25] =	ssyncadd.s32 $0xFFFFD800  }
0x80: {  	[spmem:s2] =	stream.indirect.scatter.add.f32 [tilespmem:s23], [sflag:$0x3], $0x80, s29, s24, $0xb8;
	[tilespmem:$0x1F380] =	vst v63  }
0x81: {  	s0 =	stileid.u32;
	_ =	swait.ge [sflag:s21], $0x2800  }
0x82: {  	s1 =	sshrl.u32 s5, $0x3;
	s30 =	sadd.s32 $0x1, s30;
	[sflag:s21] =	ssyncset.done $0x0  }
0x83: {  	s0 =	sshll.u32 s0, $0x6;
	p0 =	sne.s32 s30, s18;
	[sflag:s21] =	ssyncadd.s32 $0xFFFFD800  }
.Ltmp2:
0x84: {  	s0 =	sor.u32 $0x1C03, s0;
	[bflag:$0x0] =	sbarrier.arrive $0xFFFF;
	(pc) =	sbr.rel @p0 .LBB2_1-.Ltmp2, $4  }
0x85: {  	[hbm:s17], [sflag:s0] =	dma.local [spmem:s1], $0x2780  }
0x86: {  	_ =	swait.ge [sflag:s21], $0x2780  }
0x87: {  	[sflag:s21] =	ssyncset.done $0x0  }
0x88: {  	[sflag:s21] =	ssyncadd.s32 $0xFFFFD880  }
0x89: {  	_ =	sfence.sel $0x180000  }
0x8a: {  	[bflag:$0x0] =	sbarrier.arrive $0xFFFF  }
0x8b: {  	_ =	strace $0x90000050  }
0x8c: {  	s0 =	stileid.u32;
	[bflag:$0x2] =	sbarrier.arrive $0xFFFF  }
0x8d: {  	p0 =	sne.s32 s0, $0x0;
	s0 =	rddreg [dreg:$0x2]  }
0x8e: {  	s0 =	sadd.s32 @!p0 $0x100000, s0  }
0x8f: {  	[sflag:s0] =	ssyncadd.tile.s32 @!p0 $0x1;
	_ =	shalt  }
.Lfunc_end2:
_tile_overlayer_lowered:
.L_overlay_start_2:
0x90: {  	(tag) =	ssettag $0x2  }
0x91: {  	s0 =	rddreg [dreg:$0x0];
	s2 =	stileid.u32  }
0x92: {  	s1 =	rddreg [dreg:$0x1];
	p0 =	sne.s32 s2, $0x0  }
0x93: {  	s3 =	rddreg [dreg:$0x2];
	[bflag:$0x3] =	sbarrier.arrive $0xFFFF;
	s2 =	simm.s32 @!p0 $0x1C03  }
0x94: {  	[timem:s3], [sflag:s2] =	dma.local @!p0 [hbm:s0], s1  }
0x95: {  	s0 =	simm.s32 @!p0 $0x3  }
0x96: {  	_ =	swait.ge @!p0 [sflag:s0], s1  }
0x97: {  	s1 =	ssub.s32 @!p0 $0x0, s1;
	[sflag:s0] =	ssyncset.done @!p0 $0x0  }
0x98: {  	[sflag:s0] =	ssyncadd.s32 @!p0 s1  }
0x99: {  	[bflag:$0x3] =	sbarrier.arrive $0xFFFF  }
0x9a: {  	_ =	shalt  }

</sc_bundles>
